<compile_context>
chip_gen: v7x
topology: tpu7x:2x2x1
jax: 0.10.2.dev20260603
libtpu: 0.0.44.dev20260713+nightly
codegen_flags: <defaults>
</compile_context>

<pallas_src>
import functools

import jax
import jax.numpy as jnp
from jax import lax
from jax.experimental import pallas as pl
from jax.experimental.pallas import tpu as pltpu
from jax.experimental.pallas import tpu_sc as plsc

_N = 10000
_E = 320000
_D = 128
_G = 64

_NC = 2
_NS = 16
_NW = _NC * _NS
_EW = _E // _NW
_KE = 125
_NCH = _EW // _KE
_SEG = 16
_SEGN = _NCH // _SEG
_RZ = 104
_WT = 624
_WTAIL = _N - _NS * _WT

_R = 2000
_NB = _N // _R


def _sc_mesh():
    return plsc.VectorSubcoreMesh(core_axis_name="c", subcore_axis_name="s")


def _sc_deg(ei):

    @functools.partial(
        pl.kernel,
        out_type=jax.ShapeDtypeStruct((_NC, _N), jnp.float32),
        mesh=_sc_mesh(),
        scratch_types=[
            pltpu.VMEM((_SEGN, _SEG, _KE), jnp.int32),
            pltpu.VMEM((_KE,), jnp.float32),
            pltpu.VMEM((_N,), jnp.float32),
            pltpu.SemaphoreType.DMA,
            pltpu.VMEM_SHARED((_N,), jnp.float32),
        ],
    )
    def deg_kernel(ei_hbm, out_hbm, didx_v, ones_v, zero_v, sem, deg_sh):
        c = lax.axis_index("c")
        s = lax.axis_index("s")
        wid = c * _NS + s

        pltpu.sync_copy(ei_hbm.at[1, wid], didx_v)

        def fill_ones(i, carry):
            ones_v[pl.ds(i * 16, 16)] = jnp.ones((16,), jnp.float32)
            return carry

        lax.fori_loop(0, _KE // 16, fill_ones, 0)
        ones_v[pl.ds(_KE - 16, 16)] = jnp.ones((16,), jnp.float32)

        @pl.when(s == 0)
        def _():
            def fill_zero(i, carry):
                zero_v[pl.ds(i * 16, 16)] = jnp.zeros((16,), jnp.float32)
                return carry

            lax.fori_loop(0, _N // 16, fill_zero, 0)
            pltpu.sync_copy(zero_v, deg_sh)

        plsc.subcore_barrier()

        _GRP = 8

        def grp(sg, carry):
            def grp2(gg, carry2):
                for t in range(_GRP):
                    pltpu.async_copy(
                        ones_v, deg_sh.at[didx_v.at[sg, gg * _GRP + t]],
                        sem, add=True)
                for t in range(_GRP):
                    pltpu.make_async_copy(ones_v, deg_sh.at[didx_v.at[0, 0]],
                                          sem).wait()
                return carry2

            lax.fori_loop(0, _SEG // _GRP, grp2, 0)
            return carry

        lax.fori_loop(0, _SEGN, grp, 0)
        plsc.subcore_barrier()

        @pl.when(s == 0)
        def _():
            pltpu.sync_copy(deg_sh, out_hbm.at[c])

    return deg_kernel(ei)


def _sc_edge_agg(hs, ei):

    @functools.partial(
        pl.kernel,
        out_type=jax.ShapeDtypeStruct((_NC, _N, _D), jnp.float32),
        mesh=_sc_mesh(),
        scratch_types=[
            pltpu.VMEM((_SEG, _KE), jnp.int32),
            pltpu.VMEM((_SEG, _KE), jnp.int32),
            pltpu.VMEM((_KE, _D), jnp.float32),
            pltpu.VMEM((_KE, _D), jnp.float32),
            pltpu.SemaphoreType.DMA,
            pltpu.SemaphoreType.DMA,
            pltpu.VMEM_SHARED((_N, _D), jnp.float32),
        ],
    )
    def agg_kernel(hs_hbm, ei_hbm, out_hbm, sidx_v, didx_v,
                   rows0_v, rows1_v, sem0, sem1, agg_sh):
        c = lax.axis_index("c")
        s = lax.axis_index("s")
        wid = c * _NS + s

        def zrow(i, carry):
            for j in range(_D // 16):
                rows0_v[i, pl.ds(j * 16, 16)] = jnp.zeros((16,), jnp.float32)
            return carry

        lax.fori_loop(0, _KE, zrow, 0)

        def zchunk(k, carry):
            pltpu.sync_copy(rows0_v.at[pl.ds(0, _RZ)],
                            agg_sh.at[pl.ds(s * _WT + k * _RZ, _RZ)])
            return carry

        lax.fori_loop(0, _WT // _RZ, zchunk, 0)

        @pl.when(s == 0)
        def _():
            pltpu.sync_copy(rows0_v.at[pl.ds(0, _WTAIL)],
                            agg_sh.at[pl.ds(_NS * _WT, _WTAIL)])

        plsc.subcore_barrier()

        def seg_body(sg, carry):
            pltpu.sync_copy(ei_hbm.at[0, wid, sg], sidx_v)
            pltpu.sync_copy(ei_hbm.at[1, wid, sg], didx_v)
            pltpu.async_copy(hs_hbm.at[sidx_v.at[0]], rows0_v, sem0)

            def step(g, carry2):
                j0 = 2 * g
                pltpu.async_copy(hs_hbm.at[sidx_v.at[j0 + 1]], rows1_v, sem1)
                pltpu.make_async_copy(hs_hbm.at[sidx_v.at[0]], rows0_v,
                                      sem0).wait()
                pltpu.sync_copy(rows0_v, agg_sh.at[didx_v.at[j0]], add=True)
                pltpu.async_copy(hs_hbm.at[sidx_v.at[j0 + 2]], rows0_v, sem0)
                pltpu.make_async_copy(hs_hbm.at[sidx_v.at[0]], rows1_v,
                                      sem1).wait()
                pltpu.sync_copy(rows1_v, agg_sh.at[didx_v.at[j0 + 1]],
                                add=True)
                return carry2

            lax.fori_loop(0, (_SEG - 2) // 2, step, 0)
            pltpu.async_copy(hs_hbm.at[sidx_v.at[_SEG - 1]], rows1_v, sem1)
            pltpu.make_async_copy(hs_hbm.at[sidx_v.at[0]], rows0_v,
                                  sem0).wait()
            pltpu.sync_copy(rows0_v, agg_sh.at[didx_v.at[_SEG - 2]], add=True)
            pltpu.make_async_copy(hs_hbm.at[sidx_v.at[0]], rows1_v,
                                  sem1).wait()
            pltpu.sync_copy(rows1_v, agg_sh.at[didx_v.at[_SEG - 1]], add=True)
            return carry

        lax.fori_loop(0, _SEGN, seg_body, 0)
        plsc.subcore_barrier()
        pltpu.sync_copy(agg_sh.at[pl.ds(s * _WT, _WT)],
                        out_hbm.at[c, pl.ds(s * _WT, _WT)])

        @pl.when(s == 0)
        def _():
            pltpu.sync_copy(agg_sh.at[pl.ds(_NS * _WT, _WTAIL)],
                            out_hbm.at[c, pl.ds(_NS * _WT, _WTAIL)])

    return agg_kernel(hs, ei)


def _dinv_block(dega_ref, degb_ref):
    return lax.rsqrt(dega_ref[0] + degb_ref[0] + 1.0)


_DEG_SPECS = [
    pl.BlockSpec((1, _R, 1), lambda i: (0, i, 0)),
    pl.BlockSpec((1, _R, 1), lambda i: (1, i, 0)),
]

_AGG_SPECS = [
    pl.BlockSpec((1, _R, _D), lambda i: (0, i, 0)),
    pl.BlockSpec((1, _R, _D), lambda i: (1, i, 0)),
]


def _tc_scale_matmul(x, W0, degp3):

    def body(x_ref, w_ref, dega_ref, degb_ref, out_ref):
        dinv = _dinv_block(dega_ref, degb_ref)
        out_ref[...] = jnp.dot(x_ref[...], w_ref[...],
                               preferred_element_type=jnp.float32) * dinv

    return pl.pallas_call(
        body,
        grid=(_NB,),
        in_specs=[
            pl.BlockSpec((_R, _D), lambda i: (i, 0)),
            pl.BlockSpec((_D, _D), lambda i: (0, 0)),
        ] + _DEG_SPECS,
        out_specs=pl.BlockSpec((_R, _D), lambda i: (i, 0)),
        out_shape=jax.ShapeDtypeStruct((_N, _D), jnp.float32),
    )(x, W0, degp3, degp3)


def _ln_relu(z, g_ref, be_ref):
    mu = jnp.mean(z, axis=-1, keepdims=True)
    d = z - mu
    var = jnp.mean(d * d, axis=-1, keepdims=True)
    zn = d * lax.rsqrt(var + 1e-5) * g_ref[...] + be_ref[...]
    return jnp.maximum(zn, 0.0)


def _tc_layer0(aggp, hs0, degp3, b0, g0, be0, W1):

    def body(a_ref, b_ref, hs_ref, dega_ref, degb_ref, bias_ref, g_ref,
             be_ref, w_ref, h0_ref, hs1_ref):
        dinv = _dinv_block(dega_ref, degb_ref)
        z = (a_ref[0] + b_ref[0] + hs_ref[...]) * dinv + bias_ref[...]
        h0 = _ln_relu(z, g_ref, be_ref)
        h0_ref[...] = h0
        hs1_ref[...] = jnp.dot(h0, w_ref[...],
                               preferred_element_type=jnp.float32) * dinv

    return pl.pallas_call(
        body,
        grid=(_NB,),
        in_specs=_AGG_SPECS + [
            pl.BlockSpec((_R, _D), lambda i: (i, 0)),
        ] + _DEG_SPECS + [
            pl.BlockSpec((1, _D), lambda i: (0, 0)),
            pl.BlockSpec((1, _D), lambda i: (0, 0)),
            pl.BlockSpec((1, _D), lambda i: (0, 0)),
            pl.BlockSpec((_D, _D), lambda i: (0, 0)),
        ],
        out_specs=[
            pl.BlockSpec((_R, _D), lambda i: (i, 0)),
            pl.BlockSpec((_R, _D), lambda i: (i, 0)),
        ],
        out_shape=[
            jax.ShapeDtypeStruct((_N, _D), jnp.float32),
            jax.ShapeDtypeStruct((_N, _D), jnp.float32),
        ],
    )(aggp, aggp, hs0, degp3, degp3, b0, g0, be0, W1)


def _tc_layer1_pool_head(aggp, hs1, h0, degp3, b1, g1, be1,
                         batch3, fW1, fb1, fW2, fb2, fW3, fb3):

    def body(a_ref, b_ref, hs_ref, h0_ref, dega_ref, degb_ref, bias_ref,
             g_ref, be_ref, bt_ref, w1_ref, c1_ref, w2_ref, c2_ref, w3_ref,
             c3_ref, out_ref, psum_v, pcnt_v):
        dinv = _dinv_block(dega_ref, degb_ref)
        z = (a_ref[0] + b_ref[0] + hs_ref[...]) * dinv + bias_ref[...]
        h1 = _ln_relu(z, g_ref, be_ref) + h0_ref[...]
        bt = bt_ref[0]
        gi = lax.broadcasted_iota(jnp.int32, (_G, _R), 0)
        oh = jnp.where(gi == bt, jnp.float32(1.0), jnp.float32(0.0))
        ps = jnp.dot(oh, h1, preferred_element_type=jnp.float32)
        cnt = jnp.sum(oh, axis=1, keepdims=True) * jnp.ones(
            (1, _D), jnp.float32)

        @pl.when(pl.program_id(0) == 0)
        def _():
            psum_v[...] = ps
            pcnt_v[...] = cnt

        @pl.when(pl.program_id(0) != 0)
        def _():
            psum_v[...] += ps
            pcnt_v[...] += cnt

        @pl.when(pl.program_id(0) == _NB - 1)
        def _():
            pooled = psum_v[...] / jnp.maximum(pcnt_v[...], 1.0)
            y = jnp.maximum(jnp.dot(pooled, w1_ref[...],
                                    preferred_element_type=jnp.float32)
                            + c1_ref[...], 0.0)
            y = jnp.maximum(jnp.dot(y, w2_ref[...],
                                    preferred_element_type=jnp.float32)
                            + c2_ref[...], 0.0)
            y = jnp.dot(y, w3_ref[...],
                        preferred_element_type=jnp.float32) + c3_ref[...]
            out_ref[...] = jnp.tanh(y)

    return pl.pallas_call(
        body,
        grid=(_NB,),
        in_specs=_AGG_SPECS + [
            pl.BlockSpec((_R, _D), lambda i: (i, 0)),
            pl.BlockSpec((_R, _D), lambda i: (i, 0)),
        ] + _DEG_SPECS + [
            pl.BlockSpec((1, _D), lambda i: (0, 0)),
            pl.BlockSpec((1, _D), lambda i: (0, 0)),
            pl.BlockSpec((1, _D), lambda i: (0, 0)),
            pl.BlockSpec((1, 1, _R), lambda i: (i, 0, 0)),
            pl.BlockSpec((_D, 2 * _D), lambda i: (0, 0)),
            pl.BlockSpec((1, 2 * _D), lambda i: (0, 0)),
            pl.BlockSpec((2 * _D, 2 * _D), lambda i: (0, 0)),
            pl.BlockSpec((1, 2 * _D), lambda i: (0, 0)),
            pl.BlockSpec((2 * _D, _D), lambda i: (0, 0)),
            pl.BlockSpec((1, _D), lambda i: (0, 0)),
        ],
        out_specs=pl.BlockSpec((_G, _D), lambda i: (0, 0)),
        out_shape=jax.ShapeDtypeStruct((_G, _D), jnp.float32),
        scratch_shapes=[
            pltpu.VMEM((_G, _D), jnp.float32),
            pltpu.VMEM((_G, _D), jnp.float32),
        ],
    )(aggp, aggp, hs1, h0, degp3, degp3, b1, g1, be1, batch3,
      fW1, fb1, fW2, fb2, fW3, fb3)


def kernel(x, edge_index, batch, W0, b0, g0, be0, W1, b1, g1, be1,
           fW1, fb1, fW2, fb2, fW3, fb3):
    ei = edge_index.astype(jnp.int32).reshape(2, _NW, _SEGN, _SEG, _KE)

    degp3 = _sc_deg(ei).reshape(_NC, _N, 1)

    hs0 = _tc_scale_matmul(x, W0, degp3)
    aggp0 = _sc_edge_agg(hs0, ei)
    h0, hs1 = _tc_layer0(aggp0, hs0, degp3,
                         b0.reshape(1, _D), g0.reshape(1, _D),
                         be0.reshape(1, _D), W1)

    aggp1 = _sc_edge_agg(hs1, ei)
    batch3 = batch.astype(jnp.int32).reshape(_NB, 1, _R)
    return _tc_layer1_pool_head(aggp1, hs1, h0, degp3,
                                b1.reshape(1, _D), g1.reshape(1, _D),
                                be1.reshape(1, _D), batch3,
                                fW1, fb1.reshape(1, -1),
                                fW2, fb2.reshape(1, -1),
                                fW3, fb3.reshape(1, -1))

# --- scband reference (transcript-rebuilt; emitter-appended) ---
"""Pipeline reference for scband-residual-gnn-1889785610249 (READ-ONLY COPY).

The authoritative reference and input builder live on the scoring server;
editing this copy changes nothing except your own understanding.
"""

import jax, jax.numpy as jnp
import numpy as np

N = 10000
E = 320000
D = 128
C = 128
G = 64
FC = 2 * C


def setup_inputs(seed: int = 0) -> dict:
    key = jax.random.key(seed)
    ks = jax.random.split(key, 20)
    x = jax.random.normal(ks[0], (N, D), dtype=jnp.float32)
    edge_index = jax.random.randint(ks[1], (2, E), 0, N)
    batch = jnp.sort(jax.random.randint(ks[2], (N,), 0, G))
    def lin(k, fan_in, fan_out):
        s = 1.0 / np.sqrt(fan_in)
        kw, kb = jax.random.split(k)
        W = jax.random.uniform(kw, (fan_in, fan_out), minval=-s, maxval=s, dtype=jnp.float32)
        b = jax.random.uniform(kb, (fan_out,), minval=-s, maxval=s, dtype=jnp.float32)
        return W, b
    W0, b0 = lin(ks[3], D, D)
    W1, b1 = lin(ks[4], D, C)
    g0 = jnp.ones((D,), jnp.float32); be0 = jnp.zeros((D,), jnp.float32)
    g1 = jnp.ones((C,), jnp.float32); be1 = jnp.zeros((C,), jnp.float32)
    fW1, fb1 = lin(ks[5], C, FC)
    fW2, fb2 = lin(ks[6], FC, FC)
    fW3, fb3 = lin(ks[7], FC, C)
    return {"x": x, "edge_index": edge_index, "batch": batch,
            "W0": W0, "b0": b0, "g0": g0, "be0": be0,
            "W1": W1, "b1": b1, "g1": g1, "be1": be1,
            "fW1": fW1, "fb1": fb1, "fW2": fW2, "fb2": fb2, "fW3": fW3, "fb3": fb3}


def _gcn_conv(x, src, dst, W, b):
    # GCNConv: add self-loops, symmetric normalization, aggregate at dst
    h = x @ W
    loop = jnp.arange(N)
    s = jnp.concatenate([src, loop])
    d = jnp.concatenate([dst, loop])
    deg = jax.ops.segment_sum(jnp.ones_like(d, dtype=h.dtype), d, num_segments=N)
    dinv = jnp.where(deg > 0, 1.0 / jnp.sqrt(deg), 0.0)
    norm = dinv[s] * dinv[d]
    msg = h[s] * norm[:, None]
    out = jax.ops.segment_sum(msg, d, num_segments=N)
    return out + b


def _layernorm(x, g, b, eps=1e-5):
    mu = jnp.mean(x, axis=-1, keepdims=True)
    var = jnp.mean((x - mu) ** 2, axis=-1, keepdims=True)
    return (x - mu) / jnp.sqrt(var + eps) * g + b


def reference(x, edge_index, batch, W0, b0, g0, be0, W1, b1, g1, be1, fW1, fb1, fW2, fb2, fW3, fb3):
    src = edge_index[0]
    dst = edge_index[1]
    x_res = x
    # layer 0
    h = _gcn_conv(x, src, dst, W0, b0)
    h = _layernorm(h, g0, be0)
    h = jax.nn.relu(h)
    x_res = h
    # layer 1
    h = _gcn_conv(h, src, dst, W1, b1)
    h = _layernorm(h, g1, be1)
    h = jax.nn.relu(h)
    h = h + x_res  # residual (i > 0)
    # global mean pool
    sums = jax.ops.segment_sum(h, batch, num_segments=G)
    counts = jax.ops.segment_sum(jnp.ones((N,), h.dtype), batch, num_segments=G)
    pooled = sums / jnp.maximum(counts, 1.0)[:, None]
    # fc head (dropout=None -> identity)
    z = jax.nn.relu(pooled @ fW1 + fb1)
    z = jax.nn.relu(z @ fW2 + fb2)
    z = z @ fW3 + fb3
    return jnp.tanh(z)

if __name__ == "__main__":
    import jax
    _d = setup_inputs()
    print(jax.jit(kernel)(*tuple(_d.values())))

</pallas_src>

<mosaic_0001>
#map = affine_map<(d0, d1) -> (0, 0, 0, 0, 0)>
#map1 = affine_map<(d0, d1) -> (0, 0)>
module attributes {stable_mosaic.version = 14 : i64} {
  func.func @deg_kernel(%arg0: i32, %arg1: i32, %arg2: memref<2x32x5x16x125xi32, #tpu.memory_space<hbm>>, %arg3: memref<2x10000xf32, #tpu.memory_space<hbm>>, %arg4: memref<5x16x125xi32, #tpu.memory_space<vmem>>, %arg5: memref<125xf32, #tpu.memory_space<vmem>>, %arg6: memref<10000xf32, #tpu.memory_space<vmem>>, %arg7: memref<!tpu.dma_semaphore, #tpu.memory_space<semaphore_mem>>, %arg8: memref<10000xf32, #tpu.memory_space<vmem_shared>>) attributes {dimension_semantics = [#tpu.dimension_semantics<core_parallel>, #tpu.dimension_semantics<subcore_parallel>], iteration_bounds = array<i64: 2, 16>, scalar_prefetch = 0 : i64, scratch_operands = 5 : i64, tpu.core_type = #tpu.core_type<sc_vector_subcore>, window_params = [{transform_indices = #map}, {transform_indices = #map1}]} {
    %mul3A = arith.constant 16 : i32
    %mul3A_0 = arith.muli %arg0, %mul3A : i32
    %add3A = arith.addi %mul3A_0, %arg1 : i32
    %run_scoped3A = arith.constant 1 : i32
    "tpu.region"() ({
      %run_scoped3A_24 = tpu.sem_alloc : memref<!tpu.dma_semaphore, #tpu.memory_space<semaphore_mem>>
      %dma_start3A = arith.constant 0 : i32
      %dma_start3A_25 = arith.constant 0 : i32
      %dma_start3A_26 = arith.constant 0 : i32
      %dma_start3A_27 = tpu.memref_slice %arg2[%run_scoped3A, %add3A, %dma_start3A, %dma_start3A_25, %dma_start3A_26] : memref<2x32x5x16x125xi32, #tpu.memory_space<hbm>> -> memref<1x1x5x16x125xi32, #tpu.memory_space<hbm>>
      %dma_start3A_28 = tpu.memref_squeeze %dma_start3A_27 : memref<1x1x5x16x125xi32, #tpu.memory_space<hbm>> -> memref<5x16x125xi32, #tpu.memory_space<hbm>>
      %dma_start3A_29 = arith.constant 0 : i32
      %dma_start3A_30 = arith.constant 0 : i32
      %dma_start3A_31 = arith.constant 0 : i32
      %dma_start3A_32 = tpu.memref_slice %arg2[%run_scoped3A, %add3A, %dma_start3A_29, %dma_start3A_30, %dma_start3A_31] : memref<2x32x5x16x125xi32, #tpu.memory_space<hbm>> -> memref<1x1x5x16x125xi32, #tpu.memory_space<hbm>>
      %dma_start3A_33 = tpu.memref_squeeze %dma_start3A_32 : memref<1x1x5x16x125xi32, #tpu.memory_space<hbm>> -> memref<5x16x125xi32, #tpu.memory_space<hbm>>
      tpu.enqueue_dma source(%dma_start3A_33 : memref<5x16x125xi32, #tpu.memory_space<hbm>>) target(%arg4 : memref<5x16x125xi32, #tpu.memory_space<vmem>>) target_semaphore(%run_scoped3A_24 : memref<!tpu.dma_semaphore, #tpu.memory_space<semaphore_mem>>)
      %dma_wait3A = arith.constant 0 : i32
      %dma_wait3A_34 = arith.constant 0 : i32
      %dma_wait3A_35 = arith.constant 0 : i32
      %dma_wait3A_36 = tpu.memref_slice %arg2[%run_scoped3A, %add3A, %dma_wait3A, %dma_wait3A_34, %dma_wait3A_35] : memref<2x32x5x16x125xi32, #tpu.memory_space<hbm>> -> memref<1x1x5x16x125xi32, #tpu.memory_space<hbm>>
      %dma_wait3A_37 = tpu.memref_squeeze %dma_wait3A_36 : memref<1x1x5x16x125xi32, #tpu.memory_space<hbm>> -> memref<5x16x125xi32, #tpu.memory_space<hbm>>
      %dma_wait3A_38 = arith.constant 0 : i32
      %dma_wait3A_39 = arith.constant 0 : i32
      %dma_wait3A_40 = arith.constant 0 : i32
      %dma_wait3A_41 = tpu.memref_slice %arg2[%run_scoped3A, %add3A, %dma_wait3A_38, %dma_wait3A_39, %dma_wait3A_40] : memref<2x32x5x16x125xi32, #tpu.memory_space<hbm>> -> memref<1x1x5x16x125xi32, #tpu.memory_space<hbm>>
      %dma_wait3A_42 = tpu.memref_squeeze %dma_wait3A_41 : memref<1x1x5x16x125xi32, #tpu.memory_space<hbm>> -> memref<5x16x125xi32, #tpu.memory_space<hbm>>
      tpu.wait_dma2 semaphore(%run_scoped3A_24 : memref<!tpu.dma_semaphore, #tpu.memory_space<semaphore_mem>>) src(%dma_wait3A_42 : memref<5x16x125xi32, #tpu.memory_space<hbm>>) dst(%arg4 : memref<5x16x125xi32, #tpu.memory_space<vmem>>)
      tpu.yield
    }) : () -> ()
    %scan3A = arith.constant 0 : i32
    %scan3A_1 = arith.constant 0 : i32
    %scan3A_2 = arith.constant 7 : i32
    %scan3A_3 = arith.addi %scan3A_1, %scan3A_2 : i32
    %scan3A_4 = arith.constant 1 : i32
    scf.for %scan3A_24 = %scan3A_1 to %scan3A_3 step %scan3A_4  : i32 {
      %broadcast_in_dim3A_25 = arith.constant 1.000000e+00 : f32
      %broadcast_in_dim3A_26 = vector.broadcast %broadcast_in_dim3A_25 : f32 to vector<16xf32>
      %mul3A_27 = arith.constant 16 : i32
      %mul3A_28 = arith.muli %scan3A_24, %mul3A_27 : i32
      %swap3A_29 = arith.index_cast %mul3A_28 : i32 to index
      %swap3A_30 = tpu.vector_load %arg5[%swap3A_29] {strides = array<i32>} : memref<125xf32, #tpu.memory_space<vmem>>, vector<16xf32>,
      %swap3A_31 = vector.shape_cast %swap3A_30 : vector<16xf32> to vector<16xf32>
      %swap3A_32 = vector.shape_cast %broadcast_in_dim3A_26 : vector<16xf32> to vector<16xf32>
      tpu.vector_store %arg5[%swap3A_29], %swap3A_32 {strides = array<i32>} : memref<125xf32, #tpu.memory_space<vmem>>, vector<16xf32>,
    }
    %scan3A_5 = arith.constant 7 : i32
    %broadcast_in_dim3A = arith.constant 1.000000e+00 : f32
    %broadcast_in_dim3A_6 = vector.broadcast %broadcast_in_dim3A : f32 to vector<16xf32>
    %swap3A = arith.constant 109 : index
    %swap3A_7 = tpu.vector_load %arg5[%swap3A] {strides = array<i32>} : memref<125xf32, #tpu.memory_space<vmem>>, vector<16xf32>,
    %swap3A_8 = vector.shape_cast %swap3A_7 : vector<16xf32> to vector<16xf32>
    %swap3A_9 = vector.shape_cast %broadcast_in_dim3A_6 : vector<16xf32> to vector<16xf32>
    tpu.vector_store %arg5[%swap3A], %swap3A_9 {strides = array<i32>} : memref<125xf32, #tpu.memory_space<vmem>>, vector<16xf32>,
    %eq3A = arith.constant 0 : i32
    %eq3A_10 = arith.cmpi eq, %arg1, %eq3A : i32
    %convert_element_type3A = arith.extui %eq3A_10 : i1 to i32
    %cond3A = arith.constant 0 : i32
    %cond3A_11 = arith.cmpi ne, %convert_element_type3A, %cond3A : i32
    scf.if %cond3A_11 {
      %scan3A_24 = arith.constant 0 : i32
      %scan3A_25 = arith.constant 0 : i32
      %scan3A_26 = arith.constant 625 : i32
      %scan3A_27 = arith.addi %scan3A_25, %scan3A_26 : i32
      %scan3A_28 = arith.constant 1 : i32
      scf.for %scan3A_30 = %scan3A_25 to %scan3A_27 step %scan3A_28  : i32 {
        %broadcast_in_dim3A_31 = arith.constant 0.000000e+00 : f32
        %broadcast_in_dim3A_32 = vector.broadcast %broadcast_in_dim3A_31 : f32 to vector<16xf32>
        %mul3A_33 = arith.constant 16 : i32
        %mul3A_34 = arith.muli %scan3A_30, %mul3A_33 : i32
        %swap3A_35 = arith.index_cast %mul3A_34 : i32 to index
        %swap3A_36 = tpu.vector_load %arg6[%swap3A_35] {strides = array<i32>} : memref<10000xf32, #tpu.memory_space<vmem>>, vector<16xf32>,
        %swap3A_37 = vector.shape_cast %swap3A_36 : vector<16xf32> to vector<16xf32>
        %swap3A_38 = vector.shape_cast %broadcast_in_dim3A_32 : vector<16xf32> to vector<16xf32>
        tpu.vector_store %arg6[%swap3A_35], %swap3A_38 {strides = array<i32>} : memref<10000xf32, #tpu.memory_space<vmem>>, vector<16xf32>,
      }
      %scan3A_29 = arith.constant 625 : i32
      "tpu.region"() ({
        %run_scoped3A_30 = tpu.sem_alloc : memref<!tpu.dma_semaphore, #tpu.memory_space<semaphore_mem>>
        tpu.enqueue_dma source(%arg6 : memref<10000xf32, #tpu.memory_space<vmem>>) target(%arg8 : memref<10000xf32, #tpu.memory_space<vmem_shared>>) target_semaphore(%run_scoped3A_30 : memref<!tpu.dma_semaphore, #tpu.memory_space<semaphore_mem>>)
        tpu.wait_dma2 semaphore(%run_scoped3A_30 : memref<!tpu.dma_semaphore, #tpu.memory_space<semaphore_mem>>) src(%arg6 : memref<10000xf32, #tpu.memory_space<vmem>>) dst(%arg8 : memref<10000xf32, #tpu.memory_space<vmem_shared>>)
        tpu.yield
      }) : () -> ()
    } else {
    }
    %barrier3A = arith.constant 0 : index
    tpu.barrier barrier_id(%barrier3A)
    %scan3A_12 = arith.constant 0 : i32
    %scan3A_13 = arith.constant 0 : i32
    %scan3A_14 = arith.constant 5 : i32
    %scan3A_15 = arith.addi %scan3A_13, %scan3A_14 : i32
    %scan3A_16 = arith.constant 1 : i32
    scf.for %scan3A_24 = %scan3A_13 to %scan3A_15 step %scan3A_16  : i32 {
      %scan3A_25 = arith.constant 0 : i32
      %scan3A_26 = arith.constant 0 : i32
      %scan3A_27 = arith.constant 2 : i32
      %scan3A_28 = arith.addi %scan3A_26, %scan3A_27 : i32
      %scan3A_29 = arith.constant 1 : i32
      scf.for %scan3A_31 = %scan3A_26 to %scan3A_28 step %scan3A_29  : i32 {
        %mul3A_32 = arith.constant 8 : i32
        %mul3A_33 = arith.muli %scan3A_31, %mul3A_32 : i32
        %add3A_34 = arith.constant 0 : i32
        %add3A_35 = arith.addi %mul3A_33, %add3A_34 : i32
        %dma_start3A = arith.constant 0 : i32
        %dma_start3A_36 = tpu.memref_slice %arg4[%scan3A_24, %add3A_35, %dma_start3A] : memref<5x16x125xi32, #tpu.memory_space<vmem>> -> memref<1x1x125xi32, #tpu.memory_space<vmem>>
        %dma_start3A_37 = tpu.memref_squeeze %dma_start3A_36 : memref<1x1x125xi32, #tpu.memory_space<vmem>> -> memref<125xi32, #tpu.memory_space<vmem>>
        %dma_start3A_38 = arith.constant 0 : i32
        %dma_start3A_39 = tpu.memref_slice %arg8[%dma_start3A_38] : memref<10000xf32, #tpu.memory_space<vmem_shared>> -> memref<10000xf32, #tpu.memory_space<vmem_shared>>
        tpu.enqueue_indirect_dma source(%arg5 : memref<125xf32, #tpu.memory_space<vmem>>) target(%dma_start3A_39 : memref<10000xf32, #tpu.memory_space<vmem_shared>>) offsets(%dma_start3A_37 : memref<125xi32, #tpu.memory_space<vmem>>) semaphore(%arg7 : memref<!tpu.dma_semaphore, #tpu.memory_space<semaphore_mem>>) {add = true}
        %mul3A_40 = arith.constant 8 : i32
        %mul3A_41 = arith.muli %scan3A_31, %mul3A_40 : i32
        %add3A_42 = arith.constant 1 : i32
        %add3A_43 = arith.addi %mul3A_41, %add3A_42 : i32
        %dma_start3A_44 = arith.constant 0 : i32
        %dma_start3A_45 = tpu.memref_slice %arg4[%scan3A_24, %add3A_43, %dma_start3A_44] : memref<5x16x125xi32, #tpu.memory_space<vmem>> -> memref<1x1x125xi32, #tpu.memory_space<vmem>>
        %dma_start3A_46 = tpu.memref_squeeze %dma_start3A_45 : memref<1x1x125xi32, #tpu.memory_space<vmem>> -> memref<125xi32, #tpu.memory_space<vmem>>
        %dma_start3A_47 = arith.constant 0 : i32
        %dma_start3A_48 = tpu.memref_slice %arg8[%dma_start3A_47] : memref<10000xf32, #tpu.memory_space<vmem_shared>> -> memref<10000xf32, #tpu.memory_space<vmem_shared>>
        tpu.enqueue_indirect_dma source(%arg5 : memref<125xf32, #tpu.memory_space<vmem>>) target(%dma_start3A_48 : memref<10000xf32, #tpu.memory_space<vmem_shared>>) offsets(%dma_start3A_46 : memref<125xi32, #tpu.memory_space<vmem>>) semaphore(%arg7 : memref<!tpu.dma_semaphore, #tpu.memory_space<semaphore_mem>>) {add = true}
        %mul3A_49 = arith.constant 8 : i32
        %mul3A_50 = arith.muli %scan3A_31, %mul3A_49 : i32
        %add3A_51 = arith.constant 2 : i32
        %add3A_52 = arith.addi %mul3A_50, %add3A_51 : i32
        %dma_start3A_53 = arith.constant 0 : i32
        %dma_start3A_54 = tpu.memref_slice %arg4[%scan3A_24, %add3A_52, %dma_start3A_53] : memref<5x16x125xi32, #tpu.memory_space<vmem>> -> memref<1x1x125xi32, #tpu.memory_space<vmem>>
        %dma_start3A_55 = tpu.memref_squeeze %dma_start3A_54 : memref<1x1x125xi32, #tpu.memory_space<vmem>> -> memref<125xi32, #tpu.memory_space<vmem>>
        %dma_start3A_56 = arith.constant 0 : i32
        %dma_start3A_57 = tpu.memref_slice %arg8[%dma_start3A_56] : memref<10000xf32, #tpu.memory_space<vmem_shared>> -> memref<10000xf32, #tpu.memory_space<vmem_shared>>
        tpu.enqueue_indirect_dma source(%arg5 : memref<125xf32, #tpu.memory_space<vmem>>) target(%dma_start3A_57 : memref<10000xf32, #tpu.memory_space<vmem_shared>>) offsets(%dma_start3A_55 : memref<125xi32, #tpu.memory_space<vmem>>) semaphore(%arg7 : memref<!tpu.dma_semaphore, #tpu.memory_space<semaphore_mem>>) {add = true}
        %mul3A_58 = arith.constant 8 : i32
        %mul3A_59 = arith.muli %scan3A_31, %mul3A_58 : i32
        %add3A_60 = arith.constant 3 : i32
        %add3A_61 = arith.addi %mul3A_59, %add3A_60 : i32
        %dma_start3A_62 = arith.constant 0 : i32
        %dma_start3A_63 = tpu.memref_slice %arg4[%scan3A_24, %add3A_61, %dma_start3A_62] : memref<5x16x125xi32, #tpu.memory_space<vmem>> -> memref<1x1x125xi32, #tpu.memory_space<vmem>>
        %dma_start3A_64 = tpu.memref_squeeze %dma_start3A_63 : memref<1x1x125xi32, #tpu.memory_space<vmem>> -> memref<125xi32, #tpu.memory_space<vmem>>
        %dma_start3A_65 = arith.constant 0 : i32
        %dma_start3A_66 = tpu.memref_slice %arg8[%dma_start3A_65] : memref<10000xf32, #tpu.memory_space<vmem_shared>> -> memref<10000xf32, #tpu.memory_space<vmem_shared>>
        tpu.enqueue_indirect_dma source(%arg5 : memref<125xf32, #tpu.memory_space<vmem>>) target(%dma_start3A_66 : memref<10000xf32, #tpu.memory_space<vmem_shared>>) offsets(%dma_start3A_64 : memref<125xi32, #tpu.memory_space<vmem>>) semaphore(%arg7 : memref<!tpu.dma_semaphore, #tpu.memory_space<semaphore_mem>>) {add = true}
        %mul3A_67 = arith.constant 8 : i32
        %mul3A_68 = arith.muli %scan3A_31, %mul3A_67 : i32
        %add3A_69 = arith.constant 4 : i32
        %add3A_70 = arith.addi %mul3A_68, %add3A_69 : i32
        %dma_start3A_71 = arith.constant 0 : i32
        %dma_start3A_72 = tpu.memref_slice %arg4[%scan3A_24, %add3A_70, %dma_start3A_71] : memref<5x16x125xi32, #tpu.memory_space<vmem>> -> memref<1x1x125xi32, #tpu.memory_space<vmem>>
        %dma_start3A_73 = tpu.memref_squeeze %dma_start3A_72 : memref<1x1x125xi32, #tpu.memory_space<vmem>> -> memref<125xi32, #tpu.memory_space<vmem>>
        %dma_start3A_74 = arith.constant 0 : i32
        %dma_start3A_75 = tpu.memref_slice %arg8[%dma_start3A_74] : memref<10000xf32, #tpu.memory_space<vmem_shared>> -> memref<10000xf32, #tpu.memory_space<vmem_shared>>
        tpu.enqueue_indirect_dma source(%arg5 : memref<125xf32, #tpu.memory_space<vmem>>) target(%dma_start3A_75 : memref<10000xf32, #tpu.memory_space<vmem_shared>>) offsets(%dma_start3A_73 : memref<125xi32, #tpu.memory_space<vmem>>) semaphore(%arg7 : memref<!tpu.dma_semaphore, #tpu.memory_space<semaphore_mem>>) {add = true}
        %mul3A_76 = arith.constant 8 : i32
        %mul3A_77 = arith.muli %scan3A_31, %mul3A_76 : i32
        %add3A_78 = arith.constant 5 : i32
        %add3A_79 = arith.addi %mul3A_77, %add3A_78 : i32
        %dma_start3A_80 = arith.constant 0 : i32
        %dma_start3A_81 = tpu.memref_slice %arg4[%scan3A_24, %add3A_79, %dma_start3A_80] : memref<5x16x125xi32, #tpu.memory_space<vmem>> -> memref<1x1x125xi32, #tpu.memory_space<vmem>>
        %dma_start3A_82 = tpu.memref_squeeze %dma_start3A_81 : memref<1x1x125xi32, #tpu.memory_space<vmem>> -> memref<125xi32, #tpu.memory_space<vmem>>
        %dma_start3A_83 = arith.constant 0 : i32
        %dma_start3A_84 = tpu.memref_slice %arg8[%dma_start3A_83] : memref<10000xf32, #tpu.memory_space<vmem_shared>> -> memref<10000xf32, #tpu.memory_space<vmem_shared>>
        tpu.enqueue_indirect_dma source(%arg5 : memref<125xf32, #tpu.memory_space<vmem>>) target(%dma_start3A_84 : memref<10000xf32, #tpu.memory_space<vmem_shared>>) offsets(%dma_start3A_82 : memref<125xi32, #tpu.memory_space<vmem>>) semaphore(%arg7 : memref<!tpu.dma_semaphore, #tpu.memory_space<semaphore_mem>>) {add = true}
        %mul3A_85 = arith.constant 8 : i32
        %mul3A_86 = arith.muli %scan3A_31, %mul3A_85 : i32
        %add3A_87 = arith.constant 6 : i32
        %add3A_88 = arith.addi %mul3A_86, %add3A_87 : i32
        %dma_start3A_89 = arith.constant 0 : i32
        %dma_start3A_90 = tpu.memref_slice %arg4[%scan3A_24, %add3A_88, %dma_start3A_89] : memref<5x16x125xi32, #tpu.memory_space<vmem>> -> memref<1x1x125xi32, #tpu.memory_space<vmem>>
        %dma_start3A_91 = tpu.memref_squeeze %dma_start3A_90 : memref<1x1x125xi32, #tpu.memory_space<vmem>> -> memref<125xi32, #tpu.memory_space<vmem>>
        %dma_start3A_92 = arith.constant 0 : i32
        %dma_start3A_93 = tpu.memref_slice %arg8[%dma_start3A_92] : memref<10000xf32, #tpu.memory_space<vmem_shared>> -> memref<10000xf32, #tpu.memory_space<vmem_shared>>
        tpu.enqueue_indirect_dma source(%arg5 : memref<125xf32, #tpu.memory_space<vmem>>) target(%dma_start3A_93 : memref<10000xf32, #tpu.memory_space<vmem_shared>>) offsets(%dma_start3A_91 : memref<125xi32, #tpu.memory_space<vmem>>) semaphore(%arg7 : memref<!tpu.dma_semaphore, #tpu.memory_space<semaphore_mem>>) {add = true}
        %mul3A_94 = arith.constant 8 : i32
        %mul3A_95 = arith.muli %scan3A_31, %mul3A_94 : i32
        %add3A_96 = arith.constant 7 : i32
        %add3A_97 = arith.addi %mul3A_95, %add3A_96 : i32
        %dma_start3A_98 = arith.constant 0 : i32
        %dma_start3A_99 = tpu.memref_slice %arg4[%scan3A_24, %add3A_97, %dma_start3A_98] : memref<5x16x125xi32, #tpu.memory_space<vmem>> -> memref<1x1x125xi32, #tpu.memory_space<vmem>>
        %dma_start3A_100 = tpu.memref_squeeze %dma_start3A_99 : memref<1x1x125xi32, #tpu.memory_space<vmem>> -> memref<125xi32, #tpu.memory_space<vmem>>
        %dma_start3A_101 = arith.constant 0 : i32
        %dma_start3A_102 = tpu.memref_slice %arg8[%dma_start3A_101] : memref<10000xf32, #tpu.memory_space<vmem_shared>> -> memref<10000xf32, #tpu.memory_space<vmem_shared>>
        tpu.enqueue_indirect_dma source(%arg5 : memref<125xf32, #tpu.memory_space<vmem>>) target(%dma_start3A_102 : memref<10000xf32, #tpu.memory_space<vmem_shared>>) offsets(%dma_start3A_100 : memref<125xi32, #tpu.memory_space<vmem>>) semaphore(%arg7 : memref<!tpu.dma_semaphore, #tpu.memory_space<semaphore_mem>>) {add = true}
        %dma_wait3A = arith.constant 0 : i32
        %dma_wait3A_103 = arith.constant 0 : i32
        %dma_wait3A_104 = arith.constant 0 : i32
        %dma_wait3A_105 = tpu.memref_slice %arg4[%dma_wait3A, %dma_wait3A_103, %dma_wait3A_104] : memref<5x16x125xi32, #tpu.memory_space<vmem>> -> memref<1x1x125xi32, #tpu.memory_space<vmem>>
        %dma_wait3A_106 = tpu.memref_squeeze %dma_wait3A_105 : memref<1x1x125xi32, #tpu.memory_space<vmem>> -> memref<125xi32, #tpu.memory_space<vmem>>
        %dma_wait3A_107 = arith.constant 0 : i32
        %dma_wait3A_108 = tpu.memref_slice %arg8[%dma_wait3A_107] : memref<10000xf32, #tpu.memory_space<vmem_shared>> -> memref<10000xf32, #tpu.memory_space<vmem_shared>>
        tpu.wait_indirect_dma semaphore(%arg7 : memref<!tpu.dma_semaphore, #tpu.memory_space<semaphore_mem>>) src(%arg5 : memref<125xf32, #tpu.memory_space<vmem>>) dst(%dma_wait3A_108 : memref<10000xf32, #tpu.memory_space<vmem_shared>>)
        %dma_wait3A_109 = arith.constant 0 : i32
        %dma_wait3A_110 = arith.constant 0 : i32
        %dma_wait3A_111 = arith.constant 0 : i32
        %dma_wait3A_112 = tpu.memref_slice %arg4[%dma_wait3A_109, %dma_wait3A_110, %dma_wait3A_111] : memref<5x16x125xi32, #tpu.memory_space<vmem>> -> memref<1x1x125xi32, #tpu.memory_space<vmem>>
        %dma_wait3A_113 = tpu.memref_squeeze %dma_wait3A_112 : memref<1x1x125xi32, #tpu.memory_space<vmem>> -> memref<125xi32, #tpu.memory_space<vmem>>
        %dma_wait3A_114 = arith.constant 0 : i32
        %dma_wait3A_115 = tpu.memref_slice %arg8[%dma_wait3A_114] : memref<10000xf32, #tpu.memory_space<vmem_shared>> -> memref<10000xf32, #tpu.memory_space<vmem_shared>>
        tpu.wait_indirect_dma semaphore(%arg7 : memref<!tpu.dma_semaphore, #tpu.memory_space<semaphore_mem>>) src(%arg5 : memref<125xf32, #tpu.memory_space<vmem>>) dst(%dma_wait3A_115 : memref<10000xf32, #tpu.memory_space<vmem_shared>>)
        %dma_wait3A_116 = arith.constant 0 : i32
        %dma_wait3A_117 = arith.constant 0 : i32
        %dma_wait3A_118 = arith.constant 0 : i32
        %dma_wait3A_119 = tpu.memref_slice %arg4[%dma_wait3A_116, %dma_wait3A_117, %dma_wait3A_118] : memref<5x16x125xi32, #tpu.memory_space<vmem>> -> memref<1x1x125xi32, #tpu.memory_space<vmem>>
        %dma_wait3A_120 = tpu.memref_squeeze %dma_wait3A_119 : memref<1x1x125xi32, #tpu.memory_space<vmem>> -> memref<125xi32, #tpu.memory_space<vmem>>
        %dma_wait3A_121 = arith.constant 0 : i32
        %dma_wait3A_122 = tpu.memref_slice %arg8[%dma_wait3A_121] : memref<10000xf32, #tpu.memory_space<vmem_shared>> -> memref<10000xf32, #tpu.memory_space<vmem_shared>>
        tpu.wait_indirect_dma semaphore(%arg7 : memref<!tpu.dma_semaphore, #tpu.memory_space<semaphore_mem>>) src(%arg5 : memref<125xf32, #tpu.memory_space<vmem>>) dst(%dma_wait3A_122 : memref<10000xf32, #tpu.memory_space<vmem_shared>>)
        %dma_wait3A_123 = arith.constant 0 : i32
        %dma_wait3A_124 = arith.constant 0 : i32
        %dma_wait3A_125 = arith.constant 0 : i32
        %dma_wait3A_126 = tpu.memref_slice %arg4[%dma_wait3A_123, %dma_wait3A_124, %dma_wait3A_125] : memref<5x16x125xi32, #tpu.memory_space<vmem>> -> memref<1x1x125xi32, #tpu.memory_space<vmem>>
        %dma_wait3A_127 = tpu.memref_squeeze %dma_wait3A_126 : memref<1x1x125xi32, #tpu.memory_space<vmem>> -> memref<125xi32, #tpu.memory_space<vmem>>
        %dma_wait3A_128 = arith.constant 0 : i32
        %dma_wait3A_129 = tpu.memref_slice %arg8[%dma_wait3A_128] : memref<10000xf32, #tpu.memory_space<vmem_shared>> -> memref<10000xf32, #tpu.memory_space<vmem_shared>>
        tpu.wait_indirect_dma semaphore(%arg7 : memref<!tpu.dma_semaphore, #tpu.memory_space<semaphore_mem>>) src(%arg5 : memref<125xf32, #tpu.memory_space<vmem>>) dst(%dma_wait3A_129 : memref<10000xf32, #tpu.memory_space<vmem_shared>>)
        %dma_wait3A_130 = arith.constant 0 : i32
        %dma_wait3A_131 = arith.constant 0 : i32
        %dma_wait3A_132 = arith.constant 0 : i32
        %dma_wait3A_133 = tpu.memref_slice %arg4[%dma_wait3A_130, %dma_wait3A_131, %dma_wait3A_132] : memref<5x16x125xi32, #tpu.memory_space<vmem>> -> memref<1x1x125xi32, #tpu.memory_space<vmem>>
        %dma_wait3A_134 = tpu.memref_squeeze %dma_wait3A_133 : memref<1x1x125xi32, #tpu.memory_space<vmem>> -> memref<125xi32, #tpu.memory_space<vmem>>
        %dma_wait3A_135 = arith.constant 0 : i32
        %dma_wait3A_136 = tpu.memref_slice %arg8[%dma_wait3A_135] : memref<10000xf32, #tpu.memory_space<vmem_shared>> -> memref<10000xf32, #tpu.memory_space<vmem_shared>>
        tpu.wait_indirect_dma semaphore(%arg7 : memref<!tpu.dma_semaphore, #tpu.memory_space<semaphore_mem>>) src(%arg5 : memref<125xf32, #tpu.memory_space<vmem>>) dst(%dma_wait3A_136 : memref<10000xf32, #tpu.memory_space<vmem_shared>>)
        %dma_wait3A_137 = arith.constant 0 : i32
        %dma_wait3A_138 = arith.constant 0 : i32
        %dma_wait3A_139 = arith.constant 0 : i32
        %dma_wait3A_140 = tpu.memref_slice %arg4[%dma_wait3A_137, %dma_wait3A_138, %dma_wait3A_139] : memref<5x16x125xi32, #tpu.memory_space<vmem>> -> memref<1x1x125xi32, #tpu.memory_space<vmem>>
        %dma_wait3A_141 = tpu.memref_squeeze %dma_wait3A_140 : memref<1x1x125xi32, #tpu.memory_space<vmem>> -> memref<125xi32, #tpu.memory_space<vmem>>
        %dma_wait3A_142 = arith.constant 0 : i32
        %dma_wait3A_143 = tpu.memref_slice %arg8[%dma_wait3A_142] : memref<10000xf32, #tpu.memory_space<vmem_shared>> -> memref<10000xf32, #tpu.memory_space<vmem_shared>>
        tpu.wait_indirect_dma semaphore(%arg7 : memref<!tpu.dma_semaphore, #tpu.memory_space<semaphore_mem>>) src(%arg5 : memref<125xf32, #tpu.memory_space<vmem>>) dst(%dma_wait3A_143 : memref<10000xf32, #tpu.memory_space<vmem_shared>>)
        %dma_wait3A_144 = arith.constant 0 : i32
        %dma_wait3A_145 = arith.constant 0 : i32
        %dma_wait3A_146 = arith.constant 0 : i32
        %dma_wait3A_147 = tpu.memref_slice %arg4[%dma_wait3A_144, %dma_wait3A_145, %dma_wait3A_146] : memref<5x16x125xi32, #tpu.memory_space<vmem>> -> memref<1x1x125xi32, #tpu.memory_space<vmem>>
        %dma_wait3A_148 = tpu.memref_squeeze %dma_wait3A_147 : memref<1x1x125xi32, #tpu.memory_space<vmem>> -> memref<125xi32, #tpu.memory_space<vmem>>
        %dma_wait3A_149 = arith.constant 0 : i32
        %dma_wait3A_150 = tpu.memref_slice %arg8[%dma_wait3A_149] : memref<10000xf32, #tpu.memory_space<vmem_shared>> -> memref<10000xf32, #tpu.memory_space<vmem_shared>>
        tpu.wait_indirect_dma semaphore(%arg7 : memref<!tpu.dma_semaphore, #tpu.memory_space<semaphore_mem>>) src(%arg5 : memref<125xf32, #tpu.memory_space<vmem>>) dst(%dma_wait3A_150 : memref<10000xf32, #tpu.memory_space<vmem_shared>>)
        %dma_wait3A_151 = arith.constant 0 : i32
        %dma_wait3A_152 = arith.constant 0 : i32
        %dma_wait3A_153 = arith.constant 0 : i32
        %dma_wait3A_154 = tpu.memref_slice %arg4[%dma_wait3A_151, %dma_wait3A_152, %dma_wait3A_153] : memref<5x16x125xi32, #tpu.memory_space<vmem>> -> memref<1x1x125xi32, #tpu.memory_space<vmem>>
        %dma_wait3A_155 = tpu.memref_squeeze %dma_wait3A_154 : memref<1x1x125xi32, #tpu.memory_space<vmem>> -> memref<125xi32, #tpu.memory_space<vmem>>
        %dma_wait3A_156 = arith.constant 0 : i32
        %dma_wait3A_157 = tpu.memref_slice %arg8[%dma_wait3A_156] : memref<10000xf32, #tpu.memory_space<vmem_shared>> -> memref<10000xf32, #tpu.memory_space<vmem_shared>>
        tpu.wait_indirect_dma semaphore(%arg7 : memref<!tpu.dma_semaphore, #tpu.memory_space<semaphore_mem>>) src(%arg5 : memref<125xf32, #tpu.memory_space<vmem>>) dst(%dma_wait3A_157 : memref<10000xf32, #tpu.memory_space<vmem_shared>>)
      }
      %scan3A_30 = arith.constant 2 : i32
    }
    %scan3A_17 = arith.constant 5 : i32
    %barrier3A_18 = arith.constant 0 : index
    tpu.barrier barrier_id(%barrier3A_18)
    %eq3A_19 = arith.constant 0 : i32
    %eq3A_20 = arith.cmpi eq, %arg1, %eq3A_19 : i32
    %convert_element_type3A_21 = arith.extui %eq3A_20 : i1 to i32
    %cond3A_22 = arith.constant 0 : i32
    %cond3A_23 = arith.cmpi ne, %convert_element_type3A_21, %cond3A_22 : i32
    scf.if %cond3A_23 {
      "tpu.region"() ({
        %run_scoped3A_24 = tpu.sem_alloc : memref<!tpu.dma_semaphore, #tpu.memory_space<semaphore_mem>>
        %dma_start3A = arith.constant 0 : i32
        %dma_start3A_25 = tpu.memref_slice %arg3[%arg0, %dma_start3A] : memref<2x10000xf32, #tpu.memory_space<hbm>> -> memref<1x10000xf32, #tpu.memory_space<hbm>>
        %dma_start3A_26 = tpu.memref_squeeze %dma_start3A_25 : memref<1x10000xf32, #tpu.memory_space<hbm>> -> memref<10000xf32, #tpu.memory_space<hbm>>
        tpu.enqueue_dma source(%arg8 : memref<10000xf32, #tpu.memory_space<vmem_shared>>) target(%dma_start3A_26 : memref<10000xf32, #tpu.memory_space<hbm>>) target_semaphore(%run_scoped3A_24 : memref<!tpu.dma_semaphore, #tpu.memory_space<semaphore_mem>>)
        %dma_wait3A = arith.constant 0 : i32
        %dma_wait3A_27 = tpu.memref_slice %arg3[%arg0, %dma_wait3A] : memref<2x10000xf32, #tpu.memory_space<hbm>> -> memref<1x10000xf32, #tpu.memory_space<hbm>>
        %dma_wait3A_28 = tpu.memref_squeeze %dma_wait3A_27 : memref<1x10000xf32, #tpu.memory_space<hbm>> -> memref<10000xf32, #tpu.memory_space<hbm>>
        tpu.wait_dma2 semaphore(%run_scoped3A_24 : memref<!tpu.dma_semaphore, #tpu.memory_space<semaphore_mem>>) src(%arg8 : memref<10000xf32, #tpu.memory_space<vmem_shared>>) dst(%dma_wait3A_28 : memref<10000xf32, #tpu.memory_space<hbm>>)
        tpu.yield
      }) : () -> ()
    } else {
    }
    return
  }
}

#map = affine_map<(d0, d1) -> (0, 0)>
#map1 = affine_map<(d0, d1) -> (0, 0, 0, 0, 0)>
#map2 = affine_map<(d0, d1) -> (0, 0, 0)>
module attributes {stable_mosaic.version = 14 : i64} {
  func.func @agg_kernel(%arg0: i32, %arg1: i32, %arg2: memref<10000x128xf32, #tpu.memory_space<hbm>>, %arg3: memref<2x32x5x16x125xi32, #tpu.memory_space<hbm>>, %arg4: memref<2x10000x128xf32, #tpu.memory_space<hbm>>, %arg5: memref<16x125xi32, #tpu.memory_space<vmem>>, %arg6: memref<16x125xi32, #tpu.memory_space<vmem>>, %arg7: memref<125x128xf32, #tpu.memory_space<vmem>>, %arg8: memref<125x128xf32, #tpu.memory_space<vmem>>, %arg9: memref<!tpu.dma_semaphore, #tpu.memory_space<semaphore_mem>>, %arg10: memref<!tpu.dma_semaphore, #tpu.memory_space<semaphore_mem>>, %arg11: memref<10000x128xf32, #tpu.memory_space<vmem_shared>>) attributes {dimension_semantics = [#tpu.dimension_semantics<core_parallel>, #tpu.dimension_semantics<subcore_parallel>], iteration_bounds = array<i64: 2, 16>, scalar_prefetch = 0 : i64, scratch_operands = 7 : i64, tpu.core_type = #tpu.core_type<sc_vector_subcore>, window_params = [{transform_indices = #map}, {transform_indices = #map1}, {transform_indices = #map2}]} {
    %mul3A = arith.constant 16 : i32
    %mul3A_0 = arith.muli %arg0, %mul3A : i32
    %add3A = arith.addi %mul3A_0, %arg1 : i32
    %scan3A = arith.constant 0 : i32
    %scan3A_1 = arith.constant 0 : i32
    %scan3A_2 = arith.constant 125 : i32
    %scan3A_3 = arith.addi %scan3A_1, %scan3A_2 : i32
    %scan3A_4 = arith.constant 1 : i32
    scf.for %scan3A_30 = %scan3A_1 to %scan3A_3 step %scan3A_4  : i32 {
      %broadcast_in_dim3A = arith.constant 0.000000e+00 : f32
      %broadcast_in_dim3A_31 = vector.broadcast %broadcast_in_dim3A : f32 to vector<16xf32>
      %swap3A = arith.index_cast %scan3A_30 : i32 to index
      %swap3A_32 = arith.constant 0 : index
      %swap3A_33 = tpu.vector_load %arg7[%swap3A, %swap3A_32] {strides = array<i32>} : memref<125x128xf32, #tpu.memory_space<vmem>>, vector<1x16xf32>,
      %swap3A_34 = vector.shape_cast %swap3A_33 : vector<1x16xf32> to vector<16xf32>
      %swap3A_35 = vector.shape_cast %broadcast_in_dim3A_31 : vector<16xf32> to vector<1x16xf32>
      tpu.vector_store %arg7[%swap3A, %swap3A_32], %swap3A_35 {strides = array<i32>} : memref<125x128xf32, #tpu.memory_space<vmem>>, vector<1x16xf32>,
      %broadcast_in_dim3A_36 = arith.constant 0.000000e+00 : f32
      %broadcast_in_dim3A_37 = vector.broadcast %broadcast_in_dim3A_36 : f32 to vector<16xf32>
      %swap3A_38 = arith.index_cast %scan3A_30 : i32 to index
      %swap3A_39 = arith.constant 16 : index
      %swap3A_40 = tpu.vector_load %arg7[%swap3A_38, %swap3A_39] {strides = array<i32>} : memref<125x128xf32, #tpu.memory_space<vmem>>, vector<1x16xf32>,
      %swap3A_41 = vector.shape_cast %swap3A_40 : vector<1x16xf32> to vector<16xf32>
      %swap3A_42 = vector.shape_cast %broadcast_in_dim3A_37 : vector<16xf32> to vector<1x16xf32>
      tpu.vector_store %arg7[%swap3A_38, %swap3A_39], %swap3A_42 {strides = array<i32>} : memref<125x128xf32, #tpu.memory_space<vmem>>, vector<1x16xf32>,
      %broadcast_in_dim3A_43 = arith.constant 0.000000e+00 : f32
      %broadcast_in_dim3A_44 = vector.broadcast %broadcast_in_dim3A_43 : f32 to vector<16xf32>
      %swap3A_45 = arith.index_cast %scan3A_30 : i32 to index
      %swap3A_46 = arith.constant 32 : index
      %swap3A_47 = tpu.vector_load %arg7[%swap3A_45, %swap3A_46] {strides = array<i32>} : memref<125x128xf32, #tpu.memory_space<vmem>>, vector<1x16xf32>,
      %swap3A_48 = vector.shape_cast %swap3A_47 : vector<1x16xf32> to vector<16xf32>
      %swap3A_49 = vector.shape_cast %broadcast_in_dim3A_44 : vector<16xf32> to vector<1x16xf32>
      tpu.vector_store %arg7[%swap3A_45, %swap3A_46], %swap3A_49 {strides = array<i32>} : memref<125x128xf32, #tpu.memory_space<vmem>>, vector<1x16xf32>,
      %broadcast_in_dim3A_50 = arith.constant 0.000000e+00 : f32
      %broadcast_in_dim3A_51 = vector.broadcast %broadcast_in_dim3A_50 : f32 to vector<16xf32>
      %swap3A_52 = arith.index_cast %scan3A_30 : i32 to index
      %swap3A_53 = arith.constant 48 : index
      %swap3A_54 = tpu.vector_load %arg7[%swap3A_52, %swap3A_53] {strides = array<i32>} : memref<125x128xf32, #tpu.memory_space<vmem>>, vector<1x16xf32>,
      %swap3A_55 = vector.shape_cast %swap3A_54 : vector<1x16xf32> to vector<16xf32>
      %swap3A_56 = vector.shape_cast %broadcast_in_dim3A_51 : vector<16xf32> to vector<1x16xf32>
      tpu.vector_store %arg7[%swap3A_52, %swap3A_53], %swap3A_56 {strides = array<i32>} : memref<125x128xf32, #tpu.memory_space<vmem>>, vector<1x16xf32>,
      %broadcast_in_dim3A_57 = arith.constant 0.000000e+00 : f32
      %broadcast_in_dim3A_58 = vector.broadcast %broadcast_in_dim3A_57 : f32 to vector<16xf32>
      %swap3A_59 = arith.index_cast %scan3A_30 : i32 to index
      %swap3A_60 = arith.constant 64 : index
      %swap3A_61 = tpu.vector_load %arg7[%swap3A_59, %swap3A_60] {strides = array<i32>} : memref<125x128xf32, #tpu.memory_space<vmem>>, vector<1x16xf32>,
      %swap3A_62 = vector.shape_cast %swap3A_61 : vector<1x16xf32> to vector<16xf32>
      %swap3A_63 = vector.shape_cast %broadcast_in_dim3A_58 : vector<16xf32> to vector<1x16xf32>
      tpu.vector_store %arg7[%swap3A_59, %swap3A_60], %swap3A_63 {strides = array<i32>} : memref<125x128xf32, #tpu.memory_space<vmem>>, vector<1x16xf32>,
      %broadcast_in_dim3A_64 = arith.constant 0.000000e+00 : f32
      %broadcast_in_dim3A_65 = vector.broadcast %broadcast_in_dim3A_64 : f32 to vector<16xf32>
      %swap3A_66 = arith.index_cast %scan3A_30 : i32 to index
      %swap3A_67 = arith.constant 80 : index
      %swap3A_68 = tpu.vector_load %arg7[%swap3A_66, %swap3A_67] {strides = array<i32>} : memref<125x128xf32, #tpu.memory_space<vmem>>, vector<1x16xf32>,
      %swap3A_69 = vector.shape_cast %swap3A_68 : vector<1x16xf32> to vector<16xf32>
      %swap3A_70 = vector.shape_cast %broadcast_in_dim3A_65 : vector<16xf32> to vector<1x16xf32>
      tpu.vector_store %arg7[%swap3A_66, %swap3A_67], %swap3A_70 {strides = array<i32>} : memref<125x128xf32, #tpu.memory_space<vmem>>, vector<1x16xf32>,
      %broadcast_in_dim3A_71 = arith.constant 0.000000e+00 : f32
      %broadcast_in_dim3A_72 = vector.broadcast %broadcast_in_dim3A_71 : f32 to vector<16xf32>
      %swap3A_73 = arith.index_cast %scan3A_30 : i32 to index
      %swap3A_74 = arith.constant 96 : index
      %swap3A_75 = tpu.vector_load %arg7[%swap3A_73, %swap3A_74] {strides = array<i32>} : memref<125x128xf32, #tpu.memory_space<vmem>>, vector<1x16xf32>,
      %swap3A_76 = vector.shape_cast %swap3A_75 : vector<1x16xf32> to vector<16xf32>
      %swap3A_77 = vector.shape_cast %broadcast_in_dim3A_72 : vector<16xf32> to vector<1x16xf32>
      tpu.vector_store %arg7[%swap3A_73, %swap3A_74], %swap3A_77 {strides = array<i32>} : memref<125x128xf32, #tpu.memory_space<vmem>>, vector<1x16xf32>,
      %broadcast_in_dim3A_78 = arith.constant 0.000000e+00 : f32
      %broadcast_in_dim3A_79 = vector.broadcast %broadcast_in_dim3A_78 : f32 to vector<16xf32>
      %swap3A_80 = arith.index_cast %scan3A_30 : i32 to index
      %swap3A_81 = arith.constant 112 : index
      %swap3A_82 = tpu.vector_load %arg7[%swap3A_80, %swap3A_81] {strides = array<i32>} : memref<125x128xf32, #tpu.memory_space<vmem>>, vector<1x16xf32>,
      %swap3A_83 = vector.shape_cast %swap3A_82 : vector<1x16xf32> to vector<16xf32>
      %swap3A_84 = vector.shape_cast %broadcast_in_dim3A_79 : vector<16xf32> to vector<1x16xf32>
      tpu.vector_store %arg7[%swap3A_80, %swap3A_81], %swap3A_84 {strides = array<i32>} : memref<125x128xf32, #tpu.memory_space<vmem>>, vector<1x16xf32>,
    }
    %scan3A_5 = arith.constant 125 : i32
    %scan3A_6 = arith.constant 0 : i32
    %scan3A_7 = arith.constant 0 : i32
    %scan3A_8 = arith.constant 6 : i32
    %scan3A_9 = arith.addi %scan3A_7, %scan3A_8 : i32
    %scan3A_10 = arith.constant 1 : i32
    scf.for %scan3A_30 = %scan3A_7 to %scan3A_9 step %scan3A_10  : i32 {
      %mul3A_31 = arith.constant 624 : i32
      %mul3A_32 = arith.muli %arg1, %mul3A_31 : i32
      %mul3A_33 = arith.constant 104 : i32
      %mul3A_34 = arith.muli %scan3A_30, %mul3A_33 : i32
      %add3A_35 = arith.addi %mul3A_32, %mul3A_34 : i32
      "tpu.region"() ({
        %run_scoped3A = tpu.sem_alloc : memref<!tpu.dma_semaphore, #tpu.memory_space<semaphore_mem>>
        %dma_start3A = arith.constant 0 : i32
        %dma_start3A_36 = arith.constant 0 : i32
        %dma_start3A_37 = tpu.memref_slice %arg7[%dma_start3A, %dma_start3A_36] : memref<125x128xf32, #tpu.memory_space<vmem>> -> memref<104x128xf32, #tpu.memory_space<vmem>>
        %dma_start3A_38 = arith.constant 0 : i32
        %dma_start3A_39 = tpu.memref_slice %arg11[%add3A_35, %dma_start3A_38] : memref<10000x128xf32, #tpu.memory_space<vmem_shared>> -> memref<104x128xf32, #tpu.memory_space<vmem_shared>>
        %dma_start3A_40 = arith.constant 0 : i32
        %dma_start3A_41 = tpu.memref_slice %arg11[%add3A_35, %dma_start3A_40] : memref<10000x128xf32, #tpu.memory_space<vmem_shared>> -> memref<104x128xf32, #tpu.memory_space<vmem_shared>>
        %dma_start3A_42 = arith.constant 0 : i32
        %dma_start3A_43 = arith.constant 0 : i32
        %dma_start3A_44 = tpu.memref_slice %arg7[%dma_start3A_42, %dma_start3A_43] : memref<125x128xf32, #tpu.memory_space<vmem>> -> memref<104x128xf32, #tpu.memory_space<vmem>>
        tpu.enqueue_dma source(%dma_start3A_44 : memref<104x128xf32, #tpu.memory_space<vmem>>) target(%dma_start3A_41 : memref<104x128xf32, #tpu.memory_space<vmem_shared>>) target_semaphore(%run_scoped3A : memref<!tpu.dma_semaphore, #tpu.memory_space<semaphore_mem>>)
        %dma_wait3A = arith.constant 0 : i32
        %dma_wait3A_45 = arith.constant 0 : i32
        %dma_wait3A_46 = tpu.memref_slice %arg7[%dma_wait3A, %dma_wait3A_45] : memref<125x128xf32, #tpu.memory_space<vmem>> -> memref<104x128xf32, #tpu.memory_space<vmem>>
        %dma_wait3A_47 = arith.constant 0 : i32
        %dma_wait3A_48 = tpu.memref_slice %arg11[%add3A_35, %dma_wait3A_47] : memref<10000x128xf32, #tpu.memory_space<vmem_shared>> -> memref<104x128xf32, #tpu.memory_space<vmem_shared>>
        %dma_wait3A_49 = arith.constant 0 : i32
        %dma_wait3A_50 = tpu.memref_slice %arg11[%add3A_35, %dma_wait3A_49] : memref<10000x128xf32, #tpu.memory_space<vmem_shared>> -> memref<104x128xf32, #tpu.memory_space<vmem_shared>>
        %dma_wait3A_51 = arith.constant 0 : i32
        %dma_wait3A_52 = arith.constant 0 : i32
        %dma_wait3A_53 = tpu.memref_slice %arg7[%dma_wait3A_51, %dma_wait3A_52] : memref<125x128xf32, #tpu.memory_space<vmem>> -> memref<104x128xf32, #tpu.memory_space<vmem>>
        tpu.wait_dma2 semaphore(%run_scoped3A : memref<!tpu.dma_semaphore, #tpu.memory_space<semaphore_mem>>) src(%dma_wait3A_53 : memref<104x128xf32, #tpu.memory_space<vmem>>) dst(%dma_wait3A_50 : memref<104x128xf32, #tpu.memory_space<vmem_shared>>)
        tpu.yield
      }) : () -> ()
    }
    %scan3A_11 = arith.constant 6 : i32
    %eq3A = arith.constant 0 : i32
    %eq3A_12 = arith.cmpi eq, %arg1, %eq3A : i32
    %convert_element_type3A = arith.extui %eq3A_12 : i1 to i32
    %cond3A = arith.constant 0 : i32
    %cond3A_13 = arith.cmpi ne, %convert_element_type3A, %cond3A : i32
    scf.if %cond3A_13 {
      "tpu.region"() ({
        %run_scoped3A = tpu.sem_alloc : memref<!tpu.dma_semaphore, #tpu.memory_space<semaphore_mem>>
        %dma_start3A = arith.constant 0 : i32
        %dma_start3A_30 = arith.constant 0 : i32
        %dma_start3A_31 = tpu.memref_slice %arg7[%dma_start3A, %dma_start3A_30] : memref<125x128xf32, #tpu.memory_space<vmem>> -> memref<16x128xf32, #tpu.memory_space<vmem>>
        %dma_start3A_32 = arith.constant 9984 : i32
        %dma_start3A_33 = arith.constant 0 : i32
        %dma_start3A_34 = tpu.memref_slice %arg11[%dma_start3A_32, %dma_start3A_33] : memref<10000x128xf32, #tpu.memory_space<vmem_shared>> -> memref<16x128xf32, #tpu.memory_space<vmem_shared>>
        %dma_start3A_35 = arith.constant 9984 : i32
        %dma_start3A_36 = arith.constant 0 : i32
        %dma_start3A_37 = tpu.memref_slice %arg11[%dma_start3A_35, %dma_start3A_36] : memref<10000x128xf32, #tpu.memory_space<vmem_shared>> -> memref<16x128xf32, #tpu.memory_space<vmem_shared>>
        %dma_start3A_38 = arith.constant 0 : i32
        %dma_start3A_39 = arith.constant 0 : i32
        %dma_start3A_40 = tpu.memref_slice %arg7[%dma_start3A_38, %dma_start3A_39] : memref<125x128xf32, #tpu.memory_space<vmem>> -> memref<16x128xf32, #tpu.memory_space<vmem>>
        tpu.enqueue_dma source(%dma_start3A_40 : memref<16x128xf32, #tpu.memory_space<vmem>>) target(%dma_start3A_37 : memref<16x128xf32, #tpu.memory_space<vmem_shared>>) target_semaphore(%run_scoped3A : memref<!tpu.dma_semaphore, #tpu.memory_space<semaphore_mem>>)
        %dma_wait3A = arith.constant 0 : i32
        %dma_wait3A_41 = arith.constant 0 : i32
        %dma_wait3A_42 = tpu.memref_slice %arg7[%dma_wait3A, %dma_wait3A_41] : memref<125x128xf32, #tpu.memory_space<vmem>> -> memref<16x128xf32, #tpu.memory_space<vmem>>
        %dma_wait3A_43 = arith.constant 9984 : i32
        %dma_wait3A_44 = arith.constant 0 : i32
        %dma_wait3A_45 = tpu.memref_slice %arg11[%dma_wait3A_43, %dma_wait3A_44] : memref<10000x128xf32, #tpu.memory_space<vmem_shared>> -> memref<16x128xf32, #tpu.memory_space<vmem_shared>>
        %dma_wait3A_46 = arith.constant 9984 : i32
        %dma_wait3A_47 = arith.constant 0 : i32
        %dma_wait3A_48 = tpu.memref_slice %arg11[%dma_wait3A_46, %dma_wait3A_47] : memref<10000x128xf32, #tpu.memory_space<vmem_shared>> -> memref<16x128xf32, #tpu.memory_space<vmem_shared>>
        %dma_wait3A_49 = arith.constant 0 : i32
        %dma_wait3A_50 = arith.constant 0 : i32
        %dma_wait3A_51 = tpu.memref_slice %arg7[%dma_wait3A_49, %dma_wait3A_50] : memref<125x128xf32, #tpu.memory_space<vmem>> -> memref<16x128xf32, #tpu.memory_space<vmem>>
        tpu.wait_dma2 semaphore(%run_scoped3A : memref<!tpu.dma_semaphore, #tpu.memory_space<semaphore_mem>>) src(%dma_wait3A_51 : memref<16x128xf32, #tpu.memory_space<vmem>>) dst(%dma_wait3A_48 : memref<16x128xf32, #tpu.memory_space<vmem_shared>>)
        tpu.yield
      }) : () -> ()
    } else {
    }
    %barrier3A = arith.constant 0 : index
    tpu.barrier barrier_id(%barrier3A)
    %scan3A_14 = arith.constant 0 : i32
    %scan3A_15 = arith.constant 0 : i32
    %scan3A_16 = arith.constant 5 : i32
    %scan3A_17 = arith.addi %scan3A_15, %scan3A_16 : i32
    %scan3A_18 = arith.constant 1 : i32
    scf.for %scan3A_30 = %scan3A_15 to %scan3A_17 step %scan3A_18  : i32 {
      %run_scoped3A = arith.constant 0 : i32
      "tpu.region"() ({
        %run_scoped3A_66 = tpu.sem_alloc : memref<!tpu.dma_semaphore, #tpu.memory_space<semaphore_mem>>
        %dma_start3A_67 = arith.constant 0 : i32
        %dma_start3A_68 = arith.constant 0 : i32
        %dma_start3A_69 = tpu.memref_slice %arg3[%run_scoped3A, %add3A, %scan3A_30, %dma_start3A_67, %dma_start3A_68] : memref<2x32x5x16x125xi32, #tpu.memory_space<hbm>> -> memref<1x1x1x16x125xi32, #tpu.memory_space<hbm>>
        %dma_start3A_70 = tpu.memref_squeeze %dma_start3A_69 : memref<1x1x1x16x125xi32, #tpu.memory_space<hbm>> -> memref<16x125xi32, #tpu.memory_space<hbm>>
        %dma_start3A_71 = arith.constant 0 : i32
        %dma_start3A_72 = arith.constant 0 : i32
        %dma_start3A_73 = tpu.memref_slice %arg3[%run_scoped3A, %add3A, %scan3A_30, %dma_start3A_71, %dma_start3A_72] : memref<2x32x5x16x125xi32, #tpu.memory_space<hbm>> -> memref<1x1x1x16x125xi32, #tpu.memory_space<hbm>>
        %dma_start3A_74 = tpu.memref_squeeze %dma_start3A_73 : memref<1x1x1x16x125xi32, #tpu.memory_space<hbm>> -> memref<16x125xi32, #tpu.memory_space<hbm>>
        tpu.enqueue_dma source(%dma_start3A_74 : memref<16x125xi32, #tpu.memory_space<hbm>>) target(%arg5 : memref<16x125xi32, #tpu.memory_space<vmem>>) target_semaphore(%run_scoped3A_66 : memref<!tpu.dma_semaphore, #tpu.memory_space<semaphore_mem>>)
        %dma_wait3A_75 = arith.constant 0 : i32
        %dma_wait3A_76 = arith.constant 0 : i32
        %dma_wait3A_77 = tpu.memref_slice %arg3[%run_scoped3A, %add3A, %scan3A_30, %dma_wait3A_75, %dma_wait3A_76] : memref<2x32x5x16x125xi32, #tpu.memory_space<hbm>> -> memref<1x1x1x16x125xi32, #tpu.memory_space<hbm>>
        %dma_wait3A_78 = tpu.memref_squeeze %dma_wait3A_77 : memref<1x1x1x16x125xi32, #tpu.memory_space<hbm>> -> memref<16x125xi32, #tpu.memory_space<hbm>>
        %dma_wait3A_79 = arith.constant 0 : i32
        %dma_wait3A_80 = arith.constant 0 : i32
        %dma_wait3A_81 = tpu.memref_slice %arg3[%run_scoped3A, %add3A, %scan3A_30, %dma_wait3A_79, %dma_wait3A_80] : memref<2x32x5x16x125xi32, #tpu.memory_space<hbm>> -> memref<1x1x1x16x125xi32, #tpu.memory_space<hbm>>
        %dma_wait3A_82 = tpu.memref_squeeze %dma_wait3A_81 : memref<1x1x1x16x125xi32, #tpu.memory_space<hbm>> -> memref<16x125xi32, #tpu.memory_space<hbm>>
        tpu.wait_dma2 semaphore(%run_scoped3A_66 : memref<!tpu.dma_semaphore, #tpu.memory_space<semaphore_mem>>) src(%dma_wait3A_82 : memref<16x125xi32, #tpu.memory_space<hbm>>) dst(%arg5 : memref<16x125xi32, #tpu.memory_space<vmem>>)
        tpu.yield
      }) : () -> ()
      %run_scoped3A_31 = arith.constant 1 : i32
      "tpu.region"() ({
        %run_scoped3A_66 = tpu.sem_alloc : memref<!tpu.dma_semaphore, #tpu.memory_space<semaphore_mem>>
        %dma_start3A_67 = arith.constant 0 : i32
        %dma_start3A_68 = arith.constant 0 : i32
        %dma_start3A_69 = tpu.memref_slice %arg3[%run_scoped3A_31, %add3A, %scan3A_30, %dma_start3A_67, %dma_start3A_68] : memref<2x32x5x16x125xi32, #tpu.memory_space<hbm>> -> memref<1x1x1x16x125xi32, #tpu.memory_space<hbm>>
        %dma_start3A_70 = tpu.memref_squeeze %dma_start3A_69 : memref<1x1x1x16x125xi32, #tpu.memory_space<hbm>> -> memref<16x125xi32, #tpu.memory_space<hbm>>
        %dma_start3A_71 = arith.constant 0 : i32
        %dma_start3A_72 = arith.constant 0 : i32
        %dma_start3A_73 = tpu.memref_slice %arg3[%run_scoped3A_31, %add3A, %scan3A_30, %dma_start3A_71, %dma_start3A_72] : memref<2x32x5x16x125xi32, #tpu.memory_space<hbm>> -> memref<1x1x1x16x125xi32, #tpu.memory_space<hbm>>
        %dma_start3A_74 = tpu.memref_squeeze %dma_start3A_73 : memref<1x1x1x16x125xi32, #tpu.memory_space<hbm>> -> memref<16x125xi32, #tpu.memory_space<hbm>>
        tpu.enqueue_dma source(%dma_start3A_74 : memref<16x125xi32, #tpu.memory_space<hbm>>) target(%arg6 : memref<16x125xi32, #tpu.memory_space<vmem>>) target_semaphore(%run_scoped3A_66 : memref<!tpu.dma_semaphore, #tpu.memory_space<semaphore_mem>>)
        %dma_wait3A_75 = arith.constant 0 : i32
        %dma_wait3A_76 = arith.constant 0 : i32
        %dma_wait3A_77 = tpu.memref_slice %arg3[%run_scoped3A_31, %add3A, %scan3A_30, %dma_wait3A_75, %dma_wait3A_76] : memref<2x32x5x16x125xi32, #tpu.memory_space<hbm>> -> memref<1x1x1x16x125xi32, #tpu.memory_space<hbm>>
        %dma_wait3A_78 = tpu.memref_squeeze %dma_wait3A_77 : memref<1x1x1x16x125xi32, #tpu.memory_space<hbm>> -> memref<16x125xi32, #tpu.memory_space<hbm>>
        %dma_wait3A_79 = arith.constant 0 : i32
        %dma_wait3A_80 = arith.constant 0 : i32
        %dma_wait3A_81 = tpu.memref_slice %arg3[%run_scoped3A_31, %add3A, %scan3A_30, %dma_wait3A_79, %dma_wait3A_80] : memref<2x32x5x16x125xi32, #tpu.memory_space<hbm>> -> memref<1x1x1x16x125xi32, #tpu.memory_space<hbm>>
        %dma_wait3A_82 = tpu.memref_squeeze %dma_wait3A_81 : memref<1x1x1x16x125xi32, #tpu.memory_space<hbm>> -> memref<16x125xi32, #tpu.memory_space<hbm>>
        tpu.wait_dma2 semaphore(%run_scoped3A_66 : memref<!tpu.dma_semaphore, #tpu.memory_space<semaphore_mem>>) src(%dma_wait3A_82 : memref<16x125xi32, #tpu.memory_space<hbm>>) dst(%arg6 : memref<16x125xi32, #tpu.memory_space<vmem>>)
        tpu.yield
      }) : () -> ()
      %dma_start3A = arith.constant 0 : i32
      %dma_start3A_32 = arith.constant 0 : i32
      %dma_start3A_33 = tpu.memref_slice %arg5[%dma_start3A, %dma_start3A_32] : memref<16x125xi32, #tpu.memory_space<vmem>> -> memref<1x125xi32, #tpu.memory_space<vmem>>
      %dma_start3A_34 = tpu.memref_squeeze %dma_start3A_33 : memref<1x125xi32, #tpu.memory_space<vmem>> -> memref<125xi32, #tpu.memory_space<vmem>>
      %dma_start3A_35 = arith.constant 0 : i32
      %dma_start3A_36 = arith.constant 0 : i32
      %dma_start3A_37 = tpu.memref_slice %arg2[%dma_start3A_35, %dma_start3A_36] : memref<10000x128xf32, #tpu.memory_space<hbm>> -> memref<10000x128xf32, #tpu.memory_space<hbm>>
      tpu.enqueue_indirect_dma source(%dma_start3A_37 : memref<10000x128xf32, #tpu.memory_space<hbm>>) target(%arg7 : memref<125x128xf32, #tpu.memory_space<vmem>>) offsets(%dma_start3A_34 : memref<125xi32, #tpu.memory_space<vmem>>) semaphore(%arg9 : memref<!tpu.dma_semaphore, #tpu.memory_space<semaphore_mem>>)
      %scan3A_38 = arith.constant 0 : i32
      %scan3A_39 = arith.constant 0 : i32
      %scan3A_40 = arith.constant 7 : i32
      %scan3A_41 = arith.addi %scan3A_39, %scan3A_40 : i32
      %scan3A_42 = arith.constant 1 : i32
      scf.for %scan3A_66 = %scan3A_39 to %scan3A_41 step %scan3A_42  : i32 {
        %mul3A_67 = arith.constant 2 : i32
        %mul3A_68 = arith.muli %mul3A_67, %scan3A_66 : i32
        %add3A_69 = arith.constant 1 : i32
        %add3A_70 = arith.addi %mul3A_68, %add3A_69 : i32
        %dma_start3A_71 = arith.constant 0 : i32
        %dma_start3A_72 = tpu.memref_slice %arg5[%add3A_70, %dma_start3A_71] : memref<16x125xi32, #tpu.memory_space<vmem>> -> memref<1x125xi32, #tpu.memory_space<vmem>>
        %dma_start3A_73 = tpu.memref_squeeze %dma_start3A_72 : memref<1x125xi32, #tpu.memory_space<vmem>> -> memref<125xi32, #tpu.memory_space<vmem>>
        %dma_start3A_74 = arith.constant 0 : i32
        %dma_start3A_75 = arith.constant 0 : i32
        %dma_start3A_76 = tpu.memref_slice %arg2[%dma_start3A_74, %dma_start3A_75] : memref<10000x128xf32, #tpu.memory_space<hbm>> -> memref<10000x128xf32, #tpu.memory_space<hbm>>
        tpu.enqueue_indirect_dma source(%dma_start3A_76 : memref<10000x128xf32, #tpu.memory_space<hbm>>) target(%arg8 : memref<125x128xf32, #tpu.memory_space<vmem>>) offsets(%dma_start3A_73 : memref<125xi32, #tpu.memory_space<vmem>>) semaphore(%arg10 : memref<!tpu.dma_semaphore, #tpu.memory_space<semaphore_mem>>)
        %dma_wait3A_77 = arith.constant 0 : i32
        %dma_wait3A_78 = arith.constant 0 : i32
        %dma_wait3A_79 = tpu.memref_slice %arg5[%dma_wait3A_77, %dma_wait3A_78] : memref<16x125xi32, #tpu.memory_space<vmem>> -> memref<1x125xi32, #tpu.memory_space<vmem>>
        %dma_wait3A_80 = tpu.memref_squeeze %dma_wait3A_79 : memref<1x125xi32, #tpu.memory_space<vmem>> -> memref<125xi32, #tpu.memory_space<vmem>>
        %dma_wait3A_81 = arith.constant 0 : i32
        %dma_wait3A_82 = arith.constant 0 : i32
        %dma_wait3A_83 = tpu.memref_slice %arg2[%dma_wait3A_81, %dma_wait3A_82] : memref<10000x128xf32, #tpu.memory_space<hbm>> -> memref<10000x128xf32, #tpu.memory_space<hbm>>
        tpu.wait_indirect_dma semaphore(%arg9 : memref<!tpu.dma_semaphore, #tpu.memory_space<semaphore_mem>>) src(%dma_wait3A_83 : memref<10000x128xf32, #tpu.memory_space<hbm>>) dst(%arg7 : memref<125x128xf32, #tpu.memory_space<vmem>>)
        "tpu.region"() ({
          %run_scoped3A_101 = tpu.sem_alloc : memref<!tpu.dma_semaphore, #tpu.memory_space<semaphore_mem>>
          %dma_start3A_102 = arith.constant 0 : i32
          %dma_start3A_103 = tpu.memref_slice %arg6[%mul3A_68, %dma_start3A_102] : memref<16x125xi32, #tpu.memory_space<vmem>> -> memref<1x125xi32, #tpu.memory_space<vmem>>
          %dma_start3A_104 = tpu.memref_squeeze %dma_start3A_103 : memref<1x125xi32, #tpu.memory_space<vmem>> -> memref<125xi32, #tpu.memory_space<vmem>>
          %dma_start3A_105 = arith.constant 0 : i32
          %dma_start3A_106 = arith.constant 0 : i32
          %dma_start3A_107 = tpu.memref_slice %arg11[%dma_start3A_105, %dma_start3A_106] : memref<10000x128xf32, #tpu.memory_space<vmem_shared>> -> memref<10000x128xf32, #tpu.memory_space<vmem_shared>>
          tpu.enqueue_indirect_dma source(%arg7 : memref<125x128xf32, #tpu.memory_space<vmem>>) target(%dma_start3A_107 : memref<10000x128xf32, #tpu.memory_space<vmem_shared>>) offsets(%dma_start3A_104 : memref<125xi32, #tpu.memory_space<vmem>>) semaphore(%run_scoped3A_101 : memref<!tpu.dma_semaphore, #tpu.memory_space<semaphore_mem>>) {add = true}
          %dma_wait3A_108 = arith.constant 0 : i32
          %dma_wait3A_109 = tpu.memref_slice %arg6[%mul3A_68, %dma_wait3A_108] : memref<16x125xi32, #tpu.memory_space<vmem>> -> memref<1x125xi32, #tpu.memory_space<vmem>>
          %dma_wait3A_110 = tpu.memref_squeeze %dma_wait3A_109 : memref<1x125xi32, #tpu.memory_space<vmem>> -> memref<125xi32, #tpu.memory_space<vmem>>
          %dma_wait3A_111 = arith.constant 0 : i32
          %dma_wait3A_112 = arith.constant 0 : i32
          %dma_wait3A_113 = tpu.memref_slice %arg11[%dma_wait3A_111, %dma_wait3A_112] : memref<10000x128xf32, #tpu.memory_space<vmem_shared>> -> memref<10000x128xf32, #tpu.memory_space<vmem_shared>>
          tpu.wait_indirect_dma semaphore(%run_scoped3A_101 : memref<!tpu.dma_semaphore, #tpu.memory_space<semaphore_mem>>) src(%arg7 : memref<125x128xf32, #tpu.memory_space<vmem>>) dst(%dma_wait3A_113 : memref<10000x128xf32, #tpu.memory_space<vmem_shared>>)
          tpu.yield
        }) : () -> ()
        %add3A_84 = arith.constant 2 : i32
        %add3A_85 = arith.addi %mul3A_68, %add3A_84 : i32
        %dma_start3A_86 = arith.constant 0 : i32
        %dma_start3A_87 = tpu.memref_slice %arg5[%add3A_85, %dma_start3A_86] : memref<16x125xi32, #tpu.memory_space<vmem>> -> memref<1x125xi32, #tpu.memory_space<vmem>>
        %dma_start3A_88 = tpu.memref_squeeze %dma_start3A_87 : memref<1x125xi32, #tpu.memory_space<vmem>> -> memref<125xi32, #tpu.memory_space<vmem>>
        %dma_start3A_89 = arith.constant 0 : i32
        %dma_start3A_90 = arith.constant 0 : i32
        %dma_start3A_91 = tpu.memref_slice %arg2[%dma_start3A_89, %dma_start3A_90] : memref<10000x128xf32, #tpu.memory_space<hbm>> -> memref<10000x128xf32, #tpu.memory_space<hbm>>
        tpu.enqueue_indirect_dma source(%dma_start3A_91 : memref<10000x128xf32, #tpu.memory_space<hbm>>) target(%arg7 : memref<125x128xf32, #tpu.memory_space<vmem>>) offsets(%dma_start3A_88 : memref<125xi32, #tpu.memory_space<vmem>>) semaphore(%arg9 : memref<!tpu.dma_semaphore, #tpu.memory_space<semaphore_mem>>)
        %dma_wait3A_92 = arith.constant 0 : i32
        %dma_wait3A_93 = arith.constant 0 : i32
        %dma_wait3A_94 = tpu.memref_slice %arg5[%dma_wait3A_92, %dma_wait3A_93] : memref<16x125xi32, #tpu.memory_space<vmem>> -> memref<1x125xi32, #tpu.memory_space<vmem>>
        %dma_wait3A_95 = tpu.memref_squeeze %dma_wait3A_94 : memref<1x125xi32, #tpu.memory_space<vmem>> -> memref<125xi32, #tpu.memory_space<vmem>>
        %dma_wait3A_96 = arith.constant 0 : i32
        %dma_wait3A_97 = arith.constant 0 : i32
        %dma_wait3A_98 = tpu.memref_slice %arg2[%dma_wait3A_96, %dma_wait3A_97] : memref<10000x128xf32, #tpu.memory_space<hbm>> -> memref<10000x128xf32, #tpu.memory_space<hbm>>
        tpu.wait_indirect_dma semaphore(%arg10 : memref<!tpu.dma_semaphore, #tpu.memory_space<semaphore_mem>>) src(%dma_wait3A_98 : memref<10000x128xf32, #tpu.memory_space<hbm>>) dst(%arg8 : memref<125x128xf32, #tpu.memory_space<vmem>>)
        %add3A_99 = arith.constant 1 : i32
        %add3A_100 = arith.addi %mul3A_68, %add3A_99 : i32
        "tpu.region"() ({
          %run_scoped3A_101 = tpu.sem_alloc : memref<!tpu.dma_semaphore, #tpu.memory_space<semaphore_mem>>
          %dma_start3A_102 = arith.constant 0 : i32
          %dma_start3A_103 = tpu.memref_slice %arg6[%add3A_100, %dma_start3A_102] : memref<16x125xi32, #tpu.memory_space<vmem>> -> memref<1x125xi32, #tpu.memory_space<vmem>>
          %dma_start3A_104 = tpu.memref_squeeze %dma_start3A_103 : memref<1x125xi32, #tpu.memory_space<vmem>> -> memref<125xi32, #tpu.memory_space<vmem>>
          %dma_start3A_105 = arith.constant 0 : i32
          %dma_start3A_106 = arith.constant 0 : i32
          %dma_start3A_107 = tpu.memref_slice %arg11[%dma_start3A_105, %dma_start3A_106] : memref<10000x128xf32, #tpu.memory_space<vmem_shared>> -> memref<10000x128xf32, #tpu.memory_space<vmem_shared>>
          tpu.enqueue_indirect_dma source(%arg8 : memref<125x128xf32, #tpu.memory_space<vmem>>) target(%dma_start3A_107 : memref<10000x128xf32, #tpu.memory_space<vmem_shared>>) offsets(%dma_start3A_104 : memref<125xi32, #tpu.memory_space<vmem>>) semaphore(%run_scoped3A_101 : memref<!tpu.dma_semaphore, #tpu.memory_space<semaphore_mem>>) {add = true}
          %dma_wait3A_108 = arith.constant 0 : i32
          %dma_wait3A_109 = tpu.memref_slice %arg6[%add3A_100, %dma_wait3A_108] : memref<16x125xi32, #tpu.memory_space<vmem>> -> memref<1x125xi32, #tpu.memory_space<vmem>>
          %dma_wait3A_110 = tpu.memref_squeeze %dma_wait3A_109 : memref<1x125xi32, #tpu.memory_space<vmem>> -> memref<125xi32, #tpu.memory_space<vmem>>
          %dma_wait3A_111 = arith.constant 0 : i32
          %dma_wait3A_112 = arith.constant 0 : i32
          %dma_wait3A_113 = tpu.memref_slice %arg11[%dma_wait3A_111, %dma_wait3A_112] : memref<10000x128xf32, #tpu.memory_space<vmem_shared>> -> memref<10000x128xf32, #tpu.memory_space<vmem_shared>>
          tpu.wait_indirect_dma semaphore(%run_scoped3A_101 : memref<!tpu.dma_semaphore, #tpu.memory_space<semaphore_mem>>) src(%arg8 : memref<125x128xf32, #tpu.memory_space<vmem>>) dst(%dma_wait3A_113 : memref<10000x128xf32, #tpu.memory_space<vmem_shared>>)
          tpu.yield
        }) : () -> ()
      }
      %scan3A_43 = arith.constant 7 : i32
      %dma_start3A_44 = arith.constant 15 : i32
      %dma_start3A_45 = arith.constant 0 : i32
      %dma_start3A_46 = tpu.memref_slice %arg5[%dma_start3A_44, %dma_start3A_45] : memref<16x125xi32, #tpu.memory_space<vmem>> -> memref<1x125xi32, #tpu.memory_space<vmem>>
      %dma_start3A_47 = tpu.memref_squeeze %dma_start3A_46 : memref<1x125xi32, #tpu.memory_space<vmem>> -> memref<125xi32, #tpu.memory_space<vmem>>
      %dma_start3A_48 = arith.constant 0 : i32
      %dma_start3A_49 = arith.constant 0 : i32
      %dma_start3A_50 = tpu.memref_slice %arg2[%dma_start3A_48, %dma_start3A_49] : memref<10000x128xf32, #tpu.memory_space<hbm>> -> memref<10000x128xf32, #tpu.memory_space<hbm>>
      tpu.enqueue_indirect_dma source(%dma_start3A_50 : memref<10000x128xf32, #tpu.memory_space<hbm>>) target(%arg8 : memref<125x128xf32, #tpu.memory_space<vmem>>) offsets(%dma_start3A_47 : memref<125xi32, #tpu.memory_space<vmem>>) semaphore(%arg10 : memref<!tpu.dma_semaphore, #tpu.memory_space<semaphore_mem>>)
      %dma_wait3A = arith.constant 0 : i32
      %dma_wait3A_51 = arith.constant 0 : i32
      %dma_wait3A_52 = tpu.memref_slice %arg5[%dma_wait3A, %dma_wait3A_51] : memref<16x125xi32, #tpu.memory_space<vmem>> -> memref<1x125xi32, #tpu.memory_space<vmem>>
      %dma_wait3A_53 = tpu.memref_squeeze %dma_wait3A_52 : memref<1x125xi32, #tpu.memory_space<vmem>> -> memref<125xi32, #tpu.memory_space<vmem>>
      %dma_wait3A_54 = arith.constant 0 : i32
      %dma_wait3A_55 = arith.constant 0 : i32
      %dma_wait3A_56 = tpu.memref_slice %arg2[%dma_wait3A_54, %dma_wait3A_55] : memref<10000x128xf32, #tpu.memory_space<hbm>> -> memref<10000x128xf32, #tpu.memory_space<hbm>>
      tpu.wait_indirect_dma semaphore(%arg9 : memref<!tpu.dma_semaphore, #tpu.memory_space<semaphore_mem>>) src(%dma_wait3A_56 : memref<10000x128xf32, #tpu.memory_space<hbm>>) dst(%arg7 : memref<125x128xf32, #tpu.memory_space<vmem>>)
      %run_scoped3A_57 = arith.constant 14 : i32
      "tpu.region"() ({
        %run_scoped3A_66 = tpu.sem_alloc : memref<!tpu.dma_semaphore, #tpu.memory_space<semaphore_mem>>
        %dma_start3A_67 = arith.constant 0 : i32
        %dma_start3A_68 = tpu.memref_slice %arg6[%run_scoped3A_57, %dma_start3A_67] : memref<16x125xi32, #tpu.memory_space<vmem>> -> memref<1x125xi32, #tpu.memory_space<vmem>>
        %dma_start3A_69 = tpu.memref_squeeze %dma_start3A_68 : memref<1x125xi32, #tpu.memory_space<vmem>> -> memref<125xi32, #tpu.memory_space<vmem>>
        %dma_start3A_70 = arith.constant 0 : i32
        %dma_start3A_71 = arith.constant 0 : i32
        %dma_start3A_72 = tpu.memref_slice %arg11[%dma_start3A_70, %dma_start3A_71] : memref<10000x128xf32, #tpu.memory_space<vmem_shared>> -> memref<10000x128xf32, #tpu.memory_space<vmem_shared>>
        tpu.enqueue_indirect_dma source(%arg7 : memref<125x128xf32, #tpu.memory_space<vmem>>) target(%dma_start3A_72 : memref<10000x128xf32, #tpu.memory_space<vmem_shared>>) offsets(%dma_start3A_69 : memref<125xi32, #tpu.memory_space<vmem>>) semaphore(%run_scoped3A_66 : memref<!tpu.dma_semaphore, #tpu.memory_space<semaphore_mem>>) {add = true}
        %dma_wait3A_73 = arith.constant 0 : i32
        %dma_wait3A_74 = tpu.memref_slice %arg6[%run_scoped3A_57, %dma_wait3A_73] : memref<16x125xi32, #tpu.memory_space<vmem>> -> memref<1x125xi32, #tpu.memory_space<vmem>>
        %dma_wait3A_75 = tpu.memref_squeeze %dma_wait3A_74 : memref<1x125xi32, #tpu.memory_space<vmem>> -> memref<125xi32, #tpu.memory_space<vmem>>
        %dma_wait3A_76 = arith.constant 0 : i32
        %dma_wait3A_77 = arith.constant 0 : i32
        %dma_wait3A_78 = tpu.memref_slice %arg11[%dma_wait3A_76, %dma_wait3A_77] : memref<10000x128xf32, #tpu.memory_space<vmem_shared>> -> memref<10000x128xf32, #tpu.memory_space<vmem_shared>>
        tpu.wait_indirect_dma semaphore(%run_scoped3A_66 : memref<!tpu.dma_semaphore, #tpu.memory_space<semaphore_mem>>) src(%arg7 : memref<125x128xf32, #tpu.memory_space<vmem>>) dst(%dma_wait3A_78 : memref<10000x128xf32, #tpu.memory_space<vmem_shared>>)
        tpu.yield
      }) : () -> ()
      %dma_wait3A_58 = arith.constant 0 : i32
      %dma_wait3A_59 = arith.constant 0 : i32
      %dma_wait3A_60 = tpu.memref_slice %arg5[%dma_wait3A_58, %dma_wait3A_59] : memref<16x125xi32, #tpu.memory_space<vmem>> -> memref<1x125xi32, #tpu.memory_space<vmem>>
      %dma_wait3A_61 = tpu.memref_squeeze %dma_wait3A_60 : memref<1x125xi32, #tpu.memory_space<vmem>> -> memref<125xi32, #tpu.memory_space<vmem>>
      %dma_wait3A_62 = arith.constant 0 : i32
      %dma_wait3A_63 = arith.constant 0 : i32
      %dma_wait3A_64 = tpu.memref_slice %arg2[%dma_wait3A_62, %dma_wait3A_63] : memref<10000x128xf32, #tpu.memory_space<hbm>> -> memref<10000x128xf32, #tpu.memory_space<hbm>>
      tpu.wait_indirect_dma semaphore(%arg10 : memref<!tpu.dma_semaphore, #tpu.memory_space<semaphore_mem>>) src(%dma_wait3A_64 : memref<10000x128xf32, #tpu.memory_space<hbm>>) dst(%arg8 : memref<125x128xf32, #tpu.memory_space<vmem>>)
      %run_scoped3A_65 = arith.constant 15 : i32
      "tpu.region"() ({
        %run_scoped3A_66 = tpu.sem_alloc : memref<!tpu.dma_semaphore, #tpu.memory_space<semaphore_mem>>
        %dma_start3A_67 = arith.constant 0 : i32
        %dma_start3A_68 = tpu.memref_slice %arg6[%run_scoped3A_65, %dma_start3A_67] : memref<16x125xi32, #tpu.memory_space<vmem>> -> memref<1x125xi32, #tpu.memory_space<vmem>>
        %dma_start3A_69 = tpu.memref_squeeze %dma_start3A_68 : memref<1x125xi32, #tpu.memory_space<vmem>> -> memref<125xi32, #tpu.memory_space<vmem>>
        %dma_start3A_70 = arith.constant 0 : i32
        %dma_start3A_71 = arith.constant 0 : i32
        %dma_start3A_72 = tpu.memref_slice %arg11[%dma_start3A_70, %dma_start3A_71] : memref<10000x128xf32, #tpu.memory_space<vmem_shared>> -> memref<10000x128xf32, #tpu.memory_space<vmem_shared>>
        tpu.enqueue_indirect_dma source(%arg8 : memref<125x128xf32, #tpu.memory_space<vmem>>) target(%dma_start3A_72 : memref<10000x128xf32, #tpu.memory_space<vmem_shared>>) offsets(%dma_start3A_69 : memref<125xi32, #tpu.memory_space<vmem>>) semaphore(%run_scoped3A_66 : memref<!tpu.dma_semaphore, #tpu.memory_space<semaphore_mem>>) {add = true}
        %dma_wait3A_73 = arith.constant 0 : i32
        %dma_wait3A_74 = tpu.memref_slice %arg6[%run_scoped3A_65, %dma_wait3A_73] : memref<16x125xi32, #tpu.memory_space<vmem>> -> memref<1x125xi32, #tpu.memory_space<vmem>>
        %dma_wait3A_75 = tpu.memref_squeeze %dma_wait3A_74 : memref<1x125xi32, #tpu.memory_space<vmem>> -> memref<125xi32, #tpu.memory_space<vmem>>
        %dma_wait3A_76 = arith.constant 0 : i32
        %dma_wait3A_77 = arith.constant 0 : i32
        %dma_wait3A_78 = tpu.memref_slice %arg11[%dma_wait3A_76, %dma_wait3A_77] : memref<10000x128xf32, #tpu.memory_space<vmem_shared>> -> memref<10000x128xf32, #tpu.memory_space<vmem_shared>>
        tpu.wait_indirect_dma semaphore(%run_scoped3A_66 : memref<!tpu.dma_semaphore, #tpu.memory_space<semaphore_mem>>) src(%arg8 : memref<125x128xf32, #tpu.memory_space<vmem>>) dst(%dma_wait3A_78 : memref<10000x128xf32, #tpu.memory_space<vmem_shared>>)
        tpu.yield
      }) : () -> ()
    }
    %scan3A_19 = arith.constant 5 : i32
    %barrier3A_20 = arith.constant 0 : index
    tpu.barrier barrier_id(%barrier3A_20)
    %mul3A_21 = arith.constant 624 : i32
    %mul3A_22 = arith.muli %arg1, %mul3A_21 : i32
    %mul3A_23 = arith.constant 624 : i32
    %mul3A_24 = arith.muli %arg1, %mul3A_23 : i32
    "tpu.region"() ({
      %run_scoped3A = tpu.sem_alloc : memref<!tpu.dma_semaphore, #tpu.memory_space<semaphore_mem>>
      %dma_start3A = arith.constant 0 : i32
      %dma_start3A_30 = tpu.memref_slice %arg4[%arg0, %mul3A_24, %dma_start3A] : memref<2x10000x128xf32, #tpu.memory_space<hbm>> -> memref<1x624x128xf32, #tpu.memory_space<hbm>>
      %dma_start3A_31 = tpu.memref_squeeze %dma_start3A_30 : memref<1x624x128xf32, #tpu.memory_space<hbm>> -> memref<624x128xf32, #tpu.memory_space<hbm>>
      %dma_start3A_32 = arith.constant 0 : i32
      %dma_start3A_33 = tpu.memref_slice %arg11[%mul3A_22, %dma_start3A_32] : memref<10000x128xf32, #tpu.memory_space<vmem_shared>> -> memref<624x128xf32, #tpu.memory_space<vmem_shared>>
      tpu.enqueue_dma source(%dma_start3A_33 : memref<624x128xf32, #tpu.memory_space<vmem_shared>>) target(%dma_start3A_31 : memref<624x128xf32, #tpu.memory_space<hbm>>) target_semaphore(%run_scoped3A : memref<!tpu.dma_semaphore, #tpu.memory_space<semaphore_mem>>)
      %dma_wait3A = arith.constant 0 : i32
      %dma_wait3A_34 = tpu.memref_slice %arg4[%arg0, %mul3A_24, %dma_wait3A] : memref<2x10000x128xf32, #tpu.memory_space<hbm>> -> memref<1x624x128xf32, #tpu.memory_space<hbm>>
      %dma_wait3A_35 = tpu.memref_squeeze %dma_wait3A_34 : memref<1x624x128xf32, #tpu.memory_space<hbm>> -> memref<624x128xf32, #tpu.memory_space<hbm>>
      %dma_wait3A_36 = arith.constant 0 : i32
      %dma_wait3A_37 = tpu.memref_slice %arg11[%mul3A_22, %dma_wait3A_36] : memref<10000x128xf32, #tpu.memory_space<vmem_shared>> -> memref<624x128xf32, #tpu.memory_space<vmem_shared>>
      tpu.wait_dma2 semaphore(%run_scoped3A : memref<!tpu.dma_semaphore, #tpu.memory_space<semaphore_mem>>) src(%dma_wait3A_37 : memref<624x128xf32, #tpu.memory_space<vmem_shared>>) dst(%dma_wait3A_35 : memref<624x128xf32, #tpu.memory_space<hbm>>)
      tpu.yield
    }) : () -> ()
    %eq3A_25 = arith.constant 0 : i32
    %eq3A_26 = arith.cmpi eq, %arg1, %eq3A_25 : i32
    %convert_element_type3A_27 = arith.extui %eq3A_26 : i1 to i32
    %cond3A_28 = arith.constant 0 : i32
    %cond3A_29 = arith.cmpi ne, %convert_element_type3A_27, %cond3A_28 : i32
    scf.if %cond3A_29 {
      "tpu.region"() ({
        %run_scoped3A = tpu.sem_alloc : memref<!tpu.dma_semaphore, #tpu.memory_space<semaphore_mem>>
        %dma_start3A = arith.constant 9984 : i32
        %dma_start3A_30 = arith.constant 0 : i32
        %dma_start3A_31 = tpu.memref_slice %arg4[%arg0, %dma_start3A, %dma_start3A_30] : memref<2x10000x128xf32, #tpu.memory_space<hbm>> -> memref<1x16x128xf32, #tpu.memory_space<hbm>>
        %dma_start3A_32 = tpu.memref_squeeze %dma_start3A_31 : memref<1x16x128xf32, #tpu.memory_space<hbm>> -> memref<16x128xf32, #tpu.memory_space<hbm>>
        %dma_start3A_33 = arith.constant 9984 : i32
        %dma_start3A_34 = arith.constant 0 : i32
        %dma_start3A_35 = tpu.memref_slice %arg11[%dma_start3A_33, %dma_start3A_34] : memref<10000x128xf32, #tpu.memory_space<vmem_shared>> -> memref<16x128xf32, #tpu.memory_space<vmem_shared>>
        tpu.enqueue_dma source(%dma_start3A_35 : memref<16x128xf32, #tpu.memory_space<vmem_shared>>) target(%dma_start3A_32 : memref<16x128xf32, #tpu.memory_space<hbm>>) target_semaphore(%run_scoped3A : memref<!tpu.dma_semaphore, #tpu.memory_space<semaphore_mem>>)
        %dma_wait3A = arith.constant 9984 : i32
        %dma_wait3A_36 = arith.constant 0 : i32
        %dma_wait3A_37 = tpu.memref_slice %arg4[%arg0, %dma_wait3A, %dma_wait3A_36] : memref<2x10000x128xf32, #tpu.memory_space<hbm>> -> memref<1x16x128xf32, #tpu.memory_space<hbm>>
        %dma_wait3A_38 = tpu.memref_squeeze %dma_wait3A_37 : memref<1x16x128xf32, #tpu.memory_space<hbm>> -> memref<16x128xf32, #tpu.memory_space<hbm>>
        %dma_wait3A_39 = arith.constant 9984 : i32
        %dma_wait3A_40 = arith.constant 0 : i32
        %dma_wait3A_41 = tpu.memref_slice %arg11[%dma_wait3A_39, %dma_wait3A_40] : memref<10000x128xf32, #tpu.memory_space<vmem_shared>> -> memref<16x128xf32, #tpu.memory_space<vmem_shared>>
        tpu.wait_dma2 semaphore(%run_scoped3A : memref<!tpu.dma_semaphore, #tpu.memory_space<semaphore_mem>>) src(%dma_wait3A_41 : memref<16x128xf32, #tpu.memory_space<vmem_shared>>) dst(%dma_wait3A_38 : memref<16x128xf32, #tpu.memory_space<hbm>>)
        tpu.yield
      }) : () -> ()
    } else {
    }
    return
  }
}

#map = affine_map<(d0, d1) -> (0, 0)>
#map1 = affine_map<(d0, d1) -> (0, 0, 0, 0, 0)>
#map2 = affine_map<(d0, d1) -> (0, 0, 0)>
module attributes {stable_mosaic.version = 14 : i64} {
  func.func @agg_kernel(%arg0: i32, %arg1: i32, %arg2: memref<10000x128xf32, #tpu.memory_space<hbm>>, %arg3: memref<2x32x5x16x125xi32, #tpu.memory_space<hbm>>, %arg4: memref<2x10000x128xf32, #tpu.memory_space<hbm>>, %arg5: memref<16x125xi32, #tpu.memory_space<vmem>>, %arg6: memref<16x125xi32, #tpu.memory_space<vmem>>, %arg7: memref<125x128xf32, #tpu.memory_space<vmem>>, %arg8: memref<125x128xf32, #tpu.memory_space<vmem>>, %arg9: memref<!tpu.dma_semaphore, #tpu.memory_space<semaphore_mem>>, %arg10: memref<!tpu.dma_semaphore, #tpu.memory_space<semaphore_mem>>, %arg11: memref<10000x128xf32, #tpu.memory_space<vmem_shared>>) attributes {dimension_semantics = [#tpu.dimension_semantics<core_parallel>, #tpu.dimension_semantics<subcore_parallel>], iteration_bounds = array<i64: 2, 16>, scalar_prefetch = 0 : i64, scratch_operands = 7 : i64, tpu.core_type = #tpu.core_type<sc_vector_subcore>, window_params = [{transform_indices = #map}, {transform_indices = #map1}, {transform_indices = #map2}]} {
    %mul3A = arith.constant 16 : i32
    %mul3A_0 = arith.muli %arg0, %mul3A : i32
    %add3A = arith.addi %mul3A_0, %arg1 : i32
    %scan3A = arith.constant 0 : i32
    %scan3A_1 = arith.constant 0 : i32
    %scan3A_2 = arith.constant 125 : i32
    %scan3A_3 = arith.addi %scan3A_1, %scan3A_2 : i32
    %scan3A_4 = arith.constant 1 : i32
    scf.for %scan3A_30 = %scan3A_1 to %scan3A_3 step %scan3A_4  : i32 {
      %broadcast_in_dim3A = arith.constant 0.000000e+00 : f32
      %broadcast_in_dim3A_31 = vector.broadcast %broadcast_in_dim3A : f32 to vector<16xf32>
      %swap3A = arith.index_cast %scan3A_30 : i32 to index
      %swap3A_32 = arith.constant 0 : index
      %swap3A_33 = tpu.vector_load %arg7[%swap3A, %swap3A_32] {strides = array<i32>} : memref<125x128xf32, #tpu.memory_space<vmem>>, vector<1x16xf32>,
      %swap3A_34 = vector.shape_cast %swap3A_33 : vector<1x16xf32> to vector<16xf32>
      %swap3A_35 = vector.shape_cast %broadcast_in_dim3A_31 : vector<16xf32> to vector<1x16xf32>
      tpu.vector_store %arg7[%swap3A, %swap3A_32], %swap3A_35 {strides = array<i32>} : memref<125x128xf32, #tpu.memory_space<vmem>>, vector<1x16xf32>,
      %broadcast_in_dim3A_36 = arith.constant 0.000000e+00 : f32
      %broadcast_in_dim3A_37 = vector.broadcast %broadcast_in_dim3A_36 : f32 to vector<16xf32>
      %swap3A_38 = arith.index_cast %scan3A_30 : i32 to index
      %swap3A_39 = arith.constant 16 : index
      %swap3A_40 = tpu.vector_load %arg7[%swap3A_38, %swap3A_39] {strides = array<i32>} : memref<125x128xf32, #tpu.memory_space<vmem>>, vector<1x16xf32>,
      %swap3A_41 = vector.shape_cast %swap3A_40 : vector<1x16xf32> to vector<16xf32>
      %swap3A_42 = vector.shape_cast %broadcast_in_dim3A_37 : vector<16xf32> to vector<1x16xf32>
      tpu.vector_store %arg7[%swap3A_38, %swap3A_39], %swap3A_42 {strides = array<i32>} : memref<125x128xf32, #tpu.memory_space<vmem>>, vector<1x16xf32>,
      %broadcast_in_dim3A_43 = arith.constant 0.000000e+00 : f32
      %broadcast_in_dim3A_44 = vector.broadcast %broadcast_in_dim3A_43 : f32 to vector<16xf32>
      %swap3A_45 = arith.index_cast %scan3A_30 : i32 to index
      %swap3A_46 = arith.constant 32 : index
      %swap3A_47 = tpu.vector_load %arg7[%swap3A_45, %swap3A_46] {strides = array<i32>} : memref<125x128xf32, #tpu.memory_space<vmem>>, vector<1x16xf32>,
      %swap3A_48 = vector.shape_cast %swap3A_47 : vector<1x16xf32> to vector<16xf32>
      %swap3A_49 = vector.shape_cast %broadcast_in_dim3A_44 : vector<16xf32> to vector<1x16xf32>
      tpu.vector_store %arg7[%swap3A_45, %swap3A_46], %swap3A_49 {strides = array<i32>} : memref<125x128xf32, #tpu.memory_space<vmem>>, vector<1x16xf32>,
      %broadcast_in_dim3A_50 = arith.constant 0.000000e+00 : f32
      %broadcast_in_dim3A_51 = vector.broadcast %broadcast_in_dim3A_50 : f32 to vector<16xf32>
      %swap3A_52 = arith.index_cast %scan3A_30 : i32 to index
      %swap3A_53 = arith.constant 48 : index
      %swap3A_54 = tpu.vector_load %arg7[%swap3A_52, %swap3A_53] {strides = array<i32>} : memref<125x128xf32, #tpu.memory_space<vmem>>, vector<1x16xf32>,
      %swap3A_55 = vector.shape_cast %swap3A_54 : vector<1x16xf32> to vector<16xf32>
      %swap3A_56 = vector.shape_cast %broadcast_in_dim3A_51 : vector<16xf32> to vector<1x16xf32>
      tpu.vector_store %arg7[%swap3A_52, %swap3A_53], %swap3A_56 {strides = array<i32>} : memref<125x128xf32, #tpu.memory_space<vmem>>, vector<1x16xf32>,
      %broadcast_in_dim3A_57 = arith.constant 0.000000e+00 : f32
      %broadcast_in_dim3A_58 = vector.broadcast %broadcast_in_dim3A_57 : f32 to vector<16xf32>
      %swap3A_59 = arith.index_cast %scan3A_30 : i32 to index
      %swap3A_60 = arith.constant 64 : index
      %swap3A_61 = tpu.vector_load %arg7[%swap3A_59, %swap3A_60] {strides = array<i32>} : memref<125x128xf32, #tpu.memory_space<vmem>>, vector<1x16xf32>,
      %swap3A_62 = vector.shape_cast %swap3A_61 : vector<1x16xf32> to vector<16xf32>
      %swap3A_63 = vector.shape_cast %broadcast_in_dim3A_58 : vector<16xf32> to vector<1x16xf32>
      tpu.vector_store %arg7[%swap3A_59, %swap3A_60], %swap3A_63 {strides = array<i32>} : memref<125x128xf32, #tpu.memory_space<vmem>>, vector<1x16xf32>,
      %broadcast_in_dim3A_64 = arith.constant 0.000000e+00 : f32
      %broadcast_in_dim3A_65 = vector.broadcast %broadcast_in_dim3A_64 : f32 to vector<16xf32>
      %swap3A_66 = arith.index_cast %scan3A_30 : i32 to index
      %swap3A_67 = arith.constant 80 : index
      %swap3A_68 = tpu.vector_load %arg7[%swap3A_66, %swap3A_67] {strides = array<i32>} : memref<125x128xf32, #tpu.memory_space<vmem>>, vector<1x16xf32>,
      %swap3A_69 = vector.shape_cast %swap3A_68 : vector<1x16xf32> to vector<16xf32>
      %swap3A_70 = vector.shape_cast %broadcast_in_dim3A_65 : vector<16xf32> to vector<1x16xf32>
      tpu.vector_store %arg7[%swap3A_66, %swap3A_67], %swap3A_70 {strides = array<i32>} : memref<125x128xf32, #tpu.memory_space<vmem>>, vector<1x16xf32>,
      %broadcast_in_dim3A_71 = arith.constant 0.000000e+00 : f32
      %broadcast_in_dim3A_72 = vector.broadcast %broadcast_in_dim3A_71 : f32 to vector<16xf32>
      %swap3A_73 = arith.index_cast %scan3A_30 : i32 to index
      %swap3A_74 = arith.constant 96 : index
      %swap3A_75 = tpu.vector_load %arg7[%swap3A_73, %swap3A_74] {strides = array<i32>} : memref<125x128xf32, #tpu.memory_space<vmem>>, vector<1x16xf32>,
      %swap3A_76 = vector.shape_cast %swap3A_75 : vector<1x16xf32> to vector<16xf32>
      %swap3A_77 = vector.shape_cast %broadcast_in_dim3A_72 : vector<16xf32> to vector<1x16xf32>
      tpu.vector_store %arg7[%swap3A_73, %swap3A_74], %swap3A_77 {strides = array<i32>} : memref<125x128xf32, #tpu.memory_space<vmem>>, vector<1x16xf32>,
      %broadcast_in_dim3A_78 = arith.constant 0.000000e+00 : f32
      %broadcast_in_dim3A_79 = vector.broadcast %broadcast_in_dim3A_78 : f32 to vector<16xf32>
      %swap3A_80 = arith.index_cast %scan3A_30 : i32 to index
      %swap3A_81 = arith.constant 112 : index
      %swap3A_82 = tpu.vector_load %arg7[%swap3A_80, %swap3A_81] {strides = array<i32>} : memref<125x128xf32, #tpu.memory_space<vmem>>, vector<1x16xf32>,
      %swap3A_83 = vector.shape_cast %swap3A_82 : vector<1x16xf32> to vector<16xf32>
      %swap3A_84 = vector.shape_cast %broadcast_in_dim3A_79 : vector<16xf32> to vector<1x16xf32>
      tpu.vector_store %arg7[%swap3A_80, %swap3A_81], %swap3A_84 {strides = array<i32>} : memref<125x128xf32, #tpu.memory_space<vmem>>, vector<1x16xf32>,
    }
    %scan3A_5 = arith.constant 125 : i32
    %scan3A_6 = arith.constant 0 : i32
    %scan3A_7 = arith.constant 0 : i32
    %scan3A_8 = arith.constant 6 : i32
    %scan3A_9 = arith.addi %scan3A_7, %scan3A_8 : i32
    %scan3A_10 = arith.constant 1 : i32
    scf.for %scan3A_30 = %scan3A_7 to %scan3A_9 step %scan3A_10  : i32 {
      %mul3A_31 = arith.constant 624 : i32
      %mul3A_32 = arith.muli %arg1, %mul3A_31 : i32
      %mul3A_33 = arith.constant 104 : i32
      %mul3A_34 = arith.muli %scan3A_30, %mul3A_33 : i32
      %add3A_35 = arith.addi %mul3A_32, %mul3A_34 : i32
      "tpu.region"() ({
        %run_scoped3A = tpu.sem_alloc : memref<!tpu.dma_semaphore, #tpu.memory_space<semaphore_mem>>
        %dma_start3A = arith.constant 0 : i32
        %dma_start3A_36 = arith.constant 0 : i32
        %dma_start3A_37 = tpu.memref_slice %arg7[%dma_start3A, %dma_start3A_36] : memref<125x128xf32, #tpu.memory_space<vmem>> -> memref<104x128xf32, #tpu.memory_space<vmem>>
        %dma_start3A_38 = arith.constant 0 : i32
        %dma_start3A_39 = tpu.memref_slice %arg11[%add3A_35, %dma_start3A_38] : memref<10000x128xf32, #tpu.memory_space<vmem_shared>> -> memref<104x128xf32, #tpu.memory_space<vmem_shared>>
        %dma_start3A_40 = arith.constant 0 : i32
        %dma_start3A_41 = tpu.memref_slice %arg11[%add3A_35, %dma_start3A_40] : memref<10000x128xf32, #tpu.memory_space<vmem_shared>> -> memref<104x128xf32, #tpu.memory_space<vmem_shared>>
        %dma_start3A_42 = arith.constant 0 : i32
        %dma_start3A_43 = arith.constant 0 : i32
        %dma_start3A_44 = tpu.memref_slice %arg7[%dma_start3A_42, %dma_start3A_43] : memref<125x128xf32, #tpu.memory_space<vmem>> -> memref<104x128xf32, #tpu.memory_space<vmem>>
        tpu.enqueue_dma source(%dma_start3A_44 : memref<104x128xf32, #tpu.memory_space<vmem>>) target(%dma_start3A_41 : memref<104x128xf32, #tpu.memory_space<vmem_shared>>) target_semaphore(%run_scoped3A : memref<!tpu.dma_semaphore, #tpu.memory_space<semaphore_mem>>)
        %dma_wait3A = arith.constant 0 : i32
        %dma_wait3A_45 = arith.constant 0 : i32
        %dma_wait3A_46 = tpu.memref_slice %arg7[%dma_wait3A, %dma_wait3A_45] : memref<125x128xf32, #tpu.memory_space<vmem>> -> memref<104x128xf32, #tpu.memory_space<vmem>>
        %dma_wait3A_47 = arith.constant 0 : i32
        %dma_wait3A_48 = tpu.memref_slice %arg11[%add3A_35, %dma_wait3A_47] : memref<10000x128xf32, #tpu.memory_space<vmem_shared>> -> memref<104x128xf32, #tpu.memory_space<vmem_shared>>
        %dma_wait3A_49 = arith.constant 0 : i32
        %dma_wait3A_50 = tpu.memref_slice %arg11[%add3A_35, %dma_wait3A_49] : memref<10000x128xf32, #tpu.memory_space<vmem_shared>> -> memref<104x128xf32, #tpu.memory_space<vmem_shared>>
        %dma_wait3A_51 = arith.constant 0 : i32
        %dma_wait3A_52 = arith.constant 0 : i32
        %dma_wait3A_53 = tpu.memref_slice %arg7[%dma_wait3A_51, %dma_wait3A_52] : memref<125x128xf32, #tpu.memory_space<vmem>> -> memref<104x128xf32, #tpu.memory_space<vmem>>
        tpu.wait_dma2 semaphore(%run_scoped3A : memref<!tpu.dma_semaphore, #tpu.memory_space<semaphore_mem>>) src(%dma_wait3A_53 : memref<104x128xf32, #tpu.memory_space<vmem>>) dst(%dma_wait3A_50 : memref<104x128xf32, #tpu.memory_space<vmem_shared>>)
        tpu.yield
      }) : () -> ()
    }
    %scan3A_11 = arith.constant 6 : i32
    %eq3A = arith.constant 0 : i32
    %eq3A_12 = arith.cmpi eq, %arg1, %eq3A : i32
    %convert_element_type3A = arith.extui %eq3A_12 : i1 to i32
    %cond3A = arith.constant 0 : i32
    %cond3A_13 = arith.cmpi ne, %convert_element_type3A, %cond3A : i32
    scf.if %cond3A_13 {
      "tpu.region"() ({
        %run_scoped3A = tpu.sem_alloc : memref<!tpu.dma_semaphore, #tpu.memory_space<semaphore_mem>>
        %dma_start3A = arith.constant 0 : i32
        %dma_start3A_30 = arith.constant 0 : i32
        %dma_start3A_31 = tpu.memref_slice %arg7[%dma_start3A, %dma_start3A_30] : memref<125x128xf32, #tpu.memory_space<vmem>> -> memref<16x128xf32, #tpu.memory_space<vmem>>
        %dma_start3A_32 = arith.constant 9984 : i32
        %dma_start3A_33 = arith.constant 0 : i32
        %dma_start3A_34 = tpu.memref_slice %arg11[%dma_start3A_32, %dma_start3A_33] : memref<10000x128xf32, #tpu.memory_space<vmem_shared>> -> memref<16x128xf32, #tpu.memory_space<vmem_shared>>
        %dma_start3A_35 = arith.constant 9984 : i32
        %dma_start3A_36 = arith.constant 0 : i32
        %dma_start3A_37 = tpu.memref_slice %arg11[%dma_start3A_35, %dma_start3A_36] : memref<10000x128xf32, #tpu.memory_space<vmem_shared>> -> memref<16x128xf32, #tpu.memory_space<vmem_shared>>
        %dma_start3A_38 = arith.constant 0 : i32
        %dma_start3A_39 = arith.constant 0 : i32
        %dma_start3A_40 = tpu.memref_slice %arg7[%dma_start3A_38, %dma_start3A_39] : memref<125x128xf32, #tpu.memory_space<vmem>> -> memref<16x128xf32, #tpu.memory_space<vmem>>
        tpu.enqueue_dma source(%dma_start3A_40 : memref<16x128xf32, #tpu.memory_space<vmem>>) target(%dma_start3A_37 : memref<16x128xf32, #tpu.memory_space<vmem_shared>>) target_semaphore(%run_scoped3A : memref<!tpu.dma_semaphore, #tpu.memory_space<semaphore_mem>>)
        %dma_wait3A = arith.constant 0 : i32
        %dma_wait3A_41 = arith.constant 0 : i32
        %dma_wait3A_42 = tpu.memref_slice %arg7[%dma_wait3A, %dma_wait3A_41] : memref<125x128xf32, #tpu.memory_space<vmem>> -> memref<16x128xf32, #tpu.memory_space<vmem>>
        %dma_wait3A_43 = arith.constant 9984 : i32
        %dma_wait3A_44 = arith.constant 0 : i32
        %dma_wait3A_45 = tpu.memref_slice %arg11[%dma_wait3A_43, %dma_wait3A_44] : memref<10000x128xf32, #tpu.memory_space<vmem_shared>> -> memref<16x128xf32, #tpu.memory_space<vmem_shared>>
        %dma_wait3A_46 = arith.constant 9984 : i32
        %dma_wait3A_47 = arith.constant 0 : i32
        %dma_wait3A_48 = tpu.memref_slice %arg11[%dma_wait3A_46, %dma_wait3A_47] : memref<10000x128xf32, #tpu.memory_space<vmem_shared>> -> memref<16x128xf32, #tpu.memory_space<vmem_shared>>
        %dma_wait3A_49 = arith.constant 0 : i32
        %dma_wait3A_50 = arith.constant 0 : i32
        %dma_wait3A_51 = tpu.memref_slice %arg7[%dma_wait3A_49, %dma_wait3A_50] : memref<125x128xf32, #tpu.memory_space<vmem>> -> memref<16x128xf32, #tpu.memory_space<vmem>>
        tpu.wait_dma2 semaphore(%run_scoped3A : memref<!tpu.dma_semaphore, #tpu.memory_space<semaphore_mem>>) src(%dma_wait3A_51 : memref<16x128xf32, #tpu.memory_space<vmem>>) dst(%dma_wait3A_48 : memref<16x128xf32, #tpu.memory_space<vmem_shared>>)
        tpu.yield
      }) : () -> ()
    } else {
    }
    %barrier3A = arith.constant 0 : index
    tpu.barrier barrier_id(%barrier3A)
    %scan3A_14 = arith.constant 0 : i32
    %scan3A_15 = arith.constant 0 : i32
    %scan3A_16 = arith.constant 5 : i32
    %scan3A_17 = arith.addi %scan3A_15, %scan3A_16 : i32
    %scan3A_18 = arith.constant 1 : i32
    scf.for %scan3A_30 = %scan3A_15 to %scan3A_17 step %scan3A_18  : i32 {
      %run_scoped3A = arith.constant 0 : i32
      "tpu.region"() ({
        %run_scoped3A_66 = tpu.sem_alloc : memref<!tpu.dma_semaphore, #tpu.memory_space<semaphore_mem>>
        %dma_start3A_67 = arith.constant 0 : i32
        %dma_start3A_68 = arith.constant 0 : i32
        %dma_start3A_69 = tpu.memref_slice %arg3[%run_scoped3A, %add3A, %scan3A_30, %dma_start3A_67, %dma_start3A_68] : memref<2x32x5x16x125xi32, #tpu.memory_space<hbm>> -> memref<1x1x1x16x125xi32, #tpu.memory_space<hbm>>
        %dma_start3A_70 = tpu.memref_squeeze %dma_start3A_69 : memref<1x1x1x16x125xi32, #tpu.memory_space<hbm>> -> memref<16x125xi32, #tpu.memory_space<hbm>>
        %dma_start3A_71 = arith.constant 0 : i32
        %dma_start3A_72 = arith.constant 0 : i32
        %dma_start3A_73 = tpu.memref_slice %arg3[%run_scoped3A, %add3A, %scan3A_30, %dma_start3A_71, %dma_start3A_72] : memref<2x32x5x16x125xi32, #tpu.memory_space<hbm>> -> memref<1x1x1x16x125xi32, #tpu.memory_space<hbm>>
        %dma_start3A_74 = tpu.memref_squeeze %dma_start3A_73 : memref<1x1x1x16x125xi32, #tpu.memory_space<hbm>> -> memref<16x125xi32, #tpu.memory_space<hbm>>
        tpu.enqueue_dma source(%dma_start3A_74 : memref<16x125xi32, #tpu.memory_space<hbm>>) target(%arg5 : memref<16x125xi32, #tpu.memory_space<vmem>>) target_semaphore(%run_scoped3A_66 : memref<!tpu.dma_semaphore, #tpu.memory_space<semaphore_mem>>)
        %dma_wait3A_75 = arith.constant 0 : i32
        %dma_wait3A_76 = arith.constant 0 : i32
        %dma_wait3A_77 = tpu.memref_slice %arg3[%run_scoped3A, %add3A, %scan3A_30, %dma_wait3A_75, %dma_wait3A_76] : memref<2x32x5x16x125xi32, #tpu.memory_space<hbm>> -> memref<1x1x1x16x125xi32, #tpu.memory_space<hbm>>
        %dma_wait3A_78 = tpu.memref_squeeze %dma_wait3A_77 : memref<1x1x1x16x125xi32, #tpu.memory_space<hbm>> -> memref<16x125xi32, #tpu.memory_space<hbm>>
        %dma_wait3A_79 = arith.constant 0 : i32
        %dma_wait3A_80 = arith.constant 0 : i32
        %dma_wait3A_81 = tpu.memref_slice %arg3[%run_scoped3A, %add3A, %scan3A_30, %dma_wait3A_79, %dma_wait3A_80] : memref<2x32x5x16x125xi32, #tpu.memory_space<hbm>> -> memref<1x1x1x16x125xi32, #tpu.memory_space<hbm>>
        %dma_wait3A_82 = tpu.memref_squeeze %dma_wait3A_81 : memref<1x1x1x16x125xi32, #tpu.memory_space<hbm>> -> memref<16x125xi32, #tpu.memory_space<hbm>>
        tpu.wait_dma2 semaphore(%run_scoped3A_66 : memref<!tpu.dma_semaphore, #tpu.memory_space<semaphore_mem>>) src(%dma_wait3A_82 : memref<16x125xi32, #tpu.memory_space<hbm>>) dst(%arg5 : memref<16x125xi32, #tpu.memory_space<vmem>>)
        tpu.yield
      }) : () -> ()
      %run_scoped3A_31 = arith.constant 1 : i32
      "tpu.region"() ({
        %run_scoped3A_66 = tpu.sem_alloc : memref<!tpu.dma_semaphore, #tpu.memory_space<semaphore_mem>>
        %dma_start3A_67 = arith.constant 0 : i32
        %dma_start3A_68 = arith.constant 0 : i32
        %dma_start3A_69 = tpu.memref_slice %arg3[%run_scoped3A_31, %add3A, %scan3A_30, %dma_start3A_67, %dma_start3A_68] : memref<2x32x5x16x125xi32, #tpu.memory_space<hbm>> -> memref<1x1x1x16x125xi32, #tpu.memory_space<hbm>>
        %dma_start3A_70 = tpu.memref_squeeze %dma_start3A_69 : memref<1x1x1x16x125xi32, #tpu.memory_space<hbm>> -> memref<16x125xi32, #tpu.memory_space<hbm>>
        %dma_start3A_71 = arith.constant 0 : i32
        %dma_start3A_72 = arith.constant 0 : i32
        %dma_start3A_73 = tpu.memref_slice %arg3[%run_scoped3A_31, %add3A, %scan3A_30, %dma_start3A_71, %dma_start3A_72] : memref<2x32x5x16x125xi32, #tpu.memory_space<hbm>> -> memref<1x1x1x16x125xi32, #tpu.memory_space<hbm>>
        %dma_start3A_74 = tpu.memref_squeeze %dma_start3A_73 : memref<1x1x1x16x125xi32, #tpu.memory_space<hbm>> -> memref<16x125xi32, #tpu.memory_space<hbm>>
        tpu.enqueue_dma source(%dma_start3A_74 : memref<16x125xi32, #tpu.memory_space<hbm>>) target(%arg6 : memref<16x125xi32, #tpu.memory_space<vmem>>) target_semaphore(%run_scoped3A_66 : memref<!tpu.dma_semaphore, #tpu.memory_space<semaphore_mem>>)
        %dma_wait3A_75 = arith.constant 0 : i32
        %dma_wait3A_76 = arith.constant 0 : i32
        %dma_wait3A_77 = tpu.memref_slice %arg3[%run_scoped3A_31, %add3A, %scan3A_30, %dma_wait3A_75, %dma_wait3A_76] : memref<2x32x5x16x125xi32, #tpu.memory_space<hbm>> -> memref<1x1x1x16x125xi32, #tpu.memory_space<hbm>>
        %dma_wait3A_78 = tpu.memref_squeeze %dma_wait3A_77 : memref<1x1x1x16x125xi32, #tpu.memory_space<hbm>> -> memref<16x125xi32, #tpu.memory_space<hbm>>
        %dma_wait3A_79 = arith.constant 0 : i32
        %dma_wait3A_80 = arith.constant 0 : i32
        %dma_wait3A_81 = tpu.memref_slice %arg3[%run_scoped3A_31, %add3A, %scan3A_30, %dma_wait3A_79, %dma_wait3A_80] : memref<2x32x5x16x125xi32, #tpu.memory_space<hbm>> -> memref<1x1x1x16x125xi32, #tpu.memory_space<hbm>>
        %dma_wait3A_82 = tpu.memref_squeeze %dma_wait3A_81 : memref<1x1x1x16x125xi32, #tpu.memory_space<hbm>> -> memref<16x125xi32, #tpu.memory_space<hbm>>
        tpu.wait_dma2 semaphore(%run_scoped3A_66 : memref<!tpu.dma_semaphore, #tpu.memory_space<semaphore_mem>>) src(%dma_wait3A_82 : memref<16x125xi32, #tpu.memory_space<hbm>>) dst(%arg6 : memref<16x125xi32, #tpu.memory_space<vmem>>)
        tpu.yield
      }) : () -> ()
      %dma_start3A = arith.constant 0 : i32
      %dma_start3A_32 = arith.constant 0 : i32
      %dma_start3A_33 = tpu.memref_slice %arg5[%dma_start3A, %dma_start3A_32] : memref<16x125xi32, #tpu.memory_space<vmem>> -> memref<1x125xi32, #tpu.memory_space<vmem>>
      %dma_start3A_34 = tpu.memref_squeeze %dma_start3A_33 : memref<1x125xi32, #tpu.memory_space<vmem>> -> memref<125xi32, #tpu.memory_space<vmem>>
      %dma_start3A_35 = arith.constant 0 : i32
      %dma_start3A_36 = arith.constant 0 : i32
      %dma_start3A_37 = tpu.memref_slice %arg2[%dma_start3A_35, %dma_start3A_36] : memref<10000x128xf32, #tpu.memory_space<hbm>> -> memref<10000x128xf32, #tpu.memory_space<hbm>>
      tpu.enqueue_indirect_dma source(%dma_start3A_37 : memref<10000x128xf32, #tpu.memory_space<hbm>>) target(%arg7 : memref<125x128xf32, #tpu.memory_space<vmem>>) offsets(%dma_start3A_34 : memref<125xi32, #tpu.memory_space<vmem>>) semaphore(%arg9 : memref<!tpu.dma_semaphore, #tpu.memory_space<semaphore_mem>>)
      %scan3A_38 = arith.constant 0 : i32
      %scan3A_39 = arith.constant 0 : i32
      %scan3A_40 = arith.constant 7 : i32
      %scan3A_41 = arith.addi %scan3A_39, %scan3A_40 : i32
      %scan3A_42 = arith.constant 1 : i32
      scf.for %scan3A_66 = %scan3A_39 to %scan3A_41 step %scan3A_42  : i32 {
        %mul3A_67 = arith.constant 2 : i32
        %mul3A_68 = arith.muli %mul3A_67, %scan3A_66 : i32
        %add3A_69 = arith.constant 1 : i32
        %add3A_70 = arith.addi %mul3A_68, %add3A_69 : i32
        %dma_start3A_71 = arith.constant 0 : i32
        %dma_start3A_72 = tpu.memref_slice %arg5[%add3A_70, %dma_start3A_71] : memref<16x125xi32, #tpu.memory_space<vmem>> -> memref<1x125xi32, #tpu.memory_space<vmem>>
        %dma_start3A_73 = tpu.memref_squeeze %dma_start3A_72 : memref<1x125xi32, #tpu.memory_space<vmem>> -> memref<125xi32, #tpu.memory_space<vmem>>
        %dma_start3A_74 = arith.constant 0 : i32
        %dma_start3A_75 = arith.constant 0 : i32
        %dma_start3A_76 = tpu.memref_slice %arg2[%dma_start3A_74, %dma_start3A_75] : memref<10000x128xf32, #tpu.memory_space<hbm>> -> memref<10000x128xf32, #tpu.memory_space<hbm>>
        tpu.enqueue_indirect_dma source(%dma_start3A_76 : memref<10000x128xf32, #tpu.memory_space<hbm>>) target(%arg8 : memref<125x128xf32, #tpu.memory_space<vmem>>) offsets(%dma_start3A_73 : memref<125xi32, #tpu.memory_space<vmem>>) semaphore(%arg10 : memref<!tpu.dma_semaphore, #tpu.memory_space<semaphore_mem>>)
        %dma_wait3A_77 = arith.constant 0 : i32
        %dma_wait3A_78 = arith.constant 0 : i32
        %dma_wait3A_79 = tpu.memref_slice %arg5[%dma_wait3A_77, %dma_wait3A_78] : memref<16x125xi32, #tpu.memory_space<vmem>> -> memref<1x125xi32, #tpu.memory_space<vmem>>
        %dma_wait3A_80 = tpu.memref_squeeze %dma_wait3A_79 : memref<1x125xi32, #tpu.memory_space<vmem>> -> memref<125xi32, #tpu.memory_space<vmem>>
        %dma_wait3A_81 = arith.constant 0 : i32
        %dma_wait3A_82 = arith.constant 0 : i32
        %dma_wait3A_83 = tpu.memref_slice %arg2[%dma_wait3A_81, %dma_wait3A_82] : memref<10000x128xf32, #tpu.memory_space<hbm>> -> memref<10000x128xf32, #tpu.memory_space<hbm>>
        tpu.wait_indirect_dma semaphore(%arg9 : memref<!tpu.dma_semaphore, #tpu.memory_space<semaphore_mem>>) src(%dma_wait3A_83 : memref<10000x128xf32, #tpu.memory_space<hbm>>) dst(%arg7 : memref<125x128xf32, #tpu.memory_space<vmem>>)
        "tpu.region"() ({
          %run_scoped3A_101 = tpu.sem_alloc : memref<!tpu.dma_semaphore, #tpu.memory_space<semaphore_mem>>
          %dma_start3A_102 = arith.constant 0 : i32
          %dma_start3A_103 = tpu.memref_slice %arg6[%mul3A_68, %dma_start3A_102] : memref<16x125xi32, #tpu.memory_space<vmem>> -> memref<1x125xi32, #tpu.memory_space<vmem>>
          %dma_start3A_104 = tpu.memref_squeeze %dma_start3A_103 : memref<1x125xi32, #tpu.memory_space<vmem>> -> memref<125xi32, #tpu.memory_space<vmem>>
          %dma_start3A_105 = arith.constant 0 : i32
          %dma_start3A_106 = arith.constant 0 : i32
          %dma_start3A_107 = tpu.memref_slice %arg11[%dma_start3A_105, %dma_start3A_106] : memref<10000x128xf32, #tpu.memory_space<vmem_shared>> -> memref<10000x128xf32, #tpu.memory_space<vmem_shared>>
          tpu.enqueue_indirect_dma source(%arg7 : memref<125x128xf32, #tpu.memory_space<vmem>>) target(%dma_start3A_107 : memref<10000x128xf32, #tpu.memory_space<vmem_shared>>) offsets(%dma_start3A_104 : memref<125xi32, #tpu.memory_space<vmem>>) semaphore(%run_scoped3A_101 : memref<!tpu.dma_semaphore, #tpu.memory_space<semaphore_mem>>) {add = true}
          %dma_wait3A_108 = arith.constant 0 : i32
          %dma_wait3A_109 = tpu.memref_slice %arg6[%mul3A_68, %dma_wait3A_108] : memref<16x125xi32, #tpu.memory_space<vmem>> -> memref<1x125xi32, #tpu.memory_space<vmem>>
          %dma_wait3A_110 = tpu.memref_squeeze %dma_wait3A_109 : memref<1x125xi32, #tpu.memory_space<vmem>> -> memref<125xi32, #tpu.memory_space<vmem>>
          %dma_wait3A_111 = arith.constant 0 : i32
          %dma_wait3A_112 = arith.constant 0 : i32
          %dma_wait3A_113 = tpu.memref_slice %arg11[%dma_wait3A_111, %dma_wait3A_112] : memref<10000x128xf32, #tpu.memory_space<vmem_shared>> -> memref<10000x128xf32, #tpu.memory_space<vmem_shared>>
          tpu.wait_indirect_dma semaphore(%run_scoped3A_101 : memref<!tpu.dma_semaphore, #tpu.memory_space<semaphore_mem>>) src(%arg7 : memref<125x128xf32, #tpu.memory_space<vmem>>) dst(%dma_wait3A_113 : memref<10000x128xf32, #tpu.memory_space<vmem_shared>>)
          tpu.yield
        }) : () -> ()
        %add3A_84 = arith.constant 2 : i32
        %add3A_85 = arith.addi %mul3A_68, %add3A_84 : i32
        %dma_start3A_86 = arith.constant 0 : i32
        %dma_start3A_87 = tpu.memref_slice %arg5[%add3A_85, %dma_start3A_86] : memref<16x125xi32, #tpu.memory_space<vmem>> -> memref<1x125xi32, #tpu.memory_space<vmem>>
        %dma_start3A_88 = tpu.memref_squeeze %dma_start3A_87 : memref<1x125xi32, #tpu.memory_space<vmem>> -> memref<125xi32, #tpu.memory_space<vmem>>
        %dma_start3A_89 = arith.constant 0 : i32
        %dma_start3A_90 = arith.constant 0 : i32
        %dma_start3A_91 = tpu.memref_slice %arg2[%dma_start3A_89, %dma_start3A_90] : memref<10000x128xf32, #tpu.memory_space<hbm>> -> memref<10000x128xf32, #tpu.memory_space<hbm>>
        tpu.enqueue_indirect_dma source(%dma_start3A_91 : memref<10000x128xf32, #tpu.memory_space<hbm>>) target(%arg7 : memref<125x128xf32, #tpu.memory_space<vmem>>) offsets(%dma_start3A_88 : memref<125xi32, #tpu.memory_space<vmem>>) semaphore(%arg9 : memref<!tpu.dma_semaphore, #tpu.memory_space<semaphore_mem>>)
        %dma_wait3A_92 = arith.constant 0 : i32
        %dma_wait3A_93 = arith.constant 0 : i32
        %dma_wait3A_94 = tpu.memref_slice %arg5[%dma_wait3A_92, %dma_wait3A_93] : memref<16x125xi32, #tpu.memory_space<vmem>> -> memref<1x125xi32, #tpu.memory_space<vmem>>
        %dma_wait3A_95 = tpu.memref_squeeze %dma_wait3A_94 : memref<1x125xi32, #tpu.memory_space<vmem>> -> memref<125xi32, #tpu.memory_space<vmem>>
        %dma_wait3A_96 = arith.constant 0 : i32
        %dma_wait3A_97 = arith.constant 0 : i32
        %dma_wait3A_98 = tpu.memref_slice %arg2[%dma_wait3A_96, %dma_wait3A_97] : memref<10000x128xf32, #tpu.memory_space<hbm>> -> memref<10000x128xf32, #tpu.memory_space<hbm>>
        tpu.wait_indirect_dma semaphore(%arg10 : memref<!tpu.dma_semaphore, #tpu.memory_space<semaphore_mem>>) src(%dma_wait3A_98 : memref<10000x128xf32, #tpu.memory_space<hbm>>) dst(%arg8 : memref<125x128xf32, #tpu.memory_space<vmem>>)
        %add3A_99 = arith.constant 1 : i32
        %add3A_100 = arith.addi %mul3A_68, %add3A_99 : i32
        "tpu.region"() ({
          %run_scoped3A_101 = tpu.sem_alloc : memref<!tpu.dma_semaphore, #tpu.memory_space<semaphore_mem>>
          %dma_start3A_102 = arith.constant 0 : i32
          %dma_start3A_103 = tpu.memref_slice %arg6[%add3A_100, %dma_start3A_102] : memref<16x125xi32, #tpu.memory_space<vmem>> -> memref<1x125xi32, #tpu.memory_space<vmem>>
          %dma_start3A_104 = tpu.memref_squeeze %dma_start3A_103 : memref<1x125xi32, #tpu.memory_space<vmem>> -> memref<125xi32, #tpu.memory_space<vmem>>
          %dma_start3A_105 = arith.constant 0 : i32
          %dma_start3A_106 = arith.constant 0 : i32
          %dma_start3A_107 = tpu.memref_slice %arg11[%dma_start3A_105, %dma_start3A_106] : memref<10000x128xf32, #tpu.memory_space<vmem_shared>> -> memref<10000x128xf32, #tpu.memory_space<vmem_shared>>
          tpu.enqueue_indirect_dma source(%arg8 : memref<125x128xf32, #tpu.memory_space<vmem>>) target(%dma_start3A_107 : memref<10000x128xf32, #tpu.memory_space<vmem_shared>>) offsets(%dma_start3A_104 : memref<125xi32, #tpu.memory_space<vmem>>) semaphore(%run_scoped3A_101 : memref<!tpu.dma_semaphore, #tpu.memory_space<semaphore_mem>>) {add = true}
          %dma_wait3A_108 = arith.constant 0 : i32
          %dma_wait3A_109 = tpu.memref_slice %arg6[%add3A_100, %dma_wait3A_108] : memref<16x125xi32, #tpu.memory_space<vmem>> -> memref<1x125xi32, #tpu.memory_space<vmem>>
          %dma_wait3A_110 = tpu.memref_squeeze %dma_wait3A_109 : memref<1x125xi32, #tpu.memory_space<vmem>> -> memref<125xi32, #tpu.memory_space<vmem>>
          %dma_wait3A_111 = arith.constant 0 : i32
          %dma_wait3A_112 = arith.constant 0 : i32
          %dma_wait3A_113 = tpu.memref_slice %arg11[%dma_wait3A_111, %dma_wait3A_112] : memref<10000x128xf32, #tpu.memory_space<vmem_shared>> -> memref<10000x128xf32, #tpu.memory_space<vmem_shared>>
          tpu.wait_indirect_dma semaphore(%run_scoped3A_101 : memref<!tpu.dma_semaphore, #tpu.memory_space<semaphore_mem>>) src(%arg8 : memref<125x128xf32, #tpu.memory_space<vmem>>) dst(%dma_wait3A_113 : memref<10000x128xf32, #tpu.memory_space<vmem_shared>>)
          tpu.yield
        }) : () -> ()
      }
      %scan3A_43 = arith.constant 7 : i32
      %dma_start3A_44 = arith.constant 15 : i32
      %dma_start3A_45 = arith.constant 0 : i32
      %dma_start3A_46 = tpu.memref_slice %arg5[%dma_start3A_44, %dma_start3A_45] : memref<16x125xi32, #tpu.memory_space<vmem>> -> memref<1x125xi32, #tpu.memory_space<vmem>>
      %dma_start3A_47 = tpu.memref_squeeze %dma_start3A_46 : memref<1x125xi32, #tpu.memory_space<vmem>> -> memref<125xi32, #tpu.memory_space<vmem>>
      %dma_start3A_48 = arith.constant 0 : i32
      %dma_start3A_49 = arith.constant 0 : i32
      %dma_start3A_50 = tpu.memref_slice %arg2[%dma_start3A_48, %dma_start3A_49] : memref<10000x128xf32, #tpu.memory_space<hbm>> -> memref<10000x128xf32, #tpu.memory_space<hbm>>
      tpu.enqueue_indirect_dma source(%dma_start3A_50 : memref<10000x128xf32, #tpu.memory_space<hbm>>) target(%arg8 : memref<125x128xf32, #tpu.memory_space<vmem>>) offsets(%dma_start3A_47 : memref<125xi32, #tpu.memory_space<vmem>>) semaphore(%arg10 : memref<!tpu.dma_semaphore, #tpu.memory_space<semaphore_mem>>)
      %dma_wait3A = arith.constant 0 : i32
      %dma_wait3A_51 = arith.constant 0 : i32
      %dma_wait3A_52 = tpu.memref_slice %arg5[%dma_wait3A, %dma_wait3A_51] : memref<16x125xi32, #tpu.memory_space<vmem>> -> memref<1x125xi32, #tpu.memory_space<vmem>>
      %dma_wait3A_53 = tpu.memref_squeeze %dma_wait3A_52 : memref<1x125xi32, #tpu.memory_space<vmem>> -> memref<125xi32, #tpu.memory_space<vmem>>
      %dma_wait3A_54 = arith.constant 0 : i32
      %dma_wait3A_55 = arith.constant 0 : i32
      %dma_wait3A_56 = tpu.memref_slice %arg2[%dma_wait3A_54, %dma_wait3A_55] : memref<10000x128xf32, #tpu.memory_space<hbm>> -> memref<10000x128xf32, #tpu.memory_space<hbm>>
      tpu.wait_indirect_dma semaphore(%arg9 : memref<!tpu.dma_semaphore, #tpu.memory_space<semaphore_mem>>) src(%dma_wait3A_56 : memref<10000x128xf32, #tpu.memory_space<hbm>>) dst(%arg7 : memref<125x128xf32, #tpu.memory_space<vmem>>)
      %run_scoped3A_57 = arith.constant 14 : i32
      "tpu.region"() ({
        %run_scoped3A_66 = tpu.sem_alloc : memref<!tpu.dma_semaphore, #tpu.memory_space<semaphore_mem>>
        %dma_start3A_67 = arith.constant 0 : i32
        %dma_start3A_68 = tpu.memref_slice %arg6[%run_scoped3A_57, %dma_start3A_67] : memref<16x125xi32, #tpu.memory_space<vmem>> -> memref<1x125xi32, #tpu.memory_space<vmem>>
        %dma_start3A_69 = tpu.memref_squeeze %dma_start3A_68 : memref<1x125xi32, #tpu.memory_space<vmem>> -> memref<125xi32, #tpu.memory_space<vmem>>
        %dma_start3A_70 = arith.constant 0 : i32
        %dma_start3A_71 = arith.constant 0 : i32
        %dma_start3A_72 = tpu.memref_slice %arg11[%dma_start3A_70, %dma_start3A_71] : memref<10000x128xf32, #tpu.memory_space<vmem_shared>> -> memref<10000x128xf32, #tpu.memory_space<vmem_shared>>
        tpu.enqueue_indirect_dma source(%arg7 : memref<125x128xf32, #tpu.memory_space<vmem>>) target(%dma_start3A_72 : memref<10000x128xf32, #tpu.memory_space<vmem_shared>>) offsets(%dma_start3A_69 : memref<125xi32, #tpu.memory_space<vmem>>) semaphore(%run_scoped3A_66 : memref<!tpu.dma_semaphore, #tpu.memory_space<semaphore_mem>>) {add = true}
        %dma_wait3A_73 = arith.constant 0 : i32
        %dma_wait3A_74 = tpu.memref_slice %arg6[%run_scoped3A_57, %dma_wait3A_73] : memref<16x125xi32, #tpu.memory_space<vmem>> -> memref<1x125xi32, #tpu.memory_space<vmem>>
        %dma_wait3A_75 = tpu.memref_squeeze %dma_wait3A_74 : memref<1x125xi32, #tpu.memory_space<vmem>> -> memref<125xi32, #tpu.memory_space<vmem>>
        %dma_wait3A_76 = arith.constant 0 : i32
        %dma_wait3A_77 = arith.constant 0 : i32
        %dma_wait3A_78 = tpu.memref_slice %arg11[%dma_wait3A_76, %dma_wait3A_77] : memref<10000x128xf32, #tpu.memory_space<vmem_shared>> -> memref<10000x128xf32, #tpu.memory_space<vmem_shared>>
        tpu.wait_indirect_dma semaphore(%run_scoped3A_66 : memref<!tpu.dma_semaphore, #tpu.memory_space<semaphore_mem>>) src(%arg7 : memref<125x128xf32, #tpu.memory_space<vmem>>) dst(%dma_wait3A_78 : memref<10000x128xf32, #tpu.memory_space<vmem_shared>>)
        tpu.yield
      }) : () -> ()
      %dma_wait3A_58 = arith.constant 0 : i32
      %dma_wait3A_59 = arith.constant 0 : i32
      %dma_wait3A_60 = tpu.memref_slice %arg5[%dma_wait3A_58, %dma_wait3A_59] : memref<16x125xi32, #tpu.memory_space<vmem>> -> memref<1x125xi32, #tpu.memory_space<vmem>>
      %dma_wait3A_61 = tpu.memref_squeeze %dma_wait3A_60 : memref<1x125xi32, #tpu.memory_space<vmem>> -> memref<125xi32, #tpu.memory_space<vmem>>
      %dma_wait3A_62 = arith.constant 0 : i32
      %dma_wait3A_63 = arith.constant 0 : i32
      %dma_wait3A_64 = tpu.memref_slice %arg2[%dma_wait3A_62, %dma_wait3A_63] : memref<10000x128xf32, #tpu.memory_space<hbm>> -> memref<10000x128xf32, #tpu.memory_space<hbm>>
      tpu.wait_indirect_dma semaphore(%arg10 : memref<!tpu.dma_semaphore, #tpu.memory_space<semaphore_mem>>) src(%dma_wait3A_64 : memref<10000x128xf32, #tpu.memory_space<hbm>>) dst(%arg8 : memref<125x128xf32, #tpu.memory_space<vmem>>)
      %run_scoped3A_65 = arith.constant 15 : i32
      "tpu.region"() ({
        %run_scoped3A_66 = tpu.sem_alloc : memref<!tpu.dma_semaphore, #tpu.memory_space<semaphore_mem>>
        %dma_start3A_67 = arith.constant 0 : i32
        %dma_start3A_68 = tpu.memref_slice %arg6[%run_scoped3A_65, %dma_start3A_67] : memref<16x125xi32, #tpu.memory_space<vmem>> -> memref<1x125xi32, #tpu.memory_space<vmem>>
        %dma_start3A_69 = tpu.memref_squeeze %dma_start3A_68 : memref<1x125xi32, #tpu.memory_space<vmem>> -> memref<125xi32, #tpu.memory_space<vmem>>
        %dma_start3A_70 = arith.constant 0 : i32
        %dma_start3A_71 = arith.constant 0 : i32
        %dma_start3A_72 = tpu.memref_slice %arg11[%dma_start3A_70, %dma_start3A_71] : memref<10000x128xf32, #tpu.memory_space<vmem_shared>> -> memref<10000x128xf32, #tpu.memory_space<vmem_shared>>
        tpu.enqueue_indirect_dma source(%arg8 : memref<125x128xf32, #tpu.memory_space<vmem>>) target(%dma_start3A_72 : memref<10000x128xf32, #tpu.memory_space<vmem_shared>>) offsets(%dma_start3A_69 : memref<125xi32, #tpu.memory_space<vmem>>) semaphore(%run_scoped3A_66 : memref<!tpu.dma_semaphore, #tpu.memory_space<semaphore_mem>>) {add = true}
        %dma_wait3A_73 = arith.constant 0 : i32
        %dma_wait3A_74 = tpu.memref_slice %arg6[%run_scoped3A_65, %dma_wait3A_73] : memref<16x125xi32, #tpu.memory_space<vmem>> -> memref<1x125xi32, #tpu.memory_space<vmem>>
        %dma_wait3A_75 = tpu.memref_squeeze %dma_wait3A_74 : memref<1x125xi32, #tpu.memory_space<vmem>> -> memref<125xi32, #tpu.memory_space<vmem>>
        %dma_wait3A_76 = arith.constant 0 : i32
        %dma_wait3A_77 = arith.constant 0 : i32
        %dma_wait3A_78 = tpu.memref_slice %arg11[%dma_wait3A_76, %dma_wait3A_77] : memref<10000x128xf32, #tpu.memory_space<vmem_shared>> -> memref<10000x128xf32, #tpu.memory_space<vmem_shared>>
        tpu.wait_indirect_dma semaphore(%run_scoped3A_66 : memref<!tpu.dma_semaphore, #tpu.memory_space<semaphore_mem>>) src(%arg8 : memref<125x128xf32, #tpu.memory_space<vmem>>) dst(%dma_wait3A_78 : memref<10000x128xf32, #tpu.memory_space<vmem_shared>>)
        tpu.yield
      }) : () -> ()
    }
    %scan3A_19 = arith.constant 5 : i32
    %barrier3A_20 = arith.constant 0 : index
    tpu.barrier barrier_id(%barrier3A_20)
    %mul3A_21 = arith.constant 624 : i32
    %mul3A_22 = arith.muli %arg1, %mul3A_21 : i32
    %mul3A_23 = arith.constant 624 : i32
    %mul3A_24 = arith.muli %arg1, %mul3A_23 : i32
    "tpu.region"() ({
      %run_scoped3A = tpu.sem_alloc : memref<!tpu.dma_semaphore, #tpu.memory_space<semaphore_mem>>
      %dma_start3A = arith.constant 0 : i32
      %dma_start3A_30 = tpu.memref_slice %arg4[%arg0, %mul3A_24, %dma_start3A] : memref<2x10000x128xf32, #tpu.memory_space<hbm>> -> memref<1x624x128xf32, #tpu.memory_space<hbm>>
      %dma_start3A_31 = tpu.memref_squeeze %dma_start3A_30 : memref<1x624x128xf32, #tpu.memory_space<hbm>> -> memref<624x128xf32, #tpu.memory_space<hbm>>
      %dma_start3A_32 = arith.constant 0 : i32
      %dma_start3A_33 = tpu.memref_slice %arg11[%mul3A_22, %dma_start3A_32] : memref<10000x128xf32, #tpu.memory_space<vmem_shared>> -> memref<624x128xf32, #tpu.memory_space<vmem_shared>>
      tpu.enqueue_dma source(%dma_start3A_33 : memref<624x128xf32, #tpu.memory_space<vmem_shared>>) target(%dma_start3A_31 : memref<624x128xf32, #tpu.memory_space<hbm>>) target_semaphore(%run_scoped3A : memref<!tpu.dma_semaphore, #tpu.memory_space<semaphore_mem>>)
      %dma_wait3A = arith.constant 0 : i32
      %dma_wait3A_34 = tpu.memref_slice %arg4[%arg0, %mul3A_24, %dma_wait3A] : memref<2x10000x128xf32, #tpu.memory_space<hbm>> -> memref<1x624x128xf32, #tpu.memory_space<hbm>>
      %dma_wait3A_35 = tpu.memref_squeeze %dma_wait3A_34 : memref<1x624x128xf32, #tpu.memory_space<hbm>> -> memref<624x128xf32, #tpu.memory_space<hbm>>
      %dma_wait3A_36 = arith.constant 0 : i32
      %dma_wait3A_37 = tpu.memref_slice %arg11[%mul3A_22, %dma_wait3A_36] : memref<10000x128xf32, #tpu.memory_space<vmem_shared>> -> memref<624x128xf32, #tpu.memory_space<vmem_shared>>
      tpu.wait_dma2 semaphore(%run_scoped3A : memref<!tpu.dma_semaphore, #tpu.memory_space<semaphore_mem>>) src(%dma_wait3A_37 : memref<624x128xf32, #tpu.memory_space<vmem_shared>>) dst(%dma_wait3A_35 : memref<624x128xf32, #tpu.memory_space<hbm>>)
      tpu.yield
    }) : () -> ()
    %eq3A_25 = arith.constant 0 : i32
    %eq3A_26 = arith.cmpi eq, %arg1, %eq3A_25 : i32
    %convert_element_type3A_27 = arith.extui %eq3A_26 : i1 to i32
    %cond3A_28 = arith.constant 0 : i32
    %cond3A_29 = arith.cmpi ne, %convert_element_type3A_27, %cond3A_28 : i32
    scf.if %cond3A_29 {
      "tpu.region"() ({
        %run_scoped3A = tpu.sem_alloc : memref<!tpu.dma_semaphore, #tpu.memory_space<semaphore_mem>>
        %dma_start3A = arith.constant 9984 : i32
        %dma_start3A_30 = arith.constant 0 : i32
        %dma_start3A_31 = tpu.memref_slice %arg4[%arg0, %dma_start3A, %dma_start3A_30] : memref<2x10000x128xf32, #tpu.memory_space<hbm>> -> memref<1x16x128xf32, #tpu.memory_space<hbm>>
        %dma_start3A_32 = tpu.memref_squeeze %dma_start3A_31 : memref<1x16x128xf32, #tpu.memory_space<hbm>> -> memref<16x128xf32, #tpu.memory_space<hbm>>
        %dma_start3A_33 = arith.constant 9984 : i32
        %dma_start3A_34 = arith.constant 0 : i32
        %dma_start3A_35 = tpu.memref_slice %arg11[%dma_start3A_33, %dma_start3A_34] : memref<10000x128xf32, #tpu.memory_space<vmem_shared>> -> memref<16x128xf32, #tpu.memory_space<vmem_shared>>
        tpu.enqueue_dma source(%dma_start3A_35 : memref<16x128xf32, #tpu.memory_space<vmem_shared>>) target(%dma_start3A_32 : memref<16x128xf32, #tpu.memory_space<hbm>>) target_semaphore(%run_scoped3A : memref<!tpu.dma_semaphore, #tpu.memory_space<semaphore_mem>>)
        %dma_wait3A = arith.constant 9984 : i32
        %dma_wait3A_36 = arith.constant 0 : i32
        %dma_wait3A_37 = tpu.memref_slice %arg4[%arg0, %dma_wait3A, %dma_wait3A_36] : memref<2x10000x128xf32, #tpu.memory_space<hbm>> -> memref<1x16x128xf32, #tpu.memory_space<hbm>>
        %dma_wait3A_38 = tpu.memref_squeeze %dma_wait3A_37 : memref<1x16x128xf32, #tpu.memory_space<hbm>> -> memref<16x128xf32, #tpu.memory_space<hbm>>
        %dma_wait3A_39 = arith.constant 9984 : i32
        %dma_wait3A_40 = arith.constant 0 : i32
        %dma_wait3A_41 = tpu.memref_slice %arg11[%dma_wait3A_39, %dma_wait3A_40] : memref<10000x128xf32, #tpu.memory_space<vmem_shared>> -> memref<16x128xf32, #tpu.memory_space<vmem_shared>>
        tpu.wait_dma2 semaphore(%run_scoped3A : memref<!tpu.dma_semaphore, #tpu.memory_space<semaphore_mem>>) src(%dma_wait3A_41 : memref<16x128xf32, #tpu.memory_space<vmem_shared>>) dst(%dma_wait3A_38 : memref<16x128xf32, #tpu.memory_space<hbm>>)
        tpu.yield
      }) : () -> ()
    } else {
    }
    return
  }
}

module attributes {stable_mosaic.version = 14 : i64} {
  func.func @body(%arg0: i32, %arg1: memref<1x2000x128xf32, #tpu.memory_space<vmem>>, %arg2: memref<1x2000x128xf32, #tpu.memory_space<vmem>>, %arg3: memref<2000x128xf32, #tpu.memory_space<vmem>>, %arg4: memref<1x2000x1xf32, #tpu.memory_space<vmem>>, %arg5: memref<1x2000x1xf32, #tpu.memory_space<vmem>>, %arg6: memref<1x128xf32, #tpu.memory_space<vmem>>, %arg7: memref<1x128xf32, #tpu.memory_space<vmem>>, %arg8: memref<1x128xf32, #tpu.memory_space<vmem>>, %arg9: memref<128x128xf32, #tpu.memory_space<vmem>>, %arg10: memref<2000x128xf32, #tpu.memory_space<vmem>>, %arg11: memref<2000x128xf32, #tpu.memory_space<vmem>>) attributes {dimension_semantics = [#tpu.dimension_semantics<arbitrary>], iteration_bounds = array<i64: 5>, scalar_prefetch = 0 : i64, scratch_operands = 0 : i64, tpu.core_type = #tpu.core_type<tc>, window_params = [{transform_indices = @transform_0, window_bounds = array<i64: 1, 2000, 128>}, {transform_indices = @transform_1, window_bounds = array<i64: 1, 2000, 128>}, {transform_indices = @transform_2, window_bounds = array<i64: 2000, 128>}, {transform_indices = @transform_3, window_bounds = array<i64: 1, 2000, 1>}, {transform_indices = @transform_4, window_bounds = array<i64: 1, 2000, 1>}, {pipeline_mode = #tpu.pipeline_mode<synchronous>, transform_indices = @transform_5, window_bounds = array<i64: 1, 128>}, {pipeline_mode = #tpu.pipeline_mode<synchronous>, transform_indices = @transform_6, window_bounds = array<i64: 1, 128>}, {pipeline_mode = #tpu.pipeline_mode<synchronous>, transform_indices = @transform_7, window_bounds = array<i64: 1, 128>}, {pipeline_mode = #tpu.pipeline_mode<synchronous>, transform_indices = @transform_8, window_bounds = array<i64: 128, 128>}, {transform_indices = @transform_9, window_bounds = array<i64: 2000, 128>}, {transform_indices = @transform_10, window_bounds = array<i64: 2000, 128>}]} {
    %get3A = arith.constant 0 : index
    %get3A_0 = arith.constant 0 : index
    %get3A_1 = arith.constant 0 : index
    %get3A_2 = vector.load %arg4[%get3A, %get3A_0, %get3A_1] : memref<1x2000x1xf32, #tpu.memory_space<vmem>>, vector<1x2000x1xf32>
    %get3A_3 = vector.shape_cast %get3A_2 : vector<1x2000x1xf32> to vector<2000x1xf32>
    %get3A_4 = arith.constant 0 : index
    %get3A_5 = arith.constant 0 : index
    %get3A_6 = arith.constant 0 : index
    %get3A_7 = vector.load %arg5[%get3A_4, %get3A_5, %get3A_6] : memref<1x2000x1xf32, #tpu.memory_space<vmem>>, vector<1x2000x1xf32>
    %get3A_8 = vector.shape_cast %get3A_7 : vector<1x2000x1xf32> to vector<2000x1xf32>
    %add3A = arith.addf %get3A_3, %get3A_8 : vector<2000x1xf32>
    %add3A_9 = arith.constant 1.000000e+00 : f32
    %add3A_10 = vector.broadcast %add3A_9 : f32 to vector<2000x1xf32>
    %add3A_11 = arith.addf %add3A, %add3A_10 : vector<2000x1xf32>
    %rsqrt3A = math.rsqrt %add3A_11 : vector<2000x1xf32>
    %get3A_12 = arith.constant 0 : index
    %get3A_13 = arith.constant 0 : index
    %get3A_14 = arith.constant 0 : index
    %get3A_15 = vector.load %arg1[%get3A_12, %get3A_13, %get3A_14] : memref<1x2000x128xf32, #tpu.memory_space<vmem>>, vector<1x2000x128xf32>
    %get3A_16 = vector.shape_cast %get3A_15 : vector<1x2000x128xf32> to vector<2000x128xf32>
    %get3A_17 = arith.constant 0 : index
    %get3A_18 = arith.constant 0 : index
    %get3A_19 = arith.constant 0 : index
    %get3A_20 = vector.load %arg2[%get3A_17, %get3A_18, %get3A_19] : memref<1x2000x128xf32, #tpu.memory_space<vmem>>, vector<1x2000x128xf32>
    %get3A_21 = vector.shape_cast %get3A_20 : vector<1x2000x128xf32> to vector<2000x128xf32>
    %add3A_22 = arith.addf %get3A_16, %get3A_21 : vector<2000x128xf32>
    %get3A_23 = arith.constant 0 : index
    %get3A_24 = arith.constant 0 : index
    %get3A_25 = vector.load %arg3[%get3A_23, %get3A_24] : memref<2000x128xf32, #tpu.memory_space<vmem>>, vector<2000x128xf32>
    %add3A_26 = arith.addf %add3A_22, %get3A_25 : vector<2000x128xf32>
    %mul3A = vector.broadcast %rsqrt3A : vector<2000x1xf32> to vector<2000x128xf32>
    %mul3A_27 = arith.mulf %add3A_26, %mul3A : vector<2000x128xf32>
    %get3A_28 = arith.constant 0 : index
    %get3A_29 = arith.constant 0 : index
    %get3A_30 = vector.load %arg6[%get3A_28, %get3A_29] : memref<1x128xf32, #tpu.memory_space<vmem>>, vector<1x128xf32>
    %add3A_31 = vector.broadcast %get3A_30 : vector<1x128xf32> to vector<2000x128xf32>
    %add3A_32 = arith.addf %mul3A_27, %add3A_31 : vector<2000x128xf32>
    %reduce_sum3A = arith.constant dense<0.000000e+00> : vector<2000xf32>
    %reduce_sum3A_33 = vector.multi_reduction <add>, %add3A_32, %reduce_sum3A [1] : vector<2000x128xf32> to vector<2000xf32>
    %broadcast_in_dim3A = vector.shape_cast %reduce_sum3A_33 : vector<2000xf32> to vector<2000x1xf32>
    %div3A = arith.constant 1.280000e+02 : f32
    %div3A_34 = vector.broadcast %div3A : f32 to vector<2000x1xf32>
    %div3A_35 = arith.divf %broadcast_in_dim3A, %div3A_34 : vector<2000x1xf32>
    %sub3A = vector.broadcast %div3A_35 : vector<2000x1xf32> to vector<2000x128xf32>
    %sub3A_36 = arith.subf %add3A_32, %sub3A : vector<2000x128xf32>
    %mul3A_37 = arith.mulf %sub3A_36, %sub3A_36 : vector<2000x128xf32>
    %reduce_sum3A_38 = arith.constant dense<0.000000e+00> : vector<2000xf32>
    %reduce_sum3A_39 = vector.multi_reduction <add>, %mul3A_37, %reduce_sum3A_38 [1] : vector<2000x128xf32> to vector<2000xf32>
    %broadcast_in_dim3A_40 = vector.shape_cast %reduce_sum3A_39 : vector<2000xf32> to vector<2000x1xf32>
    %div3A_41 = arith.constant 1.280000e+02 : f32
    %div3A_42 = vector.broadcast %div3A_41 : f32 to vector<2000x1xf32>
    %div3A_43 = arith.divf %broadcast_in_dim3A_40, %div3A_42 : vector<2000x1xf32>
    %add3A_44 = arith.constant 9.99999974E-6 : f32
    %add3A_45 = vector.broadcast %add3A_44 : f32 to vector<2000x1xf32>
    %add3A_46 = arith.addf %div3A_43, %add3A_45 : vector<2000x1xf32>
    %rsqrt3A_47 = math.rsqrt %add3A_46 : vector<2000x1xf32>
    %mul3A_48 = vector.broadcast %rsqrt3A_47 : vector<2000x1xf32> to vector<2000x128xf32>
    %mul3A_49 = arith.mulf %sub3A_36, %mul3A_48 : vector<2000x128xf32>
    %get3A_50 = arith.constant 0 : index
    %get3A_51 = arith.constant 0 : index
    %get3A_52 = vector.load %arg7[%get3A_50, %get3A_51] : memref<1x128xf32, #tpu.memory_space<vmem>>, vector<1x128xf32>
    %mul3A_53 = vector.broadcast %get3A_52 : vector<1x128xf32> to vector<2000x128xf32>
    %mul3A_54 = arith.mulf %mul3A_49, %mul3A_53 : vector<2000x128xf32>
    %get3A_55 = arith.constant 0 : index
    %get3A_56 = arith.constant 0 : index
    %get3A_57 = vector.load %arg8[%get3A_55, %get3A_56] : memref<1x128xf32, #tpu.memory_space<vmem>>, vector<1x128xf32>
    %add3A_58 = vector.broadcast %get3A_57 : vector<1x128xf32> to vector<2000x128xf32>
    %add3A_59 = arith.addf %mul3A_54, %add3A_58 : vector<2000x128xf32>
    %max3A = arith.constant 0.000000e+00 : f32
    %max3A_60 = vector.broadcast %max3A : f32 to vector<2000x128xf32>
    %max3A_61 = arith.maximumf %add3A_59, %max3A_60 : vector<2000x128xf32>
    %swap3A = arith.constant 0 : index
    %swap3A_62 = arith.constant 0 : index
    %swap3A_63 = vector.load %arg10[%swap3A, %swap3A_62] : memref<2000x128xf32, #tpu.memory_space<vmem>>, vector<2000x128xf32>
    tpu.vector_store %arg10[%swap3A, %swap3A_62], %max3A_61 {strides = array<i32>} : memref<2000x128xf32, #tpu.memory_space<vmem>>, vector<2000x128xf32>,
    %get3A_64 = arith.constant 0 : index
    %get3A_65 = arith.constant 0 : index
    %get3A_66 = vector.load %arg9[%get3A_64, %get3A_65] : memref<128x128xf32, #tpu.memory_space<vmem>>, vector<128x128xf32>
    %dot_general3A = arith.constant dense<0.000000e+00> : vector<2000x128xf32>
    %dot_general3A_67 = tpu.matmul %max3A_61, %get3A_66, %dot_general3A {dimension_numbers = #tpu.dot_dimension_numbers<[1], [0], [0], [1], [0, 0, 1, 1], [], []>, transpose_lhs_hint = false} : vector<2000x128xf32>, vector<128x128xf32>, vector<2000x128xf32> -> vector<2000x128xf32>
    %mul3A_68 = vector.broadcast %rsqrt3A : vector<2000x1xf32> to vector<2000x128xf32>
    %mul3A_69 = arith.mulf %dot_general3A_67, %mul3A_68 : vector<2000x128xf32>
    %swap3A_70 = arith.constant 0 : index
    %swap3A_71 = arith.constant 0 : index
    %swap3A_72 = vector.load %arg11[%swap3A_70, %swap3A_71] : memref<2000x128xf32, #tpu.memory_space<vmem>>, vector<2000x128xf32>
    tpu.vector_store %arg11[%swap3A_70, %swap3A_71], %mul3A_69 {strides = array<i32>} : memref<2000x128xf32, #tpu.memory_space<vmem>>, vector<2000x128xf32>,
    return
  }
  func.func @transform_0(%arg0: i32) -> (i32, i32, i32) {
    %c0_i32 = arith.constant 0 : i32
    %c0_i32_0 = arith.constant 0 : i32
    %c0_i32_1 = arith.constant 0 : i32
    return %c0_i32, %arg0, %c0_i32_0 : i32, i32, i32
  }
  func.func @transform_1(%arg0: i32) -> (i32, i32, i32) {
    %c1_i32 = arith.constant 1 : i32
    %c0_i32 = arith.constant 0 : i32
    %c0_i32_0 = arith.constant 0 : i32
    return %c1_i32, %arg0, %c0_i32 : i32, i32, i32
  }
  func.func @transform_2(%arg0: i32) -> (i32, i32) {
    %c0_i32 = arith.constant 0 : i32
    %c0_i32_0 = arith.constant 0 : i32
    return %arg0, %c0_i32 : i32, i32
  }
  func.func @transform_3(%arg0: i32) -> (i32, i32, i32) {
    %c0_i32 = arith.constant 0 : i32
    %c0_i32_0 = arith.constant 0 : i32
    %c0_i32_1 = arith.constant 0 : i32
    return %c0_i32, %arg0, %c0_i32_0 : i32, i32, i32
  }
  func.func @transform_4(%arg0: i32) -> (i32, i32, i32) {
    %c1_i32 = arith.constant 1 : i32
    %c0_i32 = arith.constant 0 : i32
    %c0_i32_0 = arith.constant 0 : i32
    return %c1_i32, %arg0, %c0_i32 : i32, i32, i32
  }
  func.func @transform_5(%arg0: i32) -> (i32, i32) {
    %c0_i32 = arith.constant 0 : i32
    %c0_i32_0 = arith.constant 0 : i32
    %c0_i32_1 = arith.constant 0 : i32
    return %c0_i32, %c0_i32_0 : i32, i32
  }
  func.func @transform_6(%arg0: i32) -> (i32, i32) {
    %c0_i32 = arith.constant 0 : i32
    %c0_i32_0 = arith.constant 0 : i32
    %c0_i32_1 = arith.constant 0 : i32
    return %c0_i32, %c0_i32_0 : i32, i32
  }
  func.func @transform_7(%arg0: i32) -> (i32, i32) {
    %c0_i32 = arith.constant 0 : i32
    %c0_i32_0 = arith.constant 0 : i32
    %c0_i32_1 = arith.constant 0 : i32
    return %c0_i32, %c0_i32_0 : i32, i32
  }
  func.func @transform_8(%arg0: i32) -> (i32, i32) {
    %c0_i32 = arith.constant 0 : i32
    %c0_i32_0 = arith.constant 0 : i32
    %c0_i32_1 = arith.constant 0 : i32
    return %c0_i32, %c0_i32_0 : i32, i32
  }
  func.func @transform_9(%arg0: i32) -> (i32, i32) {
    %c0_i32 = arith.constant 0 : i32
    %c0_i32_0 = arith.constant 0 : i32
    return %arg0, %c0_i32 : i32, i32
  }
  func.func @transform_10(%arg0: i32) -> (i32, i32) {
    %c0_i32 = arith.constant 0 : i32
    %c0_i32_0 = arith.constant 0 : i32
    return %arg0, %c0_i32 : i32, i32
  }
}

module attributes {stable_mosaic.version = 14 : i64} {
  func.func @body(%arg0: i32, %arg1: memref<2000x128xf32, #tpu.memory_space<vmem>>, %arg2: memref<128x128xf32, #tpu.memory_space<vmem>>, %arg3: memref<1x2000x1xf32, #tpu.memory_space<vmem>>, %arg4: memref<1x2000x1xf32, #tpu.memory_space<vmem>>, %arg5: memref<2000x128xf32, #tpu.memory_space<vmem>>) attributes {dimension_semantics = [#tpu.dimension_semantics<arbitrary>], iteration_bounds = array<i64: 5>, scalar_prefetch = 0 : i64, scratch_operands = 0 : i64, tpu.core_type = #tpu.core_type<tc>, window_params = [{transform_indices = @transform_0, window_bounds = array<i64: 2000, 128>}, {pipeline_mode = #tpu.pipeline_mode<synchronous>, transform_indices = @transform_1, window_bounds = array<i64: 128, 128>}, {transform_indices = @transform_2, window_bounds = array<i64: 1, 2000, 1>}, {transform_indices = @transform_3, window_bounds = array<i64: 1, 2000, 1>}, {transform_indices = @transform_4, window_bounds = array<i64: 2000, 128>}]} {
    %get3A = arith.constant 0 : index
    %get3A_0 = arith.constant 0 : index
    %get3A_1 = arith.constant 0 : index
    %get3A_2 = vector.load %arg3[%get3A, %get3A_0, %get3A_1] : memref<1x2000x1xf32, #tpu.memory_space<vmem>>, vector<1x2000x1xf32>
    %get3A_3 = vector.shape_cast %get3A_2 : vector<1x2000x1xf32> to vector<2000x1xf32>
    %get3A_4 = arith.constant 0 : index
    %get3A_5 = arith.constant 0 : index
    %get3A_6 = arith.constant 0 : index
    %get3A_7 = vector.load %arg4[%get3A_4, %get3A_5, %get3A_6] : memref<1x2000x1xf32, #tpu.memory_space<vmem>>, vector<1x2000x1xf32>
    %get3A_8 = vector.shape_cast %get3A_7 : vector<1x2000x1xf32> to vector<2000x1xf32>
    %add3A = arith.addf %get3A_3, %get3A_8 : vector<2000x1xf32>
    %add3A_9 = arith.constant 1.000000e+00 : f32
    %add3A_10 = vector.broadcast %add3A_9 : f32 to vector<2000x1xf32>
    %add3A_11 = arith.addf %add3A, %add3A_10 : vector<2000x1xf32>
    %rsqrt3A = math.rsqrt %add3A_11 : vector<2000x1xf32>
    %get3A_12 = arith.constant 0 : index
    %get3A_13 = arith.constant 0 : index
    %get3A_14 = vector.load %arg1[%get3A_12, %get3A_13] : memref<2000x128xf32, #tpu.memory_space<vmem>>, vector<2000x128xf32>
    %get3A_15 = arith.constant 0 : index
    %get3A_16 = arith.constant 0 : index
    %get3A_17 = vector.load %arg2[%get3A_15, %get3A_16] : memref<128x128xf32, #tpu.memory_space<vmem>>, vector<128x128xf32>
    %dot_general3A = arith.constant dense<0.000000e+00> : vector<2000x128xf32>
    %dot_general3A_18 = tpu.matmul %get3A_14, %get3A_17, %dot_general3A {dimension_numbers = #tpu.dot_dimension_numbers<[1], [0], [0], [1], [0, 0, 1, 1], [], []>, transpose_lhs_hint = false} : vector<2000x128xf32>, vector<128x128xf32>, vector<2000x128xf32> -> vector<2000x128xf32>
    %mul3A = vector.broadcast %rsqrt3A : vector<2000x1xf32> to vector<2000x128xf32>
    %mul3A_19 = arith.mulf %dot_general3A_18, %mul3A : vector<2000x128xf32>
    %swap3A = arith.constant 0 : index
    %swap3A_20 = arith.constant 0 : index
    %swap3A_21 = vector.load %arg5[%swap3A, %swap3A_20] : memref<2000x128xf32, #tpu.memory_space<vmem>>, vector<2000x128xf32>
    tpu.vector_store %arg5[%swap3A, %swap3A_20], %mul3A_19 {strides = array<i32>} : memref<2000x128xf32, #tpu.memory_space<vmem>>, vector<2000x128xf32>,
    return
  }
  func.func @transform_0(%arg0: i32) -> (i32, i32) {
    %c0_i32 = arith.constant 0 : i32
    %c0_i32_0 = arith.constant 0 : i32
    return %arg0, %c0_i32 : i32, i32
  }
  func.func @transform_1(%arg0: i32) -> (i32, i32) {
    %c0_i32 = arith.constant 0 : i32
    %c0_i32_0 = arith.constant 0 : i32
    %c0_i32_1 = arith.constant 0 : i32
    return %c0_i32, %c0_i32_0 : i32, i32
  }
  func.func @transform_2(%arg0: i32) -> (i32, i32, i32) {
    %c0_i32 = arith.constant 0 : i32
    %c0_i32_0 = arith.constant 0 : i32
    %c0_i32_1 = arith.constant 0 : i32
    return %c0_i32, %arg0, %c0_i32_0 : i32, i32, i32
  }
  func.func @transform_3(%arg0: i32) -> (i32, i32, i32) {
    %c1_i32 = arith.constant 1 : i32
    %c0_i32 = arith.constant 0 : i32
    %c0_i32_0 = arith.constant 0 : i32
    return %c1_i32, %arg0, %c0_i32 : i32, i32, i32
  }
  func.func @transform_4(%arg0: i32) -> (i32, i32) {
    %c0_i32 = arith.constant 0 : i32
    %c0_i32_0 = arith.constant 0 : i32
    return %arg0, %c0_i32 : i32, i32
  }
}

module attributes {stable_mosaic.version = 14 : i64} {
  func.func @body(%arg0: i32, %arg1: memref<1x2000x128xf32, #tpu.memory_space<vmem>>, %arg2: memref<1x2000x128xf32, #tpu.memory_space<vmem>>, %arg3: memref<2000x128xf32, #tpu.memory_space<vmem>>, %arg4: memref<2000x128xf32, #tpu.memory_space<vmem>>, %arg5: memref<1x2000x1xf32, #tpu.memory_space<vmem>>, %arg6: memref<1x2000x1xf32, #tpu.memory_space<vmem>>, %arg7: memref<1x128xf32, #tpu.memory_space<vmem>>, %arg8: memref<1x128xf32, #tpu.memory_space<vmem>>, %arg9: memref<1x128xf32, #tpu.memory_space<vmem>>, %arg10: memref<1x1x2000xi32, #tpu.memory_space<vmem>>, %arg11: memref<128x256xf32, #tpu.memory_space<vmem>>, %arg12: memref<1x256xf32, #tpu.memory_space<vmem>>, %arg13: memref<256x256xf32, #tpu.memory_space<vmem>>, %arg14: memref<1x256xf32, #tpu.memory_space<vmem>>, %arg15: memref<256x128xf32, #tpu.memory_space<vmem>>, %arg16: memref<1x128xf32, #tpu.memory_space<vmem>>, %arg17: memref<64x128xf32, #tpu.memory_space<vmem>>, %arg18: memref<64x128xf32, #tpu.memory_space<vmem>>, %arg19: memref<64x128xf32, #tpu.memory_space<vmem>>) attributes {dimension_semantics = [#tpu.dimension_semantics<arbitrary>], iteration_bounds = array<i64: 5>, scalar_prefetch = 0 : i64, scratch_operands = 2 : i64, tpu.core_type = #tpu.core_type<tc>, window_params = [{transform_indices = @transform_0, window_bounds = array<i64: 1, 2000, 128>}, {transform_indices = @transform_1, window_bounds = array<i64: 1, 2000, 128>}, {transform_indices = @transform_2, window_bounds = array<i64: 2000, 128>}, {transform_indices = @transform_3, window_bounds = array<i64: 2000, 128>}, {transform_indices = @transform_4, window_bounds = array<i64: 1, 2000, 1>}, {transform_indices = @transform_5, window_bounds = array<i64: 1, 2000, 1>}, {pipeline_mode = #tpu.pipeline_mode<synchronous>, transform_indices = @transform_6, window_bounds = array<i64: 1, 128>}, {pipeline_mode = #tpu.pipeline_mode<synchronous>, transform_indices = @transform_7, window_bounds = array<i64: 1, 128>}, {pipeline_mode = #tpu.pipeline_mode<synchronous>, transform_indices = @transform_8, window_bounds = array<i64: 1, 128>}, {transform_indices = @transform_9, window_bounds = array<i64: 1, 1, 2000>}, {pipeline_mode = #tpu.pipeline_mode<synchronous>, transform_indices = @transform_10, window_bounds = array<i64: 128, 256>}, {pipeline_mode = #tpu.pipeline_mode<synchronous>, transform_indices = @transform_11, window_bounds = array<i64: 1, 256>}, {pipeline_mode = #tpu.pipeline_mode<synchronous>, transform_indices = @transform_12, window_bounds = array<i64: 256, 256>}, {pipeline_mode = #tpu.pipeline_mode<synchronous>, transform_indices = @transform_13, window_bounds = array<i64: 1, 256>}, {pipeline_mode = #tpu.pipeline_mode<synchronous>, transform_indices = @transform_14, window_bounds = array<i64: 256, 128>}, {pipeline_mode = #tpu.pipeline_mode<synchronous>, transform_indices = @transform_15, window_bounds = array<i64: 1, 128>}, {pipeline_mode = #tpu.pipeline_mode<synchronous>, transform_indices = @transform_16, window_bounds = array<i64: 64, 128>}]} {
    %get3A = arith.constant 0 : index
    %get3A_0 = arith.constant 0 : index
    %get3A_1 = arith.constant 0 : index
    %get3A_2 = vector.load %arg5[%get3A, %get3A_0, %get3A_1] : memref<1x2000x1xf32, #tpu.memory_space<vmem>>, vector<1x2000x1xf32>
    %get3A_3 = vector.shape_cast %get3A_2 : vector<1x2000x1xf32> to vector<2000x1xf32>
    %get3A_4 = arith.constant 0 : index
    %get3A_5 = arith.constant 0 : index
    %get3A_6 = arith.constant 0 : index
    %get3A_7 = vector.load %arg6[%get3A_4, %get3A_5, %get3A_6] : memref<1x2000x1xf32, #tpu.memory_space<vmem>>, vector<1x2000x1xf32>
    %get3A_8 = vector.shape_cast %get3A_7 : vector<1x2000x1xf32> to vector<2000x1xf32>
    %add3A = arith.addf %get3A_3, %get3A_8 : vector<2000x1xf32>
    %add3A_9 = arith.constant 1.000000e+00 : f32
    %add3A_10 = vector.broadcast %add3A_9 : f32 to vector<2000x1xf32>
    %add3A_11 = arith.addf %add3A, %add3A_10 : vector<2000x1xf32>
    %rsqrt3A = math.rsqrt %add3A_11 : vector<2000x1xf32>
    %get3A_12 = arith.constant 0 : index
    %get3A_13 = arith.constant 0 : index
    %get3A_14 = arith.constant 0 : index
    %get3A_15 = vector.load %arg1[%get3A_12, %get3A_13, %get3A_14] : memref<1x2000x128xf32, #tpu.memory_space<vmem>>, vector<1x2000x128xf32>
    %get3A_16 = vector.shape_cast %get3A_15 : vector<1x2000x128xf32> to vector<2000x128xf32>
    %get3A_17 = arith.constant 0 : index
    %get3A_18 = arith.constant 0 : index
    %get3A_19 = arith.constant 0 : index
    %get3A_20 = vector.load %arg2[%get3A_17, %get3A_18, %get3A_19] : memref<1x2000x128xf32, #tpu.memory_space<vmem>>, vector<1x2000x128xf32>
    %get3A_21 = vector.shape_cast %get3A_20 : vector<1x2000x128xf32> to vector<2000x128xf32>
    %add3A_22 = arith.addf %get3A_16, %get3A_21 : vector<2000x128xf32>
    %get3A_23 = arith.constant 0 : index
    %get3A_24 = arith.constant 0 : index
    %get3A_25 = vector.load %arg3[%get3A_23, %get3A_24] : memref<2000x128xf32, #tpu.memory_space<vmem>>, vector<2000x128xf32>
    %add3A_26 = arith.addf %add3A_22, %get3A_25 : vector<2000x128xf32>
    %mul3A = vector.broadcast %rsqrt3A : vector<2000x1xf32> to vector<2000x128xf32>
    %mul3A_27 = arith.mulf %add3A_26, %mul3A : vector<2000x128xf32>
    %get3A_28 = arith.constant 0 : index
    %get3A_29 = arith.constant 0 : index
    %get3A_30 = vector.load %arg7[%get3A_28, %get3A_29] : memref<1x128xf32, #tpu.memory_space<vmem>>, vector<1x128xf32>
    %add3A_31 = vector.broadcast %get3A_30 : vector<1x128xf32> to vector<2000x128xf32>
    %add3A_32 = arith.addf %mul3A_27, %add3A_31 : vector<2000x128xf32>
    %reduce_sum3A = arith.constant dense<0.000000e+00> : vector<2000xf32>
    %reduce_sum3A_33 = vector.multi_reduction <add>, %add3A_32, %reduce_sum3A [1] : vector<2000x128xf32> to vector<2000xf32>
    %broadcast_in_dim3A = vector.shape_cast %reduce_sum3A_33 : vector<2000xf32> to vector<2000x1xf32>
    %div3A = arith.constant 1.280000e+02 : f32
    %div3A_34 = vector.broadcast %div3A : f32 to vector<2000x1xf32>
    %div3A_35 = arith.divf %broadcast_in_dim3A, %div3A_34 : vector<2000x1xf32>
    %sub3A = vector.broadcast %div3A_35 : vector<2000x1xf32> to vector<2000x128xf32>
    %sub3A_36 = arith.subf %add3A_32, %sub3A : vector<2000x128xf32>
    %mul3A_37 = arith.mulf %sub3A_36, %sub3A_36 : vector<2000x128xf32>
    %reduce_sum3A_38 = arith.constant dense<0.000000e+00> : vector<2000xf32>
    %reduce_sum3A_39 = vector.multi_reduction <add>, %mul3A_37, %reduce_sum3A_38 [1] : vector<2000x128xf32> to vector<2000xf32>
    %broadcast_in_dim3A_40 = vector.shape_cast %reduce_sum3A_39 : vector<2000xf32> to vector<2000x1xf32>
    %div3A_41 = arith.constant 1.280000e+02 : f32
    %div3A_42 = vector.broadcast %div3A_41 : f32 to vector<2000x1xf32>
    %div3A_43 = arith.divf %broadcast_in_dim3A_40, %div3A_42 : vector<2000x1xf32>
    %add3A_44 = arith.constant 9.99999974E-6 : f32
    %add3A_45 = vector.broadcast %add3A_44 : f32 to vector<2000x1xf32>
    %add3A_46 = arith.addf %div3A_43, %add3A_45 : vector<2000x1xf32>
    %rsqrt3A_47 = math.rsqrt %add3A_46 : vector<2000x1xf32>
    %mul3A_48 = vector.broadcast %rsqrt3A_47 : vector<2000x1xf32> to vector<2000x128xf32>
    %mul3A_49 = arith.mulf %sub3A_36, %mul3A_48 : vector<2000x128xf32>
    %get3A_50 = arith.constant 0 : index
    %get3A_51 = arith.constant 0 : index
    %get3A_52 = vector.load %arg8[%get3A_50, %get3A_51] : memref<1x128xf32, #tpu.memory_space<vmem>>, vector<1x128xf32>
    %mul3A_53 = vector.broadcast %get3A_52 : vector<1x128xf32> to vector<2000x128xf32>
    %mul3A_54 = arith.mulf %mul3A_49, %mul3A_53 : vector<2000x128xf32>
    %get3A_55 = arith.constant 0 : index
    %get3A_56 = arith.constant 0 : index
    %get3A_57 = vector.load %arg9[%get3A_55, %get3A_56] : memref<1x128xf32, #tpu.memory_space<vmem>>, vector<1x128xf32>
    %add3A_58 = vector.broadcast %get3A_57 : vector<1x128xf32> to vector<2000x128xf32>
    %add3A_59 = arith.addf %mul3A_54, %add3A_58 : vector<2000x128xf32>
    %max3A = arith.constant 0.000000e+00 : f32
    %max3A_60 = vector.broadcast %max3A : f32 to vector<2000x128xf32>
    %max3A_61 = arith.maximumf %add3A_59, %max3A_60 : vector<2000x128xf32>
    %get3A_62 = arith.constant 0 : index
    %get3A_63 = arith.constant 0 : index
    %get3A_64 = vector.load %arg4[%get3A_62, %get3A_63] : memref<2000x128xf32, #tpu.memory_space<vmem>>, vector<2000x128xf32>
    %add3A_65 = arith.addf %max3A_61, %get3A_64 : vector<2000x128xf32>
    %get3A_66 = arith.constant 0 : index
    %get3A_67 = arith.constant 0 : index
    %get3A_68 = arith.constant 0 : index
    %get3A_69 = vector.load %arg10[%get3A_66, %get3A_67, %get3A_68] : memref<1x1x2000xi32, #tpu.memory_space<vmem>>, vector<1x1x2000xi32>
    %get3A_70 = vector.shape_cast %get3A_69 : vector<1x1x2000xi32> to vector<1x2000xi32>
    %iota3A = tpu.iota {dimensions = array<i32: 0>} : vector<64x2000xi32>
    %eq3A = vector.broadcast %get3A_70 : vector<1x2000xi32> to vector<64x2000xi32>
    %eq3A_71 = arith.cmpi eq, %iota3A, %eq3A : vector<64x2000xi32>
    %jit3A = arith.constant 1.000000e+00 : f32
    %jit3A_72 = arith.constant 0.000000e+00 : f32
    %broadcast_in_dim3A_73 = vector.broadcast %jit3A : f32 to vector<64x2000xf32>
    %broadcast_in_dim3A_74 = vector.broadcast %jit3A_72 : f32 to vector<64x2000xf32>
    %select_n3A = arith.select %eq3A_71, %broadcast_in_dim3A_73, %broadcast_in_dim3A_74 : vector<64x2000xi1>, vector<64x2000xf32>
    %dot_general3A = arith.constant dense<0.000000e+00> : vector<64x128xf32>
    %dot_general3A_75 = tpu.matmul %select_n3A, %add3A_65, %dot_general3A {dimension_numbers = #tpu.dot_dimension_numbers<[1], [0], [0], [1], [0, 0, 1, 1], [], []>, transpose_lhs_hint = false} : vector<64x2000xf32>, vector<2000x128xf32>, vector<64x128xf32> -> vector<64x128xf32>
    %reduce_sum3A_76 = arith.constant dense<0.000000e+00> : vector<64xf32>
    %reduce_sum3A_77 = vector.multi_reduction <add>, %select_n3A, %reduce_sum3A_76 [1] : vector<64x2000xf32> to vector<64xf32>
    %broadcast_in_dim3A_78 = vector.shape_cast %reduce_sum3A_77 : vector<64xf32> to vector<64x1xf32>
    %broadcast_in_dim3A_79 = arith.constant 1.000000e+00 : f32
    %broadcast_in_dim3A_80 = vector.broadcast %broadcast_in_dim3A_79 : f32 to vector<1x128xf32>
    %mul3A_81 = vector.broadcast %broadcast_in_dim3A_78 : vector<64x1xf32> to vector<64x128xf32>
    %mul3A_82 = vector.broadcast %broadcast_in_dim3A_80 : vector<1x128xf32> to vector<64x128xf32>
    %mul3A_83 = arith.mulf %mul3A_81, %mul3A_82 : vector<64x128xf32>
    %eq3A_84 = arith.constant 0 : i32
    %eq3A_85 = arith.cmpi eq, %arg0, %eq3A_84 : i32
    %convert_element_type3A = arith.extui %eq3A_85 : i1 to i32
    %cond3A = arith.constant 0 : i32
    %cond3A_86 = arith.cmpi ne, %convert_element_type3A, %cond3A : i32
    scf.if %cond3A_86 {
      %swap3A = arith.constant 0 : index
      %swap3A_96 = arith.constant 0 : index
      %swap3A_97 = vector.load %arg18[%swap3A, %swap3A_96] : memref<64x128xf32, #tpu.memory_space<vmem>>, vector<64x128xf32>
      tpu.vector_store %arg18[%swap3A, %swap3A_96], %dot_general3A_75 {strides = array<i32>} : memref<64x128xf32, #tpu.memory_space<vmem>>, vector<64x128xf32>,
      %swap3A_98 = arith.constant 0 : index
      %swap3A_99 = arith.constant 0 : index
      %swap3A_100 = vector.load %arg19[%swap3A_98, %swap3A_99] : memref<64x128xf32, #tpu.memory_space<vmem>>, vector<64x128xf32>
      tpu.vector_store %arg19[%swap3A_98, %swap3A_99], %mul3A_83 {strides = array<i32>} : memref<64x128xf32, #tpu.memory_space<vmem>>, vector<64x128xf32>,
    } else {
    }
    %ne3A = arith.constant 0 : i32
    %ne3A_87 = arith.cmpi ne, %arg0, %ne3A : i32
    %convert_element_type3A_88 = arith.extui %ne3A_87 : i1 to i32
    %cond3A_89 = arith.constant 0 : i32
    %cond3A_90 = arith.cmpi ne, %convert_element_type3A_88, %cond3A_89 : i32
    scf.if %cond3A_90 {
      %get3A_96 = arith.constant 0 : index
      %get3A_97 = arith.constant 0 : index
      %get3A_98 = vector.load %arg18[%get3A_96, %get3A_97] : memref<64x128xf32, #tpu.memory_space<vmem>>, vector<64x128xf32>
      %add3A_99 = arith.addf %get3A_98, %dot_general3A_75 : vector<64x128xf32>
      %swap3A = arith.constant 0 : index
      %swap3A_100 = arith.constant 0 : index
      %swap3A_101 = vector.load %arg18[%swap3A, %swap3A_100] : memref<64x128xf32, #tpu.memory_space<vmem>>, vector<64x128xf32>
      tpu.vector_store %arg18[%swap3A, %swap3A_100], %add3A_99 {strides = array<i32>} : memref<64x128xf32, #tpu.memory_space<vmem>>, vector<64x128xf32>,
      %get3A_102 = arith.constant 0 : index
      %get3A_103 = arith.constant 0 : index
      %get3A_104 = vector.load %arg19[%get3A_102, %get3A_103] : memref<64x128xf32, #tpu.memory_space<vmem>>, vector<64x128xf32>
      %add3A_105 = arith.addf %get3A_104, %mul3A_83 : vector<64x128xf32>
      %swap3A_106 = arith.constant 0 : index
      %swap3A_107 = arith.constant 0 : index
      %swap3A_108 = vector.load %arg19[%swap3A_106, %swap3A_107] : memref<64x128xf32, #tpu.memory_space<vmem>>, vector<64x128xf32>
      tpu.vector_store %arg19[%swap3A_106, %swap3A_107], %add3A_105 {strides = array<i32>} : memref<64x128xf32, #tpu.memory_space<vmem>>, vector<64x128xf32>,
    } else {
    }
    %eq3A_91 = arith.constant 4 : i32
    %eq3A_92 = arith.cmpi eq, %arg0, %eq3A_91 : i32
    %convert_element_type3A_93 = arith.extui %eq3A_92 : i1 to i32
    %cond3A_94 = arith.constant 0 : i32
    %cond3A_95 = arith.cmpi ne, %convert_element_type3A_93, %cond3A_94 : i32
    scf.if %cond3A_95 {
      %get3A_96 = arith.constant 0 : index
      %get3A_97 = arith.constant 0 : index
      %get3A_98 = vector.load %arg18[%get3A_96, %get3A_97] : memref<64x128xf32, #tpu.memory_space<vmem>>, vector<64x128xf32>
      %get3A_99 = arith.constant 0 : index
      %get3A_100 = arith.constant 0 : index
      %get3A_101 = vector.load %arg19[%get3A_99, %get3A_100] : memref<64x128xf32, #tpu.memory_space<vmem>>, vector<64x128xf32>
      %max3A_102 = arith.constant 1.000000e+00 : f32
      %max3A_103 = vector.broadcast %max3A_102 : f32 to vector<64x128xf32>
      %max3A_104 = arith.maximumf %get3A_101, %max3A_103 : vector<64x128xf32>
      %div3A_105 = arith.divf %get3A_98, %max3A_104 : vector<64x128xf32>
      %get3A_106 = arith.constant 0 : index
      %get3A_107 = arith.constant 0 : index
      %get3A_108 = vector.load %arg11[%get3A_106, %get3A_107] : memref<128x256xf32, #tpu.memory_space<vmem>>, vector<128x256xf32>
      %dot_general3A_109 = arith.constant dense<0.000000e+00> : vector<64x256xf32>
      %dot_general3A_110 = tpu.matmul %div3A_105, %get3A_108, %dot_general3A_109 {dimension_numbers = #tpu.dot_dimension_numbers<[1], [0], [0], [1], [0, 0, 1, 1], [], []>, transpose_lhs_hint = false} : vector<64x128xf32>, vector<128x256xf32>, vector<64x256xf32> -> vector<64x256xf32>
      %get3A_111 = arith.constant 0 : index
      %get3A_112 = arith.constant 0 : index
      %get3A_113 = vector.load %arg12[%get3A_111, %get3A_112] : memref<1x256xf32, #tpu.memory_space<vmem>>, vector<1x256xf32>
      %add3A_114 = vector.broadcast %get3A_113 : vector<1x256xf32> to vector<64x256xf32>
      %add3A_115 = arith.addf %dot_general3A_110, %add3A_114 : vector<64x256xf32>
      %max3A_116 = arith.constant 0.000000e+00 : f32
      %max3A_117 = vector.broadcast %max3A_116 : f32 to vector<64x256xf32>
      %max3A_118 = arith.maximumf %add3A_115, %max3A_117 : vector<64x256xf32>
      %get3A_119 = arith.constant 0 : index
      %get3A_120 = arith.constant 0 : index
      %get3A_121 = vector.load %arg13[%get3A_119, %get3A_120] : memref<256x256xf32, #tpu.memory_space<vmem>>, vector<256x256xf32>
      %dot_general3A_122 = arith.constant dense<0.000000e+00> : vector<64x256xf32>
      %dot_general3A_123 = tpu.matmul %max3A_118, %get3A_121, %dot_general3A_122 {dimension_numbers = #tpu.dot_dimension_numbers<[1], [0], [0], [1], [0, 0, 1, 1], [], []>, transpose_lhs_hint = false} : vector<64x256xf32>, vector<256x256xf32>, vector<64x256xf32> -> vector<64x256xf32>
      %get3A_124 = arith.constant 0 : index
      %get3A_125 = arith.constant 0 : index
      %get3A_126 = vector.load %arg14[%get3A_124, %get3A_125] : memref<1x256xf32, #tpu.memory_space<vmem>>, vector<1x256xf32>
      %add3A_127 = vector.broadcast %get3A_126 : vector<1x256xf32> to vector<64x256xf32>
      %add3A_128 = arith.addf %dot_general3A_123, %add3A_127 : vector<64x256xf32>
      %max3A_129 = arith.constant 0.000000e+00 : f32
      %max3A_130 = vector.broadcast %max3A_129 : f32 to vector<64x256xf32>
      %max3A_131 = arith.maximumf %add3A_128, %max3A_130 : vector<64x256xf32>
      %get3A_132 = arith.constant 0 : index
      %get3A_133 = arith.constant 0 : index
      %get3A_134 = vector.load %arg15[%get3A_132, %get3A_133] : memref<256x128xf32, #tpu.memory_space<vmem>>, vector<256x128xf32>
      %dot_general3A_135 = arith.constant dense<0.000000e+00> : vector<64x128xf32>
      %dot_general3A_136 = tpu.matmul %max3A_131, %get3A_134, %dot_general3A_135 {dimension_numbers = #tpu.dot_dimension_numbers<[1], [0], [0], [1], [0, 0, 1, 1], [], []>, transpose_lhs_hint = false} : vector<64x256xf32>, vector<256x128xf32>, vector<64x128xf32> -> vector<64x128xf32>
      %get3A_137 = arith.constant 0 : index
      %get3A_138 = arith.constant 0 : index
      %get3A_139 = vector.load %arg16[%get3A_137, %get3A_138] : memref<1x128xf32, #tpu.memory_space<vmem>>, vector<1x128xf32>
      %add3A_140 = vector.broadcast %get3A_139 : vector<1x128xf32> to vector<64x128xf32>
      %add3A_141 = arith.addf %dot_general3A_136, %add3A_140 : vector<64x128xf32>
      %tanh3A = math.tanh %add3A_141 : vector<64x128xf32>
      %swap3A = arith.constant 0 : index
      %swap3A_142 = arith.constant 0 : index
      %swap3A_143 = vector.load %arg17[%swap3A, %swap3A_142] : memref<64x128xf32, #tpu.memory_space<vmem>>, vector<64x128xf32>
      tpu.vector_store %arg17[%swap3A, %swap3A_142], %tanh3A {strides = array<i32>} : memref<64x128xf32, #tpu.memory_space<vmem>>, vector<64x128xf32>,
    } else {
    }
    return
  }
  func.func @transform_0(%arg0: i32) -> (i32, i32, i32) {
    %c0_i32 = arith.constant 0 : i32
    %c0_i32_0 = arith.constant 0 : i32
    %c0_i32_1 = arith.constant 0 : i32
    return %c0_i32, %arg0, %c0_i32_0 : i32, i32, i32
  }
  func.func @transform_1(%arg0: i32) -> (i32, i32, i32) {
    %c1_i32 = arith.constant 1 : i32
    %c0_i32 = arith.constant 0 : i32
    %c0_i32_0 = arith.constant 0 : i32
    return %c1_i32, %arg0, %c0_i32 : i32, i32, i32
  }
  func.func @transform_2(%arg0: i32) -> (i32, i32) {
    %c0_i32 = arith.constant 0 : i32
    %c0_i32_0 = arith.constant 0 : i32
    return %arg0, %c0_i32 : i32, i32
  }
  func.func @transform_3(%arg0: i32) -> (i32, i32) {
    %c0_i32 = arith.constant 0 : i32
    %c0_i32_0 = arith.constant 0 : i32
    return %arg0, %c0_i32 : i32, i32
  }
  func.func @transform_4(%arg0: i32) -> (i32, i32, i32) {
    %c0_i32 = arith.constant 0 : i32
    %c0_i32_0 = arith.constant 0 : i32
    %c0_i32_1 = arith.constant 0 : i32
    return %c0_i32, %arg0, %c0_i32_0 : i32, i32, i32
  }
  func.func @transform_5(%arg0: i32) -> (i32, i32, i32) {
    %c1_i32 = arith.constant 1 : i32
    %c0_i32 = arith.constant 0 : i32
    %c0_i32_0 = arith.constant 0 : i32
    return %c1_i32, %arg0, %c0_i32 : i32, i32, i32
  }
  func.func @transform_6(%arg0: i32) -> (i32, i32) {
    %c0_i32 = arith.constant 0 : i32
    %c0_i32_0 = arith.constant 0 : i32
    %c0_i32_1 = arith.constant 0 : i32
    return %c0_i32, %c0_i32_0 : i32, i32
  }
  func.func @transform_7(%arg0: i32) -> (i32, i32) {
    %c0_i32 = arith.constant 0 : i32
    %c0_i32_0 = arith.constant 0 : i32
    %c0_i32_1 = arith.constant 0 : i32
    return %c0_i32, %c0_i32_0 : i32, i32
  }
  func.func @transform_8(%arg0: i32) -> (i32, i32) {
    %c0_i32 = arith.constant 0 : i32
    %c0_i32_0 = arith.constant 0 : i32
    %c0_i32_1 = arith.constant 0 : i32
    return %c0_i32, %c0_i32_0 : i32, i32
  }
  func.func @transform_9(%arg0: i32) -> (i32, i32, i32) {
    %c0_i32 = arith.constant 0 : i32
    %c0_i32_0 = arith.constant 0 : i32
    %c0_i32_1 = arith.constant 0 : i32
    return %arg0, %c0_i32, %c0_i32_0 : i32, i32, i32
  }
  func.func @transform_10(%arg0: i32) -> (i32, i32) {
    %c0_i32 = arith.constant 0 : i32
    %c0_i32_0 = arith.constant 0 : i32
    %c0_i32_1 = arith.constant 0 : i32
    return %c0_i32, %c0_i32_0 : i32, i32
  }
  func.func @transform_11(%arg0: i32) -> (i32, i32) {
    %c0_i32 = arith.constant 0 : i32
    %c0_i32_0 = arith.constant 0 : i32
    %c0_i32_1 = arith.constant 0 : i32
    return %c0_i32, %c0_i32_0 : i32, i32
  }
  func.func @transform_12(%arg0: i32) -> (i32, i32) {
    %c0_i32 = arith.constant 0 : i32
    %c0_i32_0 = arith.constant 0 : i32
    %c0_i32_1 = arith.constant 0 : i32
    return %c0_i32, %c0_i32_0 : i32, i32
  }
  func.func @transform_13(%arg0: i32) -> (i32, i32) {
    %c0_i32 = arith.constant 0 : i32
    %c0_i32_0 = arith.constant 0 : i32
    %c0_i32_1 = arith.constant 0 : i32
    return %c0_i32, %c0_i32_0 : i32, i32
  }
  func.func @transform_14(%arg0: i32) -> (i32, i32) {
    %c0_i32 = arith.constant 0 : i32
    %c0_i32_0 = arith.constant 0 : i32
    %c0_i32_1 = arith.constant 0 : i32
    return %c0_i32, %c0_i32_0 : i32, i32
  }
  func.func @transform_15(%arg0: i32) -> (i32, i32) {
    %c0_i32 = arith.constant 0 : i32
    %c0_i32_0 = arith.constant 0 : i32
    %c0_i32_1 = arith.constant 0 : i32
    return %c0_i32, %c0_i32_0 : i32, i32
  }
  func.func @transform_16(%arg0: i32) -> (i32, i32) {
    %c0_i32 = arith.constant 0 : i32
    %c0_i32_0 = arith.constant 0 : i32
    %c0_i32_1 = arith.constant 0 : i32
    return %c0_i32, %c0_i32_0 : i32, i32
  }
}

</mosaic_0001>

<sc_bundles>
// kernel: kernel.11.cloned.1.call-start
scs
__scs_entry_jumppad:
0x0: {  	(pc) =	sbr.rel $0x88, $3  }
0x1: {  	(tag) =	ssettag $0x0;
	lr =	simm.s32 $0x1  }
0x2: {  	[smem:$0x3F90] =	sst lr;
	_ =	strace $0xD0000000  }
0x3: {  	_ = 	snop  }
0x4: {  	_ = 	snop  }
0x5: {  	_ = 	snop  }
0x6: {  	_ = 	snop  }
0x7: {  	_ = 	snop  }
__scs_overlays_trampoline_lowered:
0x8: {  	[smem:$0x3F9F] =	sst s0  }
0x9: {  	[smem:$0x3FA0] =	sst s1  }
0xa: {  	[smem:$0x3FA1] =	sst s2  }
0xb: {  	[smem:$0x3FA2] =	sst s3  }
0xc: {  	[smem:$0x3FA3] =	sst s4  }
0xd: {  	[smem:$0x3FA4] =	sst s5  }
0xe: {  	[smem:$0x3FA5] =	sst s6  }
0xf: {  	[smem:$0x3FA6] =	sst s7  }
0x10: {  	[smem:$0x3FA7] =	sst s8  }
0x11: {  	[smem:$0x3FA8] =	sst s9;
	s0 =	simm.s32 @!p0 $0x0  }
0x12: {  	s1 =	sld [smem:$0x3F8E];
	s0 =	simm.s32 @p0 $0x1  }
0x13: {  	[smem:$0x3FA9] =	sst s0;
	s0 =	simm.s32 @!p1 $0x0  }
0x14: {  	s2 =	sld [smem:$0x3F8D];
	s0 =	simm.s32 @p1 $0x1  }
0x15: {  	[smem:$0x3FAA] =	sst s0;
	s0 =	simm.s32 @!p2 $0x0  }
0x16: {  	s3 =	sld [smem:$0x3FDB];
	s0 =	simm.s32 @p2 $0x1  }
0x17: {  	s4 =	simm.s32 $0x1BF5;
	[smem:$0x3FAC] =	sst s0  }
0x18: {  	s0 =	sld [smem:$0x3F8F];
	_ =	swait.ge [sflag:s4], $0x0  }
0x19: {  	s7 =	sld [smem:$0x3F90]  }
0x1a: {  	s8 =	sadd.s32 $0xFFFFE003, lr  }
0x1b: {  	s9 =	sadd.s32 $0xFFFFFEF7, lr;
	s5 =	simm.s32 $0xFFFFFFFF;
	p2 =	slt.u32 s8, $0xFFFFF086  }
0x1c: {  	p1 =	slt.u32 s9, $0xF7A;
	s5 =	simm.s32 @!p2 $0x0  }
0x1d: {  	s5 =	simm.s32 @p1 $0x1;
	p0 =	seq.s32 s7, s2  }
0x1e: {  	s7 =	smul.u32 @!p0 $0xF7A, s2;
	p2 =	seq.s32 @!p0 s5, $0x0  }
0x1f: {  	s9 =	smul.u32 $0xF7A, s1;
	s8 =	simm.s32 @!p0 $0x1BF5;
	p2 =	por !p2, p0  }
0x20: {  	[sflag:s8] =	ssyncset.s32 @!p0 $0xFFFFF086;
	s6 =	sadd.s32 @!p0 s3, s7;
	s7 =	simm.s32 @!p0 $0x108  }
0x21: {  	s3 =	sadd.s32 s3, s9;
	s6 =	sadd.s32 @!p0 $0x88, s6;
	s7 =	simm.s32 @p2 $0x1082  }
0x22: {  	[simem:s7], [sflag:s8] =	dma.local @!p0 [hbm:s6], $0xF7A  }
0x23: {  	s9 =	sor.u32 $0xD0000000, s2;
	s6 =	simm.s32 $0x108;
	_ =	swait.ge @!p0 [sflag:s8], $0x0  }
0x24: {  	s3 =	sadd.s32 $0x88, s3;
	s6 =	simm.s32 @!p1 $0x1082;
	[sflag:s4] =	ssyncset.s32 $0xFFFFF086  }
0x25: {  	[simem:s6], [sflag:s4] =	dma.local [hbm:s3], $0xF7A  }
0x26: {  	[smem:$0x3F90] =	sst s1;
	(tag) =	ssettag s2;
	_ =	strace s9  }
0x27: {  	s1 =	sld [smem:$0x3FA0]  }
0x28: {  	s2 =	sld [smem:$0x3FA1]  }
0x29: {  	s4 =	sld [smem:$0x3FA3]  }
0x2a: {  	p0 =	seq.s32 s5, $0x0;
	s5 =	sld [smem:$0x3FA4]  }
0x2b: {  	s6 =	sld [smem:$0x3FA5]  }
0x2c: {  	s7 =	sld [smem:$0x3FA6]  }
0x2d: {  	s3 =	simm.s32 $0x108;
	s8 =	sld [smem:$0x3FA7]  }
0x2e: {  	s3 =	simm.s32 @!p0 $0x1082;
	s9 =	sld [smem:$0x3FA8]  }
0x2f: {  	lr =	sadd.s32 s0, s3;
	s0 =	sld [smem:$0x3F9F]  }
0x30: {  	s3 =	sld [smem:$0x3FA2]  }
0x31: {  	[smem:$0x3FAB] =	sst s10  }
0x32: {  	s10 =	sld [smem:$0x3FA9];
	_ =	sdelay $0x3  }
0x33: {  	p0 =	seq.s32 s10, $0x1;
	s10 =	sld [smem:$0x3FAB];
	_ =	sdelay $0x3  }
0x34: {  	[smem:$0x3FAB] =	sst s10  }
0x35: {  	s10 =	sld [smem:$0x3FAA];
	_ =	sdelay $0x3  }
0x36: {  	p1 =	seq.s32 s10, $0x1;
	s10 =	sld [smem:$0x3FAB];
	_ =	sdelay $0x3  }
0x37: {  	[smem:$0x3FAB] =	sst s10  }
0x38: {  	s10 =	sld [smem:$0x3FAC]  }
0x39: {  	_ = 	snop;
	(pc) =	sbr.ind lr, $3  }
0x3a: {  	_ = 	snop  }
0x3b: {  	_ = 	snop  }
0x3c: {  	p2 =	seq.s32 s10, $0x1;
	s10 =	sld [smem:$0x3FAB]  }
0x3d: {  	_ =	shalt  }
0x3e: {  	_ =	shalt  }
0x3f: {  	_ =	shalt  }
0x40: {  	_ =	shalt  }
0x41: {  	_ =	shalt  }
0x42: {  	_ =	shalt  }
0x43: {  	_ =	shalt  }
0x44: {  	_ =	shalt  }
0x45: {  	_ =	shalt  }
0x46: {  	_ =	shalt  }
0x47: {  	_ =	shalt  }
0x48: {  	_ =	shalt  }
0x49: {  	_ =	shalt  }
0x4a: {  	_ =	shalt  }
0x4b: {  	_ =	shalt  }
0x4c: {  	_ =	shalt  }
0x4d: {  	_ =	shalt  }
0x4e: {  	_ =	shalt  }
0x4f: {  	_ =	shalt  }
0x50: {  	_ =	shalt  }
0x51: {  	_ =	shalt  }
0x52: {  	_ =	shalt  }
0x53: {  	_ =	shalt  }
0x54: {  	_ =	shalt  }
0x55: {  	_ =	shalt  }
0x56: {  	_ =	shalt  }
0x57: {  	_ =	shalt  }
0x58: {  	_ =	shalt  }
0x59: {  	_ =	shalt  }
0x5a: {  	_ =	shalt  }
0x5b: {  	_ =	shalt  }
0x5c: {  	_ =	shalt  }
0x5d: {  	_ =	shalt  }
0x5e: {  	_ =	shalt  }
0x5f: {  	_ =	shalt  }
0x60: {  	_ =	shalt  }
0x61: {  	_ =	shalt  }
0x62: {  	_ =	shalt  }
0x63: {  	_ =	shalt  }
0x64: {  	_ =	shalt  }
0x65: {  	_ =	shalt  }
0x66: {  	_ =	shalt  }
0x67: {  	_ =	shalt  }
0x68: {  	_ =	shalt  }
0x69: {  	_ =	shalt  }
0x6a: {  	_ =	shalt  }
0x6b: {  	_ =	shalt  }
0x6c: {  	_ =	shalt  }
0x6d: {  	_ =	shalt  }
0x6e: {  	_ =	shalt  }
0x6f: {  	_ =	shalt  }
0x70: {  	_ =	shalt  }
0x71: {  	_ =	shalt  }
0x72: {  	_ =	shalt  }
0x73: {  	_ =	shalt  }
0x74: {  	_ =	shalt  }
0x75: {  	_ =	shalt  }
0x76: {  	_ =	shalt  }
0x77: {  	_ =	shalt  }
0x78: {  	_ =	shalt  }
0x79: {  	_ =	shalt  }
0x7a: {  	_ =	shalt  }
0x7b: {  	_ =	shalt  }
0x7c: {  	_ =	shalt  }
0x7d: {  	_ =	shalt  }
0x7e: {  	_ =	shalt  }
0x7f: {  	_ =	shalt  }
0x80: {  	_ =	shalt  }
0x81: {  	_ =	shalt  }
0x82: {  	_ =	shalt  }
0x83: {  	_ =	shalt  }
0x84: {  	_ =	shalt  }
0x85: {  	_ =	shalt  }
0x86: {  	_ =	shalt  }
0x87: {  	_ =	shalt  }
.Lfunc_end0:
.L_simem_size_0:
called_computation.1_lowered:
.L_overlay_start_0:
0x88: {  	s2 =	sld [smem:$0x3FD9]  }
0x89: {  	s3 =	sld [smem:$0x3FFE];
	_ =	sdelay $0x1  }
0x8a: {  	s1 =	srdreg.scid  }
0x8b: {  	s0 =	sand.u32 $0x1, s1  }
0x8c: {  	s16 =	sshll.u32 s0, $0xA;
	s2 =	sadd.s32 s3, s2  }
0x8d: {  	s2 =	sadd.s32 s2, s16  }
0x8e: {  	[smem:$0x3FB7] =	sst s2  }
0x8f: {  	_ = 	snop  }
0x90: {  	(tm) =	ssettm $0x1  }
0x91: {  	s17 =	sld [smem:$0x3FFB];
	_ =	sdelay $0x3  }
0x92: {  	_ =	strace s17  }
0x93: {  	s2 =	sld [smem:$0x3FFC];
	_ =	sdelay $0x3  }
0x94: {  	_ =	strace s2  }
0x95: {  	s2 =	sld [smem:$0x3FFD];
	_ =	sdelay $0x3  }
0x96: {  	_ =	strace s2  }
0x97: {  	_ =	strace $0x8FFFFFFF  }
0x98: {  	s18 =	sld [smem:$0x3FDB];
	_ =	sdelay $0x1  }
0x99: {  	s19 =	simm.s32 $_scs_section_size  }
0x9a: {  	s4 =	simm.s32 $_size__tile_overlayer_lowered;
	s5 =	simm.s32 $_tile_overlayer_lowered  }
0x9b: {  	s22 =	simm.s32 $0x1BFF;
	s21 =	sshll.u32 s5, $0x1;
	s2 =	sadd.s32 s19, s18  }
0x9c: {  	s6 =	simm.s32 $0x0;
	s20 =	sshll.u32 s4, $0x1;
	s4 =	sadd.s32 s21, s2  }
0x9d: {  	[timem:s6], [sflag:s22] =	dma.local [hbm:s4], s20  }
0x9e: {  	_ =	swait.ge [sflag:s22], s20  }
0x9f: {  	s3 =	ssub.s32 $0x0, s20;
	[sflag:s22] =	ssyncset.done $0x0  }
0xa0: {  	[sflag:s22] =	ssyncadd.s32 s3;
	_ =	sdelay $0x1  }
0xa1: {  	s23 =	simm.s32 $0x1B8B  }
0xa2: {  	_ =	swait.ge [sflag:s23], $0x1  }
0xa3: {  	[sflag:s23] =	ssyncset.done $0x0  }
0xa4: {  	s25 =	simm.s32 $0x1B8E;
	s24 =	sld [smem:$0x3FFE];
	[sflag:s23] =	ssyncadd.s32 $0xFFFFFFFF  }
0xa5: {  	s26 =	simm.s32 $execute0_lowered;
	[smem:$0x3FD2] =	sst s25  }
0xa6: {  	s4 =	sshll.u32 s26, $0x1;
	_ =	strace $0x80000049;
	[dreg:$0x1] =	wrdreg $0xFFFFFFFF  }
0xa7: {  	s28 =	simm.s32 $_size_execute0_lowered;
	s2 =	sadd.s32 s2, s4;
	[dreg:$0x0] =	wrdreg $0x0  }
0xa8: {  	s4 =	sshll.u32 s28, $0x1;
	[dreg:$0x2] =	wrdreg s2  }
0xa9: {  	[dreg:$0x3] =	wrdreg s4  }
0xaa: {  	[dreg:$0x4] =	wrdreg $0xC0  }
0xab: {  	_ =	task [dreg:s6], $0x5FFFF  }
0xac: {  	[dreg:$0x1] =	wrdreg $0xFFFFFFFF  }
0xad: {  	[dreg:$0x0] =	wrdreg $0x60  }
0xae: {  	[dreg:$0x2] =	wrdreg s24  }
0xaf: {  	[dreg:$0x3] =	wrdreg $0x90000  }
0xb0: {  	[dreg:$0x4] =	wrdreg $0x9  }
0xb1: {  	_ =	task.clear_ibuf [dreg:s6], $0x5FFFF;
	_ =	strace $0x90000049  }
0xb2: {  	s29 =	simm.s32 $0x9;
	_ =	strace $0x8000004B  }
0xb3: {  	_ =	swait.ge [sflag:s29], $0x1  }
0xb4: {  	[sflag:s29] =	ssyncadd.s32 $0xFFFFFFFF  }
0xb5: {  	_ =	strace $0x9000004B  }
0xb6: {  	_ =	sfence  }
0xb7: {  	s30 =	sld [smem:$0x0];
	_ =	sdelay $0x2  }
0xb8: {  	s31 =	sshll.u32 s1, $0xD;
	s1 =	sshrl.u32 s1, $0x2  }
0xb9: {  	s3 =	sand.u32 $0x4000, s31;
	s1 =	sadd.s32 s1, s30  }
0xba: {  	s0 =	sor.u32 s3, s0;
	s1 =	sshll.u32 s1, $0x11  }
0xbb: {  	s0 =	sor.u32 s1, s0  }
0xbc: {  	s0 =	sadd.s32 $0x8F2B, s0  }
0xbd: {  	[sflag:s0] =	ssyncadd.remote.s32 $0x1  }
0xbe: {  	_ =	sfence.sel $0xFFFF  }
0xbf: {  	[dreg:$0x0] =	wrdreg $0xFFFFFFFF;
	(pc) =	sbr.abs _section_cstart, $3  }
0xc0: {  	[dreg:$0x1] =	wrdreg $0xFFFFFFFF  }
0xc1: {  	_ =	task.clear_ibuf [dreg:s6], $0x2FFFF;
	_ =	strace $0x9FFFFFFF  }
0xc2: {  	(tm) =	ssettm $0x7FFFFFFF  }
0xc3: {  	_ =	shalt  }
tec
execute0_lowered:
.L_overlay_start_1:
0x0: {  	(tag) =	ssettag $0x1  }
0x1: {  	s0 =	rddreg [dreg:$0x0]  }
0x2: {  	s1 =	rddreg [dreg:$0x1]  }
0x3: {  	s2 =	simm.s32 $0x0;
	s3 =	srdreg.scid;
	s11 =	stileid.u32  }
0x4: {  	s14 =	simm.s32 $0x180;
	s16 =	simm.s32 $0x900;
	s18 =	simm.s32 $0x200  }
0x5: {  	s20 =	simm.s32 $0x980;
	s21 =	simm.s32 $0x280;
	s22 =	simm.s32 $0xA00  }
0x6: {  	s23 =	simm.s32 $0x300;
	s24 =	simm.s32 $0xA80;
	s28 =	simm.s32 $0xC80  }
0x7: {  	s29 =	simm.s32 $0x580;
	s30 =	simm.s32 $0xD00;
	s31 =	simm.s32 $0x600  }
0x8: {  	[smem:$0x7FF] =	sst s2;
	s3 =	sand.u32 $0x1, s3;
	s6 =	smul.u32 $0x13800, s11  }
0x9: {  	s4 =	sadd.s32 $0x66200, s0;
	_ =	strace $0x8000004A;
	[dreg:$0x8] =	wrdreg s14  }
0xa: {  	s8 =	sadd.s32 $0x4000, s0;
	s10 =	smul.u32 $0x2800, s11;
	[dreg:$0x9] =	wrdreg s16  }
0xb: {  	s0 =	sadd.s32 $0x8D400, s0;
	s25 =	smul.u32 $0x4E000, s11;
	[dreg:$0xa] =	wrdreg s18  }
0xc: {  	s13 =	sadd.s32 $0x138000, s1;
	p0 =	sne.s32 s11, $0x0;
	[dreg:$0xb] =	wrdreg s20  }
0xd: {  	s11 =	simm.s32 $0xF00;
	s5 =	smul.u32 $0x138800, s3;
	[dreg:$0xc] =	wrdreg s21  }
0xe: {  	s7 =	ssub.s32 $0x2, s3;
	s3 =	smul.u32 $0x28000, s3;
	[dreg:$0xd] =	wrdreg s22  }
0xf: {  	s16 =	simm.s32 $0x3;
	[dreg:$0xe] =	wrdreg s23;
	s18 =	simm.s32 $0x7D  }
0x10: {  	[dreg:$0xf] =	wrdreg s24;
	s20 =	simm.s32 $0x1;
	s21 =	simm.s32 $0x2  }
0x11: {  	s22 =	simm.s32 $0x400;
	s23 =	simm.s32 $0xB80;
	s24 =	simm.s32 $0x480  }
0x12: {  	s14 =	simm.s32 $0x0;
	[dreg:$0x12] =	wrdreg s13;
	s9 =	sshrl.u32 s7, $0x1  }
0x13: {  	s7 =	ssub.s32 s7, s9;
	s6 =	sadd.s32 s6, s5;
	s3 =	sadd.s32 s10, s3  }
0x14: {  	s9 =	sshrl.u32 s25, $0x2;
	s25 =	simm.s32 $0x380;
	s6 =	sshrl.u32 s6, $0x3  }
0x15: {  	s10 =	sadd.s32 $0x50000, s3;
	s9 =	sadd.s32 s9, s1;
	[dreg:$0x10] =	wrdreg s25  }
0x16: {  	s3 =	sshrl.u32 s3, $0x3;
	s6 =	sadd.s32 s0, s6;
	[dreg:$0x14] =	wrdreg s9  }
0x17: {  	s5 =	sshrl.u32 s5, $0x3;
	s3 =	sadd.s32 s3, s8;
	[dreg:$0x13] =	wrdreg s6  }
0x18: {  	s0 =	sadd.s32 s0, s5;
	s5 =	simm.s32 $0x80;
	[dreg:$0x4] =	wrdreg s3  }
0x19: {  	s25 =	simm.s32 $0xC00;
	s12 =	sadd.s32 $0x6800, s9;
	[dreg:$0x5] =	wrdreg s5  }
0x1a: {  	s26 =	sshrl.u32 s10, $0x3;
	s10 =	simm.s32 $0x880;
	[dreg:$0x18] =	wrdreg s12  }
0x1b: {  	s15 =	sadd.s32 $0x9C00, s9;
	s17 =	sadd.s32 $0xD000, s9;
	[dreg:$0x7] =	wrdreg s10  }
0x1c: {  	s19 =	sadd.s32 $0x10400, s9;
	s6 =	sadd.s32 s26, s8;
	[dreg:$0x19] =	wrdreg s15  }
0x1d: {  	s0 =	sadd.s32 $0x27000, s0;
	s8 =	sadd.s32 $0x3400, s9;
	[dreg:$0x1a] =	wrdreg s17  }
0x1e: {  	[dreg:$0x1b] =	wrdreg s19;
	s15 =	simm.s32 $0x1000;
	s17 =	simm.s32 $0x800  }
0x1f: {  	s19 =	simm.s32 $0x5000;
	s26 =	simm.s32 $0xB00;
	[dreg:$0x3] =	wrdreg s6  }
0x20: {  	s3 =	simm.s32 $0x680;
	s9 =	simm.s32 $0xE80;
	[dreg:$0x15] =	wrdreg s0  }
0x21: {  	s10 =	simm.s32 $0x780;
	s12 =	simm.s32 $0xF80;
	[dreg:$0x17] =	wrdreg s8  }
0x22: {  	s6 =	smax.u32 s7, $0x1;
	s7 =	simm.s32 $0x100;
	[dreg:$0x11] =	wrdreg s26  }
0x23: {  	s26 =	simm.s32 $0x500;
	s0 =	simm.s32 $0xD80;
	[dreg:$0x16] =	wrdreg s6  }
0x24: {  	v0 =	vimm.f32 $0.0e+00;
	s8 =	simm.s32 $0x700;
	[dreg:$0x6] =	wrdreg s7;
	s6 =	simm.s32 $0xE00  }
.LBB2_1:
0x25: {  	[dreg:$0x1c] =	wrdreg s14;
	s5 =	simm.s32 $0x0;
	s14 =	simm.s32 $0x200  }
.LBB2_2:
0x26: {  	p1 =	sne.s32 s14, $0xF800;
	[tilespmem:s5+$0x1070] =	vst v0  }
0x27: {  	[tilespmem:s5+$0x1000] =	vst v0  }
0x28: {  	[tilespmem:s5+$0x1010] =	vst v0  }
.Ltmp0:
0x29: {  	[tilespmem:s5+$0x1020] =	vst v0;
	(pc) =	sbr.rel @p1 .LBB2_2-.Ltmp0, $4  }
0x2a: {  	[tilespmem:s5+$0x1030] =	vst v0  }
0x2b: {  	[tilespmem:s5+$0x1040] =	vst v0  }
0x2c: {  	[tilespmem:s5+$0x1050] =	vst v0  }
0x2d: {  	[tilespmem:s5+$0x1060] =	vst v0;
	s5 =	sshra.s32 s14, $0x2;
	s14 =	sadd.s32 $0x200, s14  }
0x2e: {  	[tilespmem:s5+$0x1070] =	vst v0  }
0x2f: {  	[tilespmem:s5+$0x1000] =	vst v0  }
0x30: {  	[tilespmem:s5+$0x1010] =	vst v0  }
0x31: {  	[tilespmem:s5+$0x1020] =	vst v0  }
0x32: {  	[tilespmem:s5+$0x1030] =	vst v0  }
0x33: {  	[tilespmem:s5+$0x1040] =	vst v0  }
0x34: {  	[tilespmem:s5+$0x1050] =	vst v0  }
0x35: {  	[tilespmem:s5+$0x1060] =	vst v0;
	s7 =	rddreg [dreg:$0x14]  }
0x36: {  	[spmem:s7] =	stream.linear.scatter [tilespmem:s15], [sflag:$0x3], $0x3400, $0x38;
	[tilespmem:$0x1C880] =	vst v63  }
0x37: {  	_ =	swait.ge [sflag:s16], $0x3400  }
0x38: {  	[sflag:s16] =	ssyncset.done $0x0  }
0x39: {  	s14 =	rddreg [dreg:$0x17];
	[sflag:s16] =	ssyncadd.s32 $0xFFFFCC00  }
0x3a: {  	[spmem:s14] =	stream.linear.scatter [tilespmem:s15], [sflag:$0x3], $0x3400, $0x38;
	[tilespmem:$0x1C880] =	vst v63  }
0x3b: {  	_ =	swait.ge [sflag:s16], $0x3400  }
0x3c: {  	[sflag:s16] =	ssyncset.done $0x0  }
0x3d: {  	s7 =	rddreg [dreg:$0x18];
	[sflag:s16] =	ssyncadd.s32 $0xFFFFCC00  }
0x3e: {  	[spmem:s7] =	stream.linear.scatter [tilespmem:s15], [sflag:$0x3], $0x3400, $0x38;
	[tilespmem:$0x1C880] =	vst v63  }
0x3f: {  	_ =	swait.ge [sflag:s16], $0x3400  }
0x40: {  	[sflag:s16] =	ssyncset.done $0x0  }
0x41: {  	s14 =	rddreg [dreg:$0x19];
	[sflag:s16] =	ssyncadd.s32 $0xFFFFCC00  }
0x42: {  	[spmem:s14] =	stream.linear.scatter [tilespmem:s15], [sflag:$0x3], $0x3400, $0x38;
	[tilespmem:$0x1C880] =	vst v63  }
0x43: {  	_ =	swait.ge [sflag:s16], $0x3400  }
0x44: {  	[sflag:s16] =	ssyncset.done $0x0  }
0x45: {  	s7 =	rddreg [dreg:$0x1a];
	[sflag:s16] =	ssyncadd.s32 $0xFFFFCC00  }
0x46: {  	[spmem:s7] =	stream.linear.scatter [tilespmem:s15], [sflag:$0x3], $0x3400, $0x38;
	[tilespmem:$0x1C880] =	vst v63  }
0x47: {  	_ =	swait.ge [sflag:s16], $0x3400  }
0x48: {  	[sflag:s16] =	ssyncset.done $0x0  }
0x49: {  	s14 =	rddreg [dreg:$0x1b];
	[sflag:s16] =	ssyncadd.s32 $0xFFFFCC00  }
0x4a: {  	[spmem:s14] =	stream.linear.scatter [tilespmem:s15], [sflag:$0x3], $0x3400, $0x38;
	[tilespmem:$0x1C880] =	vst v63  }
0x4b: {  	_ =	swait.ge [sflag:s16], $0x3400  }
0x4c: {  	[sflag:s16] =	ssyncset.done $0x0  }
0x4d: {  	s5 =	simm.s32 @!p0 $0x1000;
	[sflag:s16] =	ssyncadd.s32 $0xFFFFCC00  }
0x4e: {  	[spmem:s13] =	stream.linear.scatter @!p0 [tilespmem:s5], [sflag:$0x3], $0x800, $0x38;
	[tilespmem:$0x1C880] =	vst v63  }
0x4f: {  	s5 =	simm.s32 @!p0 $0x3  }
0x50: {  	_ =	swait.ge @!p0 [sflag:s5], $0x800  }
0x51: {  	[sflag:s5] =	ssyncset.done @!p0 $0x0  }
0x52: {  	[sflag:s5] =	ssyncadd.s32 @!p0 $0xFFFFF800  }
0x53: {  	[bflag:$0x0] =	sbarrier.arrive $0xFFFF  }
0x54: {  	s7 =	rddreg [dreg:$0x4]  }
0x55: {  	s5 =	sadd.s32 $0x0, s7  }
0x56: {  	[tilespmem:s2], [sflag:$0x3] =	stream.linear.gather [hbm4b:s5+s2], $0x800, $0x38;
	[tilespmem:$0x1C880] =	vst v63  }
0x57: {  	_ =	swait.ge [sflag:s16], $0x800  }
0x58: {  	s13 =	rddreg [dreg:$0x3];
	[sflag:s16] =	ssyncset.done $0x0  }
0x59: {  	[sflag:s16] =	ssyncadd.s32 $0xFFFFF800;
	s5 =	sadd.s32 $0x0, s13  }
0x5a: {  	[tilespmem:s17], [sflag:$0x3] =	stream.linear.gather [hbm4b:s5+s2], $0x800, $0x38;
	[tilespmem:$0x1C880] =	vst v63  }
0x5b: {  	_ =	swait.ge [sflag:s16], $0x800  }
0x5c: {  	[sflag:s16] =	ssyncset.done $0x0  }
0x5d: {  	[sflag:s16] =	ssyncadd.s32 $0xFFFFF800  }
0x5e: {  	[tilespmem:s15], [sflag:$0x1] =	stream.indirect.gather [hbm4b:s4+s18], $0x80, s2, s18, $0xb8;
	[tilespmem:$0x1C880] =	vst v63  }
0x5f: {  	s14 =	rddreg [dreg:$0x5]  }
0x60: {  	[tilespmem:s19], [sflag:$0x2] =	stream.indirect.gather [hbm4b:s4+s18], $0x80, s14, s18, $0xb8;
	[tilespmem:$0x1C880] =	vst v63  }
0x61: {  	_ =	swait.ge [sflag:s20], $0x3E80  }
0x62: {  	[sflag:s20] =	ssyncset.done $0x0  }
0x63: {  	[sflag:s20] =	ssyncadd.s32 $0xFFFFC180  }
0x64: {  	[spmem:s1] =	stream.indirect.scatter.add.f32 [tilespmem:s15], [sflag:$0x3], $0x80, s17, s18, $0xb8;
	[tilespmem:$0x1C880] =	vst v63  }
0x65: {  	_ =	swait.ge [sflag:s16], $0x3E80  }
0x66: {  	[sflag:s16] =	ssyncset.done $0x0  }
0x67: {  	s7 =	rddreg [dreg:$0x6];
	[sflag:s16] =	ssyncadd.s32 $0xFFFFC180  }
0x68: {  	[tilespmem:s15], [sflag:$0x1] =	stream.indirect.gather [hbm4b:s4+s18], $0x80, s7, s18, $0xb8;
	[tilespmem:$0x1C880] =	vst v63  }
0x69: {  	_ =	swait.ge [sflag:s21], $0x3E80  }
0x6a: {  	[sflag:s21] =	ssyncset.done $0x0  }
0x6b: {  	s13 =	rddreg [dreg:$0x7];
	[sflag:s21] =	ssyncadd.s32 $0xFFFFC180  }
0x6c: {  	[spmem:s1] =	stream.indirect.scatter.add.f32 [tilespmem:s19], [sflag:$0x3], $0x80, s13, s18, $0xb8;
	[tilespmem:$0x1C880] =	vst v63  }
0x6d: {  	_ =	swait.ge [sflag:s16], $0x3E80  }
0x6e: {  	[sflag:s16] =	ssyncset.done $0x0  }
0x6f: {  	s14 =	rddreg [dreg:$0x8];
	[sflag:s16] =	ssyncadd.s32 $0xFFFFC180  }
0x70: {  	[tilespmem:s19], [sflag:$0x2] =	stream.indirect.gather [hbm4b:s4+s18], $0x80, s14, s18, $0xb8;
	[tilespmem:$0x1C880] =	vst v63  }
0x71: {  	_ =	swait.ge [sflag:s20], $0x3E80  }
0x72: {  	[sflag:s20] =	ssyncset.done $0x0  }
0x73: {  	s7 =	rddreg [dreg:$0x9];
	[sflag:s20] =	ssyncadd.s32 $0xFFFFC180  }
0x74: {  	[spmem:s1] =	stream.indirect.scatter.add.f32 [tilespmem:s15], [sflag:$0x3], $0x80, s7, s18, $0xb8;
	[tilespmem:$0x1C880] =	vst v63  }
0x75: {  	_ =	swait.ge [sflag:s16], $0x3E80  }
0x76: {  	[sflag:s16] =	ssyncset.done $0x0  }
0x77: {  	s13 =	rddreg [dreg:$0xa];
	[sflag:s16] =	ssyncadd.s32 $0xFFFFC180  }
0x78: {  	[tilespmem:s15], [sflag:$0x1] =	stream.indirect.gather [hbm4b:s4+s18], $0x80, s13, s18, $0xb8;
	[tilespmem:$0x1C880] =	vst v63  }
0x79: {  	_ =	swait.ge [sflag:s21], $0x3E80  }
0x7a: {  	[sflag:s21] =	ssyncset.done $0x0  }
0x7b: {  	s14 =	rddreg [dreg:$0xb];
	[sflag:s21] =	ssyncadd.s32 $0xFFFFC180  }
0x7c: {  	[spmem:s1] =	stream.indirect.scatter.add.f32 [tilespmem:s19], [sflag:$0x3], $0x80, s14, s18, $0xb8;
	[tilespmem:$0x1C880] =	vst v63  }
0x7d: {  	_ =	swait.ge [sflag:s16], $0x3E80  }
0x7e: {  	[sflag:s16] =	ssyncset.done $0x0  }
0x7f: {  	s7 =	rddreg [dreg:$0xc];
	[sflag:s16] =	ssyncadd.s32 $0xFFFFC180  }
0x80: {  	[tilespmem:s19], [sflag:$0x2] =	stream.indirect.gather [hbm4b:s4+s18], $0x80, s7, s18, $0xb8;
	[tilespmem:$0x1C880] =	vst v63  }
0x81: {  	_ =	swait.ge [sflag:s20], $0x3E80  }
0x82: {  	[sflag:s20] =	ssyncset.done $0x0  }
0x83: {  	s13 =	rddreg [dreg:$0xd];
	[sflag:s20] =	ssyncadd.s32 $0xFFFFC180  }
0x84: {  	[spmem:s1] =	stream.indirect.scatter.add.f32 [tilespmem:s15], [sflag:$0x3], $0x80, s13, s18, $0xb8;
	[tilespmem:$0x1C880] =	vst v63  }
0x85: {  	_ =	swait.ge [sflag:s16], $0x3E80  }
0x86: {  	[sflag:s16] =	ssyncset.done $0x0  }
0x87: {  	s14 =	rddreg [dreg:$0xe];
	[sflag:s16] =	ssyncadd.s32 $0xFFFFC180  }
0x88: {  	[tilespmem:s15], [sflag:$0x1] =	stream.indirect.gather [hbm4b:s4+s18], $0x80, s14, s18, $0xb8;
	[tilespmem:$0x1C880] =	vst v63  }
0x89: {  	_ =	swait.ge [sflag:s21], $0x3E80  }
0x8a: {  	[sflag:s21] =	ssyncset.done $0x0  }
0x8b: {  	s7 =	rddreg [dreg:$0xf];
	[sflag:s21] =	ssyncadd.s32 $0xFFFFC180  }
0x8c: {  	[spmem:s1] =	stream.indirect.scatter.add.f32 [tilespmem:s19], [sflag:$0x3], $0x80, s7, s18, $0xb8;
	[tilespmem:$0x1C880] =	vst v63  }
0x8d: {  	_ =	swait.ge [sflag:s16], $0x3E80  }
0x8e: {  	[sflag:s16] =	ssyncset.done $0x0  }
0x8f: {  	s13 =	rddreg [dreg:$0x10];
	[sflag:s16] =	ssyncadd.s32 $0xFFFFC180  }
0x90: {  	[tilespmem:s19], [sflag:$0x2] =	stream.indirect.gather [hbm4b:s4+s18], $0x80, s13, s18, $0xb8;
	[tilespmem:$0x1C880] =	vst v63  }
0x91: {  	_ =	swait.ge [sflag:s20], $0x3E80  }
0x92: {  	[sflag:s20] =	ssyncset.done $0x0  }
0x93: {  	s14 =	rddreg [dreg:$0x11];
	[sflag:s20] =	ssyncadd.s32 $0xFFFFC180  }
0x94: {  	[spmem:s1] =	stream.indirect.scatter.add.f32 [tilespmem:s15], [sflag:$0x3], $0x80, s14, s18, $0xb8;
	[tilespmem:$0x1C880] =	vst v63  }
0x95: {  	_ =	swait.ge [sflag:s16], $0x3E80  }
0x96: {  	[sflag:s16] =	ssyncset.done $0x0  }
0x97: {  	[sflag:s16] =	ssyncadd.s32 $0xFFFFC180  }
0x98: {  	[tilespmem:s15], [sflag:$0x1] =	stream.indirect.gather [hbm4b:s4+s18], $0x80, s22, s18, $0xb8;
	[tilespmem:$0x1C880] =	vst v63  }
0x99: {  	_ =	swait.ge [sflag:s21], $0x3E80  }
0x9a: {  	[sflag:s21] =	ssyncset.done $0x0  }
0x9b: {  	[sflag:s21] =	ssyncadd.s32 $0xFFFFC180  }
0x9c: {  	[spmem:s1] =	stream.indirect.scatter.add.f32 [tilespmem:s19], [sflag:$0x3], $0x80, s23, s18, $0xb8;
	[tilespmem:$0x1C880] =	vst v63  }
0x9d: {  	_ =	swait.ge [sflag:s16], $0x3E80  }
0x9e: {  	[sflag:s16] =	ssyncset.done $0x0  }
0x9f: {  	[sflag:s16] =	ssyncadd.s32 $0xFFFFC180  }
0xa0: {  	[tilespmem:s19], [sflag:$0x2] =	stream.indirect.gather [hbm4b:s4+s18], $0x80, s24, s18, $0xb8;
	[tilespmem:$0x1C880] =	vst v63  }
0xa1: {  	_ =	swait.ge [sflag:s20], $0x3E80  }
0xa2: {  	[sflag:s20] =	ssyncset.done $0x0  }
0xa3: {  	[sflag:s20] =	ssyncadd.s32 $0xFFFFC180  }
0xa4: {  	[spmem:s1] =	stream.indirect.scatter.add.f32 [tilespmem:s15], [sflag:$0x3], $0x80, s25, s18, $0xb8;
	[tilespmem:$0x1C880] =	vst v63  }
0xa5: {  	_ =	swait.ge [sflag:s16], $0x3E80  }
0xa6: {  	[sflag:s16] =	ssyncset.done $0x0  }
0xa7: {  	[sflag:s16] =	ssyncadd.s32 $0xFFFFC180  }
0xa8: {  	[tilespmem:s15], [sflag:$0x1] =	stream.indirect.gather [hbm4b:s4+s18], $0x80, s26, s18, $0xb8;
	[tilespmem:$0x1C880] =	vst v63  }
0xa9: {  	_ =	swait.ge [sflag:s21], $0x3E80  }
0xaa: {  	[sflag:s21] =	ssyncset.done $0x0  }
0xab: {  	[sflag:s21] =	ssyncadd.s32 $0xFFFFC180  }
0xac: {  	[spmem:s1] =	stream.indirect.scatter.add.f32 [tilespmem:s19], [sflag:$0x3], $0x80, s28, s18, $0xb8;
	[tilespmem:$0x1C880] =	vst v63  }
0xad: {  	_ =	swait.ge [sflag:s16], $0x3E80  }
0xae: {  	[sflag:s16] =	ssyncset.done $0x0  }
0xaf: {  	[sflag:s16] =	ssyncadd.s32 $0xFFFFC180  }
0xb0: {  	[tilespmem:s19], [sflag:$0x2] =	stream.indirect.gather [hbm4b:s4+s18], $0x80, s29, s18, $0xb8;
	[tilespmem:$0x1C880] =	vst v63  }
0xb1: {  	_ =	swait.ge [sflag:s20], $0x3E80  }
0xb2: {  	[sflag:s20] =	ssyncset.done $0x0  }
0xb3: {  	[sflag:s20] =	ssyncadd.s32 $0xFFFFC180  }
0xb4: {  	[spmem:s1] =	stream.indirect.scatter.add.f32 [tilespmem:s15], [sflag:$0x3], $0x80, s30, s18, $0xb8;
	[tilespmem:$0x1C880] =	vst v63  }
0xb5: {  	_ =	swait.ge [sflag:s16], $0x3E80  }
0xb6: {  	[sflag:s16] =	ssyncset.done $0x0  }
0xb7: {  	[sflag:s16] =	ssyncadd.s32 $0xFFFFC180  }
0xb8: {  	[tilespmem:s15], [sflag:$0x1] =	stream.indirect.gather [hbm4b:s4+s18], $0x80, s31, s18, $0xb8;
	[tilespmem:$0x1C880] =	vst v63  }
0xb9: {  	_ =	swait.ge [sflag:s21], $0x3E80  }
0xba: {  	[sflag:s21] =	ssyncset.done $0x0  }
0xbb: {  	[sflag:s21] =	ssyncadd.s32 $0xFFFFC180  }
0xbc: {  	[spmem:s1] =	stream.indirect.scatter.add.f32 [tilespmem:s19], [sflag:$0x3], $0x80, s0, s18, $0xb8;
	[tilespmem:$0x1C880] =	vst v63  }
0xbd: {  	_ =	swait.ge [sflag:s16], $0x3E80  }
0xbe: {  	[sflag:s16] =	ssyncset.done $0x0  }
0xbf: {  	[sflag:s16] =	ssyncadd.s32 $0xFFFFC180  }
0xc0: {  	[tilespmem:s19], [sflag:$0x2] =	stream.indirect.gather [hbm4b:s4+s18], $0x80, s3, s18, $0xb8;
	[tilespmem:$0x1C880] =	vst v63  }
0xc1: {  	_ =	swait.ge [sflag:s20], $0x3E80  }
0xc2: {  	[sflag:s20] =	ssyncset.done $0x0  }
0xc3: {  	[sflag:s20] =	ssyncadd.s32 $0xFFFFC180  }
0xc4: {  	[spmem:s1] =	stream.indirect.scatter.add.f32 [tilespmem:s15], [sflag:$0x3], $0x80, s6, s18, $0xb8;
	[tilespmem:$0x1C880] =	vst v63  }
0xc5: {  	_ =	swait.ge [sflag:s16], $0x3E80  }
0xc6: {  	[sflag:s16] =	ssyncset.done $0x0  }
0xc7: {  	[sflag:s16] =	ssyncadd.s32 $0xFFFFC180  }
0xc8: {  	[tilespmem:s15], [sflag:$0x1] =	stream.indirect.gather [hbm4b:s4+s18], $0x80, s8, s18, $0xb8;
	[tilespmem:$0x1C880] =	vst v63  }
0xc9: {  	_ =	swait.ge [sflag:s21], $0x3E80  }
0xca: {  	[sflag:s21] =	ssyncset.done $0x0  }
0xcb: {  	[sflag:s21] =	ssyncadd.s32 $0xFFFFC180  }
0xcc: {  	[spmem:s1] =	stream.indirect.scatter.add.f32 [tilespmem:s19], [sflag:$0x3], $0x80, s9, s18, $0xb8;
	[tilespmem:$0x1C880] =	vst v63  }
0xcd: {  	_ =	swait.ge [sflag:s16], $0x3E80  }
0xce: {  	[sflag:s16] =	ssyncset.done $0x0  }
0xcf: {  	[sflag:s16] =	ssyncadd.s32 $0xFFFFC180  }
0xd0: {  	[tilespmem:s19], [sflag:$0x2] =	stream.indirect.gather [hbm4b:s4+s18], $0x80, s10, s18, $0xb8;
	[tilespmem:$0x1C880] =	vst v63  }
0xd1: {  	_ =	swait.ge [sflag:s20], $0x3E80  }
0xd2: {  	[sflag:s20] =	ssyncset.done $0x0  }
0xd3: {  	[sflag:s20] =	ssyncadd.s32 $0xFFFFC180  }
0xd4: {  	[spmem:s1] =	stream.indirect.scatter.add.f32 [tilespmem:s15], [sflag:$0x3], $0x80, s11, s18, $0xb8;
	[tilespmem:$0x1C880] =	vst v63  }
0xd5: {  	_ =	swait.ge [sflag:s16], $0x3E80  }
0xd6: {  	[sflag:s16] =	ssyncset.done $0x0  }
0xd7: {  	[sflag:s16] =	ssyncadd.s32 $0xFFFFC180  }
0xd8: {  	_ =	swait.ge [sflag:s21], $0x3E80  }
0xd9: {  	[sflag:s21] =	ssyncset.done $0x0  }
0xda: {  	[sflag:s21] =	ssyncadd.s32 $0xFFFFC180  }
0xdb: {  	[spmem:s1] =	stream.indirect.scatter.add.f32 [tilespmem:s19], [sflag:$0x3], $0x80, s12, s18, $0xb8;
	[tilespmem:$0x1C880] =	vst v63  }
0xdc: {  	s5 =	simm.s32 $0x200;
	_ =	swait.ge [sflag:s16], $0x3E80  }
0xdd: {  	s14 =	simm.s32 $0x100;
	s7 =	rddreg [dreg:$0x4];
	[sflag:s16] =	ssyncset.done $0x0  }
.LBB2_4:
0xde: {  	[sflag:s16] =	ssyncadd.s32 $0xFFFFC180;
	s7 =	sadd.s32 s14, s7  }
0xdf: {  	[tilespmem:s2], [sflag:$0x3] =	stream.linear.gather [hbm4b:s7+s2], $0x800, $0x38;
	[tilespmem:$0x1C880] =	vst v63  }
0xe0: {  	_ =	swait.ge [sflag:s16], $0x800  }
0xe1: {  	s7 =	rddreg [dreg:$0x3];
	[sflag:s16] =	ssyncset.done $0x0  }
0xe2: {  	[sflag:s16] =	ssyncadd.s32 $0xFFFFF800;
	s7 =	sadd.s32 s14, s7  }
0xe3: {  	[tilespmem:s17], [sflag:$0x3] =	stream.linear.gather [hbm4b:s7+s2], $0x800, $0x38;
	[tilespmem:$0x1C880] =	vst v63  }
0xe4: {  	_ =	swait.ge [sflag:s16], $0x800  }
0xe5: {  	[sflag:s16] =	ssyncset.done $0x0  }
0xe6: {  	s13 =	smov.u32 s5;
	[sflag:s16] =	ssyncadd.s32 $0xFFFFF800  }
0xe7: {  	[tilespmem:s15], [sflag:$0x1] =	stream.indirect.gather [hbm4b:s4+s18], $0x80, s2, s18, $0xb8;
	[tilespmem:$0x1C880] =	vst v63  }
0xe8: {  	s14 =	smov.u32 s13;
	s13 =	rddreg [dreg:$0x5]  }
0xe9: {  	[tilespmem:s19], [sflag:$0x2] =	stream.indirect.gather [hbm4b:s4+s18], $0x80, s13, s18, $0xb8;
	[tilespmem:$0x1C880] =	vst v63  }
0xea: {  	_ =	swait.ge [sflag:s20], $0x3E80  }
0xeb: {  	[sflag:s20] =	ssyncset.done $0x0  }
0xec: {  	[sflag:s20] =	ssyncadd.s32 $0xFFFFC180  }
0xed: {  	[spmem:s1] =	stream.indirect.scatter.add.f32 [tilespmem:s15], [sflag:$0x3], $0x80, s17, s18, $0xb8;
	[tilespmem:$0x1C880] =	vst v63  }
0xee: {  	_ =	swait.ge [sflag:s16], $0x3E80  }
0xef: {  	[sflag:s16] =	ssyncset.done $0x0  }
0xf0: {  	s13 =	rddreg [dreg:$0x6];
	[sflag:s16] =	ssyncadd.s32 $0xFFFFC180  }
0xf1: {  	[tilespmem:s15], [sflag:$0x1] =	stream.indirect.gather [hbm4b:s4+s18], $0x80, s13, s18, $0xb8;
	[tilespmem:$0x1C880] =	vst v63  }
0xf2: {  	_ =	swait.ge [sflag:s21], $0x3E80  }
0xf3: {  	[sflag:s21] =	ssyncset.done $0x0  }
0xf4: {  	s13 =	rddreg [dreg:$0x7];
	[sflag:s21] =	ssyncadd.s32 $0xFFFFC180  }
0xf5: {  	[spmem:s1] =	stream.indirect.scatter.add.f32 [tilespmem:s19], [sflag:$0x3], $0x80, s13, s18, $0xb8;
	[tilespmem:$0x1C880] =	vst v63  }
0xf6: {  	_ =	swait.ge [sflag:s16], $0x3E80  }
0xf7: {  	[sflag:s16] =	ssyncset.done $0x0  }
0xf8: {  	s13 =	rddreg [dreg:$0x8];
	[sflag:s16] =	ssyncadd.s32 $0xFFFFC180  }
0xf9: {  	[tilespmem:s19], [sflag:$0x2] =	stream.indirect.gather [hbm4b:s4+s18], $0x80, s13, s18, $0xb8;
	[tilespmem:$0x1C880] =	vst v63  }
0xfa: {  	_ =	swait.ge [sflag:s20], $0x3E80  }
0xfb: {  	[sflag:s20] =	ssyncset.done $0x0  }
0xfc: {  	s13 =	rddreg [dreg:$0x9];
	[sflag:s20] =	ssyncadd.s32 $0xFFFFC180  }
0xfd: {  	[spmem:s1] =	stream.indirect.scatter.add.f32 [tilespmem:s15], [sflag:$0x3], $0x80, s13, s18, $0xb8;
	[tilespmem:$0x1C880] =	vst v63  }
0xfe: {  	_ =	swait.ge [sflag:s16], $0x3E80  }
0xff: {  	[sflag:s16] =	ssyncset.done $0x0  }
0x100: {  	s13 =	rddreg [dreg:$0xa];
	[sflag:s16] =	ssyncadd.s32 $0xFFFFC180  }
0x101: {  	[tilespmem:s15], [sflag:$0x1] =	stream.indirect.gather [hbm4b:s4+s18], $0x80, s13, s18, $0xb8;
	[tilespmem:$0x1C880] =	vst v63  }
0x102: {  	_ =	swait.ge [sflag:s21], $0x3E80  }
0x103: {  	[sflag:s21] =	ssyncset.done $0x0  }
0x104: {  	s13 =	rddreg [dreg:$0xb];
	[sflag:s21] =	ssyncadd.s32 $0xFFFFC180  }
0x105: {  	[spmem:s1] =	stream.indirect.scatter.add.f32 [tilespmem:s19], [sflag:$0x3], $0x80, s13, s18, $0xb8;
	[tilespmem:$0x1C880] =	vst v63  }
0x106: {  	_ =	swait.ge [sflag:s16], $0x3E80  }
0x107: {  	[sflag:s16] =	ssyncset.done $0x0  }
0x108: {  	s13 =	rddreg [dreg:$0xc];
	[sflag:s16] =	ssyncadd.s32 $0xFFFFC180  }
0x109: {  	[tilespmem:s19], [sflag:$0x2] =	stream.indirect.gather [hbm4b:s4+s18], $0x80, s13, s18, $0xb8;
	[tilespmem:$0x1C880] =	vst v63  }
0x10a: {  	_ =	swait.ge [sflag:s20], $0x3E80  }
0x10b: {  	[sflag:s20] =	ssyncset.done $0x0  }
0x10c: {  	s13 =	rddreg [dreg:$0xd];
	[sflag:s20] =	ssyncadd.s32 $0xFFFFC180  }
0x10d: {  	[spmem:s1] =	stream.indirect.scatter.add.f32 [tilespmem:s15], [sflag:$0x3], $0x80, s13, s18, $0xb8;
	[tilespmem:$0x1C880] =	vst v63  }
0x10e: {  	_ =	swait.ge [sflag:s16], $0x3E80  }
0x10f: {  	[sflag:s16] =	ssyncset.done $0x0  }
0x110: {  	s13 =	rddreg [dreg:$0xe];
	[sflag:s16] =	ssyncadd.s32 $0xFFFFC180  }
0x111: {  	[tilespmem:s15], [sflag:$0x1] =	stream.indirect.gather [hbm4b:s4+s18], $0x80, s13, s18, $0xb8;
	[tilespmem:$0x1C880] =	vst v63  }
0x112: {  	_ =	swait.ge [sflag:s21], $0x3E80  }
0x113: {  	[sflag:s21] =	ssyncset.done $0x0  }
0x114: {  	s13 =	rddreg [dreg:$0xf];
	[sflag:s21] =	ssyncadd.s32 $0xFFFFC180  }
0x115: {  	[spmem:s1] =	stream.indirect.scatter.add.f32 [tilespmem:s19], [sflag:$0x3], $0x80, s13, s18, $0xb8;
	[tilespmem:$0x1C880] =	vst v63  }
0x116: {  	_ =	swait.ge [sflag:s16], $0x3E80  }
0x117: {  	[sflag:s16] =	ssyncset.done $0x0  }
0x118: {  	s13 =	rddreg [dreg:$0x10];
	[sflag:s16] =	ssyncadd.s32 $0xFFFFC180  }
0x119: {  	[tilespmem:s19], [sflag:$0x2] =	stream.indirect.gather [hbm4b:s4+s18], $0x80, s13, s18, $0xb8;
	[tilespmem:$0x1C880] =	vst v63  }
0x11a: {  	_ =	swait.ge [sflag:s20], $0x3E80  }
0x11b: {  	[sflag:s20] =	ssyncset.done $0x0  }
0x11c: {  	s13 =	rddreg [dreg:$0x11];
	[sflag:s20] =	ssyncadd.s32 $0xFFFFC180  }
0x11d: {  	[spmem:s1] =	stream.indirect.scatter.add.f32 [tilespmem:s15], [sflag:$0x3], $0x80, s13, s18, $0xb8;
	[tilespmem:$0x1C880] =	vst v63  }
0x11e: {  	_ =	swait.ge [sflag:s16], $0x3E80  }
0x11f: {  	[sflag:s16] =	ssyncset.done $0x0  }
0x120: {  	[sflag:s16] =	ssyncadd.s32 $0xFFFFC180  }
0x121: {  	[tilespmem:s15], [sflag:$0x1] =	stream.indirect.gather [hbm4b:s4+s18], $0x80, s22, s18, $0xb8;
	[tilespmem:$0x1C880] =	vst v63  }
0x122: {  	_ =	swait.ge [sflag:s21], $0x3E80  }
0x123: {  	[sflag:s21] =	ssyncset.done $0x0  }
0x124: {  	[sflag:s21] =	ssyncadd.s32 $0xFFFFC180  }
0x125: {  	[spmem:s1] =	stream.indirect.scatter.add.f32 [tilespmem:s19], [sflag:$0x3], $0x80, s23, s18, $0xb8;
	[tilespmem:$0x1C880] =	vst v63  }
0x126: {  	_ =	swait.ge [sflag:s16], $0x3E80  }
0x127: {  	[sflag:s16] =	ssyncset.done $0x0  }
0x128: {  	[sflag:s16] =	ssyncadd.s32 $0xFFFFC180  }
0x129: {  	[tilespmem:s19], [sflag:$0x2] =	stream.indirect.gather [hbm4b:s4+s18], $0x80, s24, s18, $0xb8;
	[tilespmem:$0x1C880] =	vst v63  }
0x12a: {  	_ =	swait.ge [sflag:s20], $0x3E80  }
0x12b: {  	[sflag:s20] =	ssyncset.done $0x0  }
0x12c: {  	[sflag:s20] =	ssyncadd.s32 $0xFFFFC180  }
0x12d: {  	[spmem:s1] =	stream.indirect.scatter.add.f32 [tilespmem:s15], [sflag:$0x3], $0x80, s25, s18, $0xb8;
	[tilespmem:$0x1C880] =	vst v63  }
0x12e: {  	_ =	swait.ge [sflag:s16], $0x3E80  }
0x12f: {  	[sflag:s16] =	ssyncset.done $0x0  }
0x130: {  	[sflag:s16] =	ssyncadd.s32 $0xFFFFC180  }
0x131: {  	[tilespmem:s15], [sflag:$0x1] =	stream.indirect.gather [hbm4b:s4+s18], $0x80, s26, s18, $0xb8;
	[tilespmem:$0x1C880] =	vst v63  }
0x132: {  	_ =	swait.ge [sflag:s21], $0x3E80  }
0x133: {  	[sflag:s21] =	ssyncset.done $0x0  }
0x134: {  	[sflag:s21] =	ssyncadd.s32 $0xFFFFC180  }
0x135: {  	[spmem:s1] =	stream.indirect.scatter.add.f32 [tilespmem:s19], [sflag:$0x3], $0x80, s28, s18, $0xb8;
	[tilespmem:$0x1C880] =	vst v63  }
0x136: {  	_ =	swait.ge [sflag:s16], $0x3E80  }
0x137: {  	[sflag:s16] =	ssyncset.done $0x0  }
0x138: {  	[sflag:s16] =	ssyncadd.s32 $0xFFFFC180  }
0x139: {  	[tilespmem:s19], [sflag:$0x2] =	stream.indirect.gather [hbm4b:s4+s18], $0x80, s29, s18, $0xb8;
	[tilespmem:$0x1C880] =	vst v63  }
0x13a: {  	_ =	swait.ge [sflag:s20], $0x3E80  }
0x13b: {  	[sflag:s20] =	ssyncset.done $0x0  }
0x13c: {  	[sflag:s20] =	ssyncadd.s32 $0xFFFFC180  }
0x13d: {  	[spmem:s1] =	stream.indirect.scatter.add.f32 [tilespmem:s15], [sflag:$0x3], $0x80, s30, s18, $0xb8;
	[tilespmem:$0x1C880] =	vst v63  }
0x13e: {  	_ =	swait.ge [sflag:s16], $0x3E80  }
0x13f: {  	[sflag:s16] =	ssyncset.done $0x0  }
0x140: {  	[sflag:s16] =	ssyncadd.s32 $0xFFFFC180  }
0x141: {  	[tilespmem:s15], [sflag:$0x1] =	stream.indirect.gather [hbm4b:s4+s18], $0x80, s31, s18, $0xb8;
	[tilespmem:$0x1C880] =	vst v63  }
0x142: {  	_ =	swait.ge [sflag:s21], $0x3E80  }
0x143: {  	[sflag:s21] =	ssyncset.done $0x0  }
0x144: {  	[sflag:s21] =	ssyncadd.s32 $0xFFFFC180  }
0x145: {  	[spmem:s1] =	stream.indirect.scatter.add.f32 [tilespmem:s19], [sflag:$0x3], $0x80, s0, s18, $0xb8;
	[tilespmem:$0x1C880] =	vst v63  }
0x146: {  	_ =	swait.ge [sflag:s16], $0x3E80  }
0x147: {  	[sflag:s16] =	ssyncset.done $0x0  }
0x148: {  	[sflag:s16] =	ssyncadd.s32 $0xFFFFC180  }
0x149: {  	[tilespmem:s19], [sflag:$0x2] =	stream.indirect.gather [hbm4b:s4+s18], $0x80, s3, s18, $0xb8;
	[tilespmem:$0x1C880] =	vst v63  }
0x14a: {  	_ =	swait.ge [sflag:s20], $0x3E80  }
0x14b: {  	[sflag:s20] =	ssyncset.done $0x0  }
0x14c: {  	[sflag:s20] =	ssyncadd.s32 $0xFFFFC180  }
0x14d: {  	[spmem:s1] =	stream.indirect.scatter.add.f32 [tilespmem:s15], [sflag:$0x3], $0x80, s6, s18, $0xb8;
	[tilespmem:$0x1C880] =	vst v63  }
0x14e: {  	_ =	swait.ge [sflag:s16], $0x3E80  }
0x14f: {  	[sflag:s16] =	ssyncset.done $0x0  }
0x150: {  	[sflag:s16] =	ssyncadd.s32 $0xFFFFC180  }
0x151: {  	[tilespmem:s15], [sflag:$0x1] =	stream.indirect.gather [hbm4b:s4+s18], $0x80, s8, s18, $0xb8;
	[tilespmem:$0x1C880] =	vst v63  }
0x152: {  	_ =	swait.ge [sflag:s21], $0x3E80  }
0x153: {  	[sflag:s21] =	ssyncset.done $0x0  }
0x154: {  	[sflag:s21] =	ssyncadd.s32 $0xFFFFC180  }
0x155: {  	[spmem:s1] =	stream.indirect.scatter.add.f32 [tilespmem:s19], [sflag:$0x3], $0x80, s9, s18, $0xb8;
	[tilespmem:$0x1C880] =	vst v63  }
0x156: {  	_ =	swait.ge [sflag:s16], $0x3E80  }
0x157: {  	[sflag:s16] =	ssyncset.done $0x0  }
0x158: {  	[sflag:s16] =	ssyncadd.s32 $0xFFFFC180  }
0x159: {  	[tilespmem:s19], [sflag:$0x2] =	stream.indirect.gather [hbm4b:s4+s18], $0x80, s10, s18, $0xb8;
	[tilespmem:$0x1C880] =	vst v63  }
0x15a: {  	_ =	swait.ge [sflag:s20], $0x3E80  }
0x15b: {  	[sflag:s20] =	ssyncset.done $0x0  }
0x15c: {  	[sflag:s20] =	ssyncadd.s32 $0xFFFFC180  }
0x15d: {  	[spmem:s1] =	stream.indirect.scatter.add.f32 [tilespmem:s15], [sflag:$0x3], $0x80, s11, s18, $0xb8;
	[tilespmem:$0x1C880] =	vst v63  }
0x15e: {  	_ =	swait.ge [sflag:s16], $0x3E80  }
0x15f: {  	[sflag:s16] =	ssyncset.done $0x0  }
0x160: {  	[sflag:s16] =	ssyncadd.s32 $0xFFFFC180  }
0x161: {  	p1 =	sne.s32 s5, $0x400;
	_ =	swait.ge [sflag:s21], $0x3E80  }
.Ltmp1:
0x162: {  	[sflag:s21] =	ssyncset.done $0x0;
	(pc) =	sbr.rel @p1 .LBB2_4-.Ltmp1, $4  }
0x163: {  	[sflag:s21] =	ssyncadd.s32 $0xFFFFC180  }
0x164: {  	[spmem:s1] =	stream.indirect.scatter.add.f32 [tilespmem:s19], [sflag:$0x3], $0x80, s12, s18, $0xb8;
	[tilespmem:$0x1C880] =	vst v63  }
0x165: {  	_ =	swait.ge [sflag:s16], $0x3E80  }
0x166: {  	s5 =	sadd.s32 $0x100, s5;
	s7 =	rddreg [dreg:$0x4];
	[sflag:s16] =	ssyncset.done $0x0  }
0x167: {  	[sflag:s16] =	ssyncadd.s32 $0xFFFFC180;
	s5 =	sadd.s32 s14, s7  }
0x168: {  	[tilespmem:s2], [sflag:$0x3] =	stream.linear.gather [hbm4b:s5+s2], $0x800, $0x38;
	[tilespmem:$0x1C880] =	vst v63  }
0x169: {  	_ =	swait.ge [sflag:s16], $0x800  }
0x16a: {  	s13 =	rddreg [dreg:$0x3];
	[sflag:s16] =	ssyncset.done $0x0  }
0x16b: {  	[sflag:s16] =	ssyncadd.s32 $0xFFFFF800;
	s5 =	sadd.s32 s14, s13  }
0x16c: {  	[tilespmem:s17], [sflag:$0x3] =	stream.linear.gather [hbm4b:s5+s2], $0x800, $0x38;
	[tilespmem:$0x1C880] =	vst v63  }
0x16d: {  	_ =	swait.ge [sflag:s16], $0x800  }
0x16e: {  	[sflag:s16] =	ssyncset.done $0x0  }
0x16f: {  	[sflag:s16] =	ssyncadd.s32 $0xFFFFF800  }
0x170: {  	[tilespmem:s15], [sflag:$0x1] =	stream.indirect.gather [hbm4b:s4+s18], $0x80, s2, s18, $0xb8;
	[tilespmem:$0x1C880] =	vst v63  }
0x171: {  	s7 =	rddreg [dreg:$0x5]  }
0x172: {  	[tilespmem:s19], [sflag:$0x2] =	stream.indirect.gather [hbm4b:s4+s18], $0x80, s7, s18, $0xb8;
	[tilespmem:$0x1C880] =	vst v63  }
0x173: {  	_ =	swait.ge [sflag:s20], $0x3E80  }
0x174: {  	[sflag:s20] =	ssyncset.done $0x0  }
0x175: {  	[sflag:s20] =	ssyncadd.s32 $0xFFFFC180  }
0x176: {  	[spmem:s1] =	stream.indirect.scatter.add.f32 [tilespmem:s15], [sflag:$0x3], $0x80, s17, s18, $0xb8;
	[tilespmem:$0x1C880] =	vst v63  }
0x177: {  	_ =	swait.ge [sflag:s16], $0x3E80  }
0x178: {  	[sflag:s16] =	ssyncset.done $0x0  }
0x179: {  	s13 =	rddreg [dreg:$0x6];
	[sflag:s16] =	ssyncadd.s32 $0xFFFFC180  }
0x17a: {  	[tilespmem:s15], [sflag:$0x1] =	stream.indirect.gather [hbm4b:s4+s18], $0x80, s13, s18, $0xb8;
	[tilespmem:$0x1C880] =	vst v63  }
0x17b: {  	_ =	swait.ge [sflag:s21], $0x3E80  }
0x17c: {  	[sflag:s21] =	ssyncset.done $0x0  }
0x17d: {  	s14 =	rddreg [dreg:$0x7];
	[sflag:s21] =	ssyncadd.s32 $0xFFFFC180  }
0x17e: {  	[spmem:s1] =	stream.indirect.scatter.add.f32 [tilespmem:s19], [sflag:$0x3], $0x80, s14, s18, $0xb8;
	[tilespmem:$0x1C880] =	vst v63  }
0x17f: {  	_ =	swait.ge [sflag:s16], $0x3E80  }
0x180: {  	[sflag:s16] =	ssyncset.done $0x0  }
0x181: {  	s7 =	rddreg [dreg:$0x8];
	[sflag:s16] =	ssyncadd.s32 $0xFFFFC180  }
0x182: {  	[tilespmem:s19], [sflag:$0x2] =	stream.indirect.gather [hbm4b:s4+s18], $0x80, s7, s18, $0xb8;
	[tilespmem:$0x1C880] =	vst v63  }
0x183: {  	_ =	swait.ge [sflag:s20], $0x3E80  }
0x184: {  	[sflag:s20] =	ssyncset.done $0x0  }
0x185: {  	s13 =	rddreg [dreg:$0x9];
	[sflag:s20] =	ssyncadd.s32 $0xFFFFC180  }
0x186: {  	[spmem:s1] =	stream.indirect.scatter.add.f32 [tilespmem:s15], [sflag:$0x3], $0x80, s13, s18, $0xb8;
	[tilespmem:$0x1C880] =	vst v63  }
0x187: {  	_ =	swait.ge [sflag:s16], $0x3E80  }
0x188: {  	[sflag:s16] =	ssyncset.done $0x0  }
0x189: {  	s14 =	rddreg [dreg:$0xa];
	[sflag:s16] =	ssyncadd.s32 $0xFFFFC180  }
0x18a: {  	[tilespmem:s15], [sflag:$0x1] =	stream.indirect.gather [hbm4b:s4+s18], $0x80, s14, s18, $0xb8;
	[tilespmem:$0x1C880] =	vst v63  }
0x18b: {  	_ =	swait.ge [sflag:s21], $0x3E80  }
0x18c: {  	[sflag:s21] =	ssyncset.done $0x0  }
0x18d: {  	s7 =	rddreg [dreg:$0xb];
	[sflag:s21] =	ssyncadd.s32 $0xFFFFC180  }
0x18e: {  	[spmem:s1] =	stream.indirect.scatter.add.f32 [tilespmem:s19], [sflag:$0x3], $0x80, s7, s18, $0xb8;
	[tilespmem:$0x1C880] =	vst v63  }
0x18f: {  	_ =	swait.ge [sflag:s16], $0x3E80  }
0x190: {  	[sflag:s16] =	ssyncset.done $0x0  }
0x191: {  	s13 =	rddreg [dreg:$0xc];
	[sflag:s16] =	ssyncadd.s32 $0xFFFFC180  }
0x192: {  	[tilespmem:s19], [sflag:$0x2] =	stream.indirect.gather [hbm4b:s4+s18], $0x80, s13, s18, $0xb8;
	[tilespmem:$0x1C880] =	vst v63  }
0x193: {  	_ =	swait.ge [sflag:s20], $0x3E80  }
0x194: {  	[sflag:s20] =	ssyncset.done $0x0  }
0x195: {  	s14 =	rddreg [dreg:$0xd];
	[sflag:s20] =	ssyncadd.s32 $0xFFFFC180  }
0x196: {  	[spmem:s1] =	stream.indirect.scatter.add.f32 [tilespmem:s15], [sflag:$0x3], $0x80, s14, s18, $0xb8;
	[tilespmem:$0x1C880] =	vst v63  }
0x197: {  	_ =	swait.ge [sflag:s16], $0x3E80  }
0x198: {  	[sflag:s16] =	ssyncset.done $0x0  }
0x199: {  	s7 =	rddreg [dreg:$0xe];
	[sflag:s16] =	ssyncadd.s32 $0xFFFFC180  }
0x19a: {  	[tilespmem:s15], [sflag:$0x1] =	stream.indirect.gather [hbm4b:s4+s18], $0x80, s7, s18, $0xb8;
	[tilespmem:$0x1C880] =	vst v63  }
0x19b: {  	_ =	swait.ge [sflag:s21], $0x3E80  }
0x19c: {  	[sflag:s21] =	ssyncset.done $0x0  }
0x19d: {  	s13 =	rddreg [dreg:$0xf];
	[sflag:s21] =	ssyncadd.s32 $0xFFFFC180  }
0x19e: {  	[spmem:s1] =	stream.indirect.scatter.add.f32 [tilespmem:s19], [sflag:$0x3], $0x80, s13, s18, $0xb8;
	[tilespmem:$0x1C880] =	vst v63  }
0x19f: {  	_ =	swait.ge [sflag:s16], $0x3E80  }
0x1a0: {  	[sflag:s16] =	ssyncset.done $0x0  }
0x1a1: {  	s14 =	rddreg [dreg:$0x10];
	[sflag:s16] =	ssyncadd.s32 $0xFFFFC180  }
0x1a2: {  	[tilespmem:s19], [sflag:$0x2] =	stream.indirect.gather [hbm4b:s4+s18], $0x80, s14, s18, $0xb8;
	[tilespmem:$0x1C880] =	vst v63  }
0x1a3: {  	_ =	swait.ge [sflag:s20], $0x3E80  }
0x1a4: {  	[sflag:s20] =	ssyncset.done $0x0  }
0x1a5: {  	s7 =	rddreg [dreg:$0x11];
	[sflag:s20] =	ssyncadd.s32 $0xFFFFC180  }
0x1a6: {  	[spmem:s1] =	stream.indirect.scatter.add.f32 [tilespmem:s15], [sflag:$0x3], $0x80, s7, s18, $0xb8;
	[tilespmem:$0x1C880] =	vst v63  }
0x1a7: {  	_ =	swait.ge [sflag:s16], $0x3E80  }
0x1a8: {  	[sflag:s16] =	ssyncset.done $0x0  }
0x1a9: {  	[sflag:s16] =	ssyncadd.s32 $0xFFFFC180  }
0x1aa: {  	[tilespmem:s15], [sflag:$0x1] =	stream.indirect.gather [hbm4b:s4+s18], $0x80, s22, s18, $0xb8;
	[tilespmem:$0x1C880] =	vst v63  }
0x1ab: {  	_ =	swait.ge [sflag:s21], $0x3E80  }
0x1ac: {  	[sflag:s21] =	ssyncset.done $0x0  }
0x1ad: {  	[sflag:s21] =	ssyncadd.s32 $0xFFFFC180  }
0x1ae: {  	[spmem:s1] =	stream.indirect.scatter.add.f32 [tilespmem:s19], [sflag:$0x3], $0x80, s23, s18, $0xb8;
	[tilespmem:$0x1C880] =	vst v63  }
0x1af: {  	_ =	swait.ge [sflag:s16], $0x3E80  }
0x1b0: {  	[sflag:s16] =	ssyncset.done $0x0  }
0x1b1: {  	[sflag:s16] =	ssyncadd.s32 $0xFFFFC180  }
0x1b2: {  	[tilespmem:s19], [sflag:$0x2] =	stream.indirect.gather [hbm4b:s4+s18], $0x80, s24, s18, $0xb8;
	[tilespmem:$0x1C880] =	vst v63  }
0x1b3: {  	_ =	swait.ge [sflag:s20], $0x3E80  }
0x1b4: {  	[sflag:s20] =	ssyncset.done $0x0  }
0x1b5: {  	[sflag:s20] =	ssyncadd.s32 $0xFFFFC180  }
0x1b6: {  	[spmem:s1] =	stream.indirect.scatter.add.f32 [tilespmem:s15], [sflag:$0x3], $0x80, s25, s18, $0xb8;
	[tilespmem:$0x1C880] =	vst v63  }
0x1b7: {  	_ =	swait.ge [sflag:s16], $0x3E80  }
0x1b8: {  	[sflag:s16] =	ssyncset.done $0x0  }
0x1b9: {  	[sflag:s16] =	ssyncadd.s32 $0xFFFFC180  }
0x1ba: {  	[tilespmem:s15], [sflag:$0x1] =	stream.indirect.gather [hbm4b:s4+s18], $0x80, s26, s18, $0xb8;
	[tilespmem:$0x1C880] =	vst v63  }
0x1bb: {  	_ =	swait.ge [sflag:s21], $0x3E80  }
0x1bc: {  	[sflag:s21] =	ssyncset.done $0x0  }
0x1bd: {  	[sflag:s21] =	ssyncadd.s32 $0xFFFFC180  }
0x1be: {  	[spmem:s1] =	stream.indirect.scatter.add.f32 [tilespmem:s19], [sflag:$0x3], $0x80, s28, s18, $0xb8;
	[tilespmem:$0x1C880] =	vst v63  }
0x1bf: {  	_ =	swait.ge [sflag:s16], $0x3E80  }
0x1c0: {  	[sflag:s16] =	ssyncset.done $0x0  }
0x1c1: {  	[sflag:s16] =	ssyncadd.s32 $0xFFFFC180  }
0x1c2: {  	[tilespmem:s19], [sflag:$0x2] =	stream.indirect.gather [hbm4b:s4+s18], $0x80, s29, s18, $0xb8;
	[tilespmem:$0x1C880] =	vst v63  }
0x1c3: {  	_ =	swait.ge [sflag:s20], $0x3E80  }
0x1c4: {  	[sflag:s20] =	ssyncset.done $0x0  }
0x1c5: {  	[sflag:s20] =	ssyncadd.s32 $0xFFFFC180  }
0x1c6: {  	[spmem:s1] =	stream.indirect.scatter.add.f32 [tilespmem:s15], [sflag:$0x3], $0x80, s30, s18, $0xb8;
	[tilespmem:$0x1C880] =	vst v63  }
0x1c7: {  	_ =	swait.ge [sflag:s16], $0x3E80  }
0x1c8: {  	[sflag:s16] =	ssyncset.done $0x0  }
0x1c9: {  	[sflag:s16] =	ssyncadd.s32 $0xFFFFC180  }
0x1ca: {  	[tilespmem:s15], [sflag:$0x1] =	stream.indirect.gather [hbm4b:s4+s18], $0x80, s31, s18, $0xb8;
	[tilespmem:$0x1C880] =	vst v63  }
0x1cb: {  	_ =	swait.ge [sflag:s21], $0x3E80  }
0x1cc: {  	[sflag:s21] =	ssyncset.done $0x0  }
0x1cd: {  	[sflag:s21] =	ssyncadd.s32 $0xFFFFC180  }
0x1ce: {  	[spmem:s1] =	stream.indirect.scatter.add.f32 [tilespmem:s19], [sflag:$0x3], $0x80, s0, s18, $0xb8;
	[tilespmem:$0x1C880] =	vst v63  }
0x1cf: {  	_ =	swait.ge [sflag:s16], $0x3E80  }
0x1d0: {  	[sflag:s16] =	ssyncset.done $0x0  }
0x1d1: {  	[sflag:s16] =	ssyncadd.s32 $0xFFFFC180  }
0x1d2: {  	[tilespmem:s19], [sflag:$0x2] =	stream.indirect.gather [hbm4b:s4+s18], $0x80, s3, s18, $0xb8;
	[tilespmem:$0x1C880] =	vst v63  }
0x1d3: {  	_ =	swait.ge [sflag:s20], $0x3E80  }
0x1d4: {  	[sflag:s20] =	ssyncset.done $0x0  }
0x1d5: {  	[sflag:s20] =	ssyncadd.s32 $0xFFFFC180  }
0x1d6: {  	[spmem:s1] =	stream.indirect.scatter.add.f32 [tilespmem:s15], [sflag:$0x3], $0x80, s6, s18, $0xb8;
	[tilespmem:$0x1C880] =	vst v63  }
0x1d7: {  	_ =	swait.ge [sflag:s16], $0x3E80  }
0x1d8: {  	[sflag:s16] =	ssyncset.done $0x0  }
0x1d9: {  	[sflag:s16] =	ssyncadd.s32 $0xFFFFC180  }
0x1da: {  	[tilespmem:s15], [sflag:$0x1] =	stream.indirect.gather [hbm4b:s4+s18], $0x80, s8, s18, $0xb8;
	[tilespmem:$0x1C880] =	vst v63  }
0x1db: {  	_ =	swait.ge [sflag:s21], $0x3E80  }
0x1dc: {  	[sflag:s21] =	ssyncset.done $0x0  }
0x1dd: {  	[sflag:s21] =	ssyncadd.s32 $0xFFFFC180  }
0x1de: {  	[spmem:s1] =	stream.indirect.scatter.add.f32 [tilespmem:s19], [sflag:$0x3], $0x80, s9, s18, $0xb8;
	[tilespmem:$0x1C880] =	vst v63  }
0x1df: {  	_ =	swait.ge [sflag:s16], $0x3E80  }
0x1e0: {  	[sflag:s16] =	ssyncset.done $0x0  }
0x1e1: {  	[sflag:s16] =	ssyncadd.s32 $0xFFFFC180  }
0x1e2: {  	[tilespmem:s19], [sflag:$0x2] =	stream.indirect.gather [hbm4b:s4+s18], $0x80, s10, s18, $0xb8;
	[tilespmem:$0x1C880] =	vst v63  }
0x1e3: {  	_ =	swait.ge [sflag:s20], $0x3E80  }
0x1e4: {  	[sflag:s20] =	ssyncset.done $0x0  }
0x1e5: {  	[sflag:s20] =	ssyncadd.s32 $0xFFFFC180  }
0x1e6: {  	[spmem:s1] =	stream.indirect.scatter.add.f32 [tilespmem:s15], [sflag:$0x3], $0x80, s11, s18, $0xb8;
	[tilespmem:$0x1C880] =	vst v63  }
0x1e7: {  	_ =	swait.ge [sflag:s16], $0x3E80  }
0x1e8: {  	[sflag:s16] =	ssyncset.done $0x0  }
0x1e9: {  	[sflag:s16] =	ssyncadd.s32 $0xFFFFC180  }
0x1ea: {  	_ =	swait.ge [sflag:s21], $0x3E80  }
0x1eb: {  	[sflag:s21] =	ssyncset.done $0x0  }
0x1ec: {  	[sflag:s21] =	ssyncadd.s32 $0xFFFFC180  }
0x1ed: {  	[spmem:s1] =	stream.indirect.scatter.add.f32 [tilespmem:s19], [sflag:$0x3], $0x80, s12, s18, $0xb8;
	[tilespmem:$0x1C880] =	vst v63  }
0x1ee: {  	_ =	swait.ge [sflag:s16], $0x3E80  }
0x1ef: {  	[sflag:s16] =	ssyncset.done $0x0  }
0x1f0: {  	[sflag:s16] =	ssyncadd.s32 $0xFFFFC180  }
0x1f1: {  	s13 =	stileid.u32;
	[bflag:$0x0] =	sbarrier.arrive $0xFFFF  }
0x1f2: {  	s5 =	sshll.u32 s13, $0x6;
	s14 =	rddreg [dreg:$0x14]  }
0x1f3: {  	s5 =	sor.u32 $0x1C03, s5;
	s13 =	rddreg [dreg:$0x13];
	s7 =	sshrl.u32 s14, $0x3  }
0x1f4: {  	[hbm:s13], [sflag:s5] =	dma.local [spmem:s7], $0x2700  }
0x1f5: {  	_ =	swait.ge [sflag:s16], $0x2700  }
0x1f6: {  	[sflag:s16] =	ssyncset.done $0x0;
	s13 =	rddreg [dreg:$0x12]  }
0x1f7: {  	s14 =	rddreg [dreg:$0x15];
	[sflag:s16] =	ssyncadd.s32 $0xFFFFD900;
	s7 =	sshrl.u32 @!p0 s13, $0x3  }
0x1f8: {  	[hbm:s14], [sflag:s5] =	dma.local @!p0 [spmem:s7], $0x100  }
0x1f9: {  	s5 =	simm.s32 @!p0 $0x3  }
0x1fa: {  	_ =	swait.ge @!p0 [sflag:s5], $0x100  }
0x1fb: {  	s7 =	rddreg [dreg:$0x1c]  }
0x1fc: {  	s14 =	sadd.s32 $0x1, s7;
	s7 =	rddreg [dreg:$0x16]  }
0x1fd: {  	p1 =	sne.s32 s14, s7  }
.Ltmp2:
0x1fe: {  	_ = 	snop;
	(pc) =	sbr.rel @p1 .LBB2_1-.Ltmp2, $3  }
0x1ff: {  	_ =	sdelay $0x1  }
0x200: {  	[sflag:s5] =	ssyncset.done @!p0 $0x0  }
0x201: {  	[sflag:s5] =	ssyncadd.s32 @!p0 $0xFFFFFF00  }
0x202: {  	_ =	sfence.sel $0x180000  }
0x203: {  	[bflag:$0x0] =	sbarrier.arrive $0xFFFF  }
0x204: {  	_ =	strace $0x9000004A  }
0x205: {  	[bflag:$0x2] =	sbarrier.arrive $0xFFFF  }
0x206: {  	s0 =	rddreg [dreg:$0x2]  }
0x207: {  	s0 =	sadd.s32 @!p0 $0x100000, s0  }
0x208: {  	[sflag:s0] =	ssyncadd.tile.s32 @!p0 $0x1;
	_ =	shalt  }
.Lfunc_end2:
_tile_overlayer_lowered:
.L_overlay_start_2:
0x209: {  	(tag) =	ssettag $0x2  }
0x20a: {  	s0 =	rddreg [dreg:$0x0];
	s2 =	stileid.u32  }
0x20b: {  	s1 =	rddreg [dreg:$0x1];
	p0 =	sne.s32 s2, $0x0  }
0x20c: {  	s3 =	rddreg [dreg:$0x2];
	[bflag:$0x3] =	sbarrier.arrive $0xFFFF;
	s2 =	simm.s32 @!p0 $0x1C03  }
0x20d: {  	[timem:s3], [sflag:s2] =	dma.local @!p0 [hbm:s0], s1  }
0x20e: {  	s0 =	simm.s32 @!p0 $0x3  }
0x20f: {  	_ =	swait.ge @!p0 [sflag:s0], s1  }
0x210: {  	s1 =	ssub.s32 @!p0 $0x0, s1;
	[sflag:s0] =	ssyncset.done @!p0 $0x0  }
0x211: {  	[sflag:s0] =	ssyncadd.s32 @!p0 s1  }
0x212: {  	[bflag:$0x3] =	sbarrier.arrive $0xFFFF  }
0x213: {  	_ =	shalt  }

// kernel: kernel.14.cloned.1.call-start
scs
__scs_entry_jumppad:
0x0: {  	(pc) =	sbr.rel $0x88, $3  }
0x1: {  	(tag) =	ssettag $0x0;
	lr =	simm.s32 $0x1  }
0x2: {  	[smem:$0x3F90] =	sst lr;
	_ =	strace $0xD0000000  }
0x3: {  	_ = 	snop  }
0x4: {  	_ = 	snop  }
0x5: {  	_ = 	snop  }
0x6: {  	_ = 	snop  }
0x7: {  	_ = 	snop  }
__scs_overlays_trampoline_lowered:
0x8: {  	[smem:$0x3F9F] =	sst s0  }
0x9: {  	[smem:$0x3FA0] =	sst s1  }
0xa: {  	[smem:$0x3FA1] =	sst s2  }
0xb: {  	[smem:$0x3FA2] =	sst s3  }
0xc: {  	[smem:$0x3FA3] =	sst s4  }
0xd: {  	[smem:$0x3FA4] =	sst s5  }
0xe: {  	[smem:$0x3FA5] =	sst s6  }
0xf: {  	[smem:$0x3FA6] =	sst s7  }
0x10: {  	[smem:$0x3FA7] =	sst s8  }
0x11: {  	[smem:$0x3FA8] =	sst s9;
	s0 =	simm.s32 @!p0 $0x0  }
0x12: {  	s1 =	sld [smem:$0x3F8E];
	s0 =	simm.s32 @p0 $0x1  }
0x13: {  	[smem:$0x3FA9] =	sst s0;
	s0 =	simm.s32 @!p1 $0x0  }
0x14: {  	s2 =	sld [smem:$0x3F8D];
	s0 =	simm.s32 @p1 $0x1  }
0x15: {  	[smem:$0x3FAA] =	sst s0;
	s0 =	simm.s32 @!p2 $0x0  }
0x16: {  	s3 =	sld [smem:$0x3FDB];
	s0 =	simm.s32 @p2 $0x1  }
0x17: {  	s4 =	simm.s32 $0x1BF5;
	[smem:$0x3FAC] =	sst s0  }
0x18: {  	s0 =	sld [smem:$0x3F8F];
	_ =	swait.ge [sflag:s4], $0x0  }
0x19: {  	s7 =	sld [smem:$0x3F90]  }
0x1a: {  	s8 =	sadd.s32 $0xFFFFE003, lr  }
0x1b: {  	s9 =	sadd.s32 $0xFFFFFEF7, lr;
	s5 =	simm.s32 $0xFFFFFFFF;
	p2 =	slt.u32 s8, $0xFFFFF086  }
0x1c: {  	p1 =	slt.u32 s9, $0xF7A;
	s5 =	simm.s32 @!p2 $0x0  }
0x1d: {  	s5 =	simm.s32 @p1 $0x1;
	p0 =	seq.s32 s7, s2  }
0x1e: {  	s7 =	smul.u32 @!p0 $0xF7A, s2;
	p2 =	seq.s32 @!p0 s5, $0x0  }
0x1f: {  	s9 =	smul.u32 $0xF7A, s1;
	s8 =	simm.s32 @!p0 $0x1BF5;
	p2 =	por !p2, p0  }
0x20: {  	[sflag:s8] =	ssyncset.s32 @!p0 $0xFFFFF086;
	s6 =	sadd.s32 @!p0 s3, s7;
	s7 =	simm.s32 @!p0 $0x108  }
0x21: {  	s3 =	sadd.s32 s3, s9;
	s6 =	sadd.s32 @!p0 $0x88, s6;
	s7 =	simm.s32 @p2 $0x1082  }
0x22: {  	[simem:s7], [sflag:s8] =	dma.local @!p0 [hbm:s6], $0xF7A  }
0x23: {  	s9 =	sor.u32 $0xD0000000, s2;
	s6 =	simm.s32 $0x108;
	_ =	swait.ge @!p0 [sflag:s8], $0x0  }
0x24: {  	s3 =	sadd.s32 $0x88, s3;
	s6 =	simm.s32 @!p1 $0x1082;
	[sflag:s4] =	ssyncset.s32 $0xFFFFF086  }
0x25: {  	[simem:s6], [sflag:s4] =	dma.local [hbm:s3], $0xF7A  }
0x26: {  	[smem:$0x3F90] =	sst s1;
	(tag) =	ssettag s2;
	_ =	strace s9  }
0x27: {  	s1 =	sld [smem:$0x3FA0]  }
0x28: {  	s2 =	sld [smem:$0x3FA1]  }
0x29: {  	s4 =	sld [smem:$0x3FA3]  }
0x2a: {  	p0 =	seq.s32 s5, $0x0;
	s5 =	sld [smem:$0x3FA4]  }
0x2b: {  	s6 =	sld [smem:$0x3FA5]  }
0x2c: {  	s7 =	sld [smem:$0x3FA6]  }
0x2d: {  	s3 =	simm.s32 $0x108;
	s8 =	sld [smem:$0x3FA7]  }
0x2e: {  	s3 =	simm.s32 @!p0 $0x1082;
	s9 =	sld [smem:$0x3FA8]  }
0x2f: {  	lr =	sadd.s32 s0, s3;
	s0 =	sld [smem:$0x3F9F]  }
0x30: {  	s3 =	sld [smem:$0x3FA2]  }
0x31: {  	[smem:$0x3FAB] =	sst s10  }
0x32: {  	s10 =	sld [smem:$0x3FA9];
	_ =	sdelay $0x3  }
0x33: {  	p0 =	seq.s32 s10, $0x1;
	s10 =	sld [smem:$0x3FAB];
	_ =	sdelay $0x3  }
0x34: {  	[smem:$0x3FAB] =	sst s10  }
0x35: {  	s10 =	sld [smem:$0x3FAA];
	_ =	sdelay $0x3  }
0x36: {  	p1 =	seq.s32 s10, $0x1;
	s10 =	sld [smem:$0x3FAB];
	_ =	sdelay $0x3  }
0x37: {  	[smem:$0x3FAB] =	sst s10  }
0x38: {  	s10 =	sld [smem:$0x3FAC]  }
0x39: {  	_ = 	snop;
	(pc) =	sbr.ind lr, $3  }
0x3a: {  	_ = 	snop  }
0x3b: {  	_ = 	snop  }
0x3c: {  	p2 =	seq.s32 s10, $0x1;
	s10 =	sld [smem:$0x3FAB]  }
0x3d: {  	_ =	shalt  }
0x3e: {  	_ =	shalt  }
0x3f: {  	_ =	shalt  }
0x40: {  	_ =	shalt  }
0x41: {  	_ =	shalt  }
0x42: {  	_ =	shalt  }
0x43: {  	_ =	shalt  }
0x44: {  	_ =	shalt  }
0x45: {  	_ =	shalt  }
0x46: {  	_ =	shalt  }
0x47: {  	_ =	shalt  }
0x48: {  	_ =	shalt  }
0x49: {  	_ =	shalt  }
0x4a: {  	_ =	shalt  }
0x4b: {  	_ =	shalt  }
0x4c: {  	_ =	shalt  }
0x4d: {  	_ =	shalt  }
0x4e: {  	_ =	shalt  }
0x4f: {  	_ =	shalt  }
0x50: {  	_ =	shalt  }
0x51: {  	_ =	shalt  }
0x52: {  	_ =	shalt  }
0x53: {  	_ =	shalt  }
0x54: {  	_ =	shalt  }
0x55: {  	_ =	shalt  }
0x56: {  	_ =	shalt  }
0x57: {  	_ =	shalt  }
0x58: {  	_ =	shalt  }
0x59: {  	_ =	shalt  }
0x5a: {  	_ =	shalt  }
0x5b: {  	_ =	shalt  }
0x5c: {  	_ =	shalt  }
0x5d: {  	_ =	shalt  }
0x5e: {  	_ =	shalt  }
0x5f: {  	_ =	shalt  }
0x60: {  	_ =	shalt  }
0x61: {  	_ =	shalt  }
0x62: {  	_ =	shalt  }
0x63: {  	_ =	shalt  }
0x64: {  	_ =	shalt  }
0x65: {  	_ =	shalt  }
0x66: {  	_ =	shalt  }
0x67: {  	_ =	shalt  }
0x68: {  	_ =	shalt  }
0x69: {  	_ =	shalt  }
0x6a: {  	_ =	shalt  }
0x6b: {  	_ =	shalt  }
0x6c: {  	_ =	shalt  }
0x6d: {  	_ =	shalt  }
0x6e: {  	_ =	shalt  }
0x6f: {  	_ =	shalt  }
0x70: {  	_ =	shalt  }
0x71: {  	_ =	shalt  }
0x72: {  	_ =	shalt  }
0x73: {  	_ =	shalt  }
0x74: {  	_ =	shalt  }
0x75: {  	_ =	shalt  }
0x76: {  	_ =	shalt  }
0x77: {  	_ =	shalt  }
0x78: {  	_ =	shalt  }
0x79: {  	_ =	shalt  }
0x7a: {  	_ =	shalt  }
0x7b: {  	_ =	shalt  }
0x7c: {  	_ =	shalt  }
0x7d: {  	_ =	shalt  }
0x7e: {  	_ =	shalt  }
0x7f: {  	_ =	shalt  }
0x80: {  	_ =	shalt  }
0x81: {  	_ =	shalt  }
0x82: {  	_ =	shalt  }
0x83: {  	_ =	shalt  }
0x84: {  	_ =	shalt  }
0x85: {  	_ =	shalt  }
0x86: {  	_ =	shalt  }
0x87: {  	_ =	shalt  }
.Lfunc_end0:
.L_simem_size_0:
called_computation.2_lowered:
.L_overlay_start_0:
0x88: {  	s2 =	sld [smem:$0x3FD9]  }
0x89: {  	s3 =	sld [smem:$0x3FFE];
	_ =	sdelay $0x1  }
0x8a: {  	s1 =	srdreg.scid  }
0x8b: {  	s0 =	sand.u32 $0x1, s1  }
0x8c: {  	s16 =	sshll.u32 s0, $0xA;
	s2 =	sadd.s32 s3, s2  }
0x8d: {  	s2 =	sadd.s32 s2, s16  }
0x8e: {  	[smem:$0x3FB7] =	sst s2  }
0x8f: {  	_ = 	snop  }
0x90: {  	(tm) =	ssettm $0x1  }
0x91: {  	s17 =	sld [smem:$0x3FFB];
	_ =	sdelay $0x3  }
0x92: {  	_ =	strace s17  }
0x93: {  	s2 =	sld [smem:$0x3FFC];
	_ =	sdelay $0x3  }
0x94: {  	_ =	strace s2  }
0x95: {  	s2 =	sld [smem:$0x3FFD];
	_ =	sdelay $0x3  }
0x96: {  	_ =	strace s2  }
0x97: {  	_ =	strace $0x8FFFFFFF  }
0x98: {  	s18 =	sld [smem:$0x3FDB];
	_ =	sdelay $0x1  }
0x99: {  	s19 =	simm.s32 $_scs_section_size  }
0x9a: {  	s4 =	simm.s32 $_size__tile_overlayer_lowered;
	s5 =	simm.s32 $_tile_overlayer_lowered  }
0x9b: {  	s22 =	simm.s32 $0x1BFF;
	s21 =	sshll.u32 s5, $0x1;
	s2 =	sadd.s32 s19, s18  }
0x9c: {  	s6 =	simm.s32 $0x0;
	s20 =	sshll.u32 s4, $0x1;
	s4 =	sadd.s32 s21, s2  }
0x9d: {  	[timem:s6], [sflag:s22] =	dma.local [hbm:s4], s20  }
0x9e: {  	_ =	swait.ge [sflag:s22], s20  }
0x9f: {  	s3 =	ssub.s32 $0x0, s20;
	[sflag:s22] =	ssyncset.done $0x0  }
0xa0: {  	[sflag:s22] =	ssyncadd.s32 s3;
	_ =	sdelay $0x1  }
0xa1: {  	s23 =	simm.s32 $0x1B8B  }
0xa2: {  	_ =	swait.ge [sflag:s23], $0x1  }
0xa3: {  	[sflag:s23] =	ssyncset.done $0x0  }
0xa4: {  	s25 =	simm.s32 $0x1B8E;
	s24 =	sld [smem:$0x3FFE];
	[sflag:s23] =	ssyncadd.s32 $0xFFFFFFFF  }
0xa5: {  	s26 =	simm.s32 $execute0_lowered;
	[smem:$0x3FD2] =	sst s25  }
0xa6: {  	s4 =	sshll.u32 s26, $0x1;
	_ =	strace $0x8000004C;
	[dreg:$0x1] =	wrdreg $0xFFFFFFFF  }
0xa7: {  	s28 =	simm.s32 $_size_execute0_lowered;
	s2 =	sadd.s32 s2, s4;
	[dreg:$0x0] =	wrdreg $0x0  }
0xa8: {  	s4 =	sshll.u32 s28, $0x1;
	[dreg:$0x2] =	wrdreg s2  }
0xa9: {  	[dreg:$0x3] =	wrdreg s4  }
0xaa: {  	[dreg:$0x4] =	wrdreg $0xC0  }
0xab: {  	_ =	task [dreg:s6], $0x5FFFF  }
0xac: {  	[dreg:$0x1] =	wrdreg $0xFFFFFFFF  }
0xad: {  	[dreg:$0x0] =	wrdreg $0x60  }
0xae: {  	[dreg:$0x2] =	wrdreg s24  }
0xaf: {  	[dreg:$0x3] =	wrdreg $0x90000  }
0xb0: {  	[dreg:$0x4] =	wrdreg $0x9  }
0xb1: {  	_ =	task.clear_ibuf [dreg:s6], $0x5FFFF;
	_ =	strace $0x9000004C  }
0xb2: {  	s29 =	simm.s32 $0x9;
	_ =	strace $0x8000004E  }
0xb3: {  	_ =	swait.ge [sflag:s29], $0x1  }
0xb4: {  	[sflag:s29] =	ssyncadd.s32 $0xFFFFFFFF  }
0xb5: {  	_ =	strace $0x9000004E  }
0xb6: {  	_ =	sfence  }
0xb7: {  	s30 =	sld [smem:$0x0];
	_ =	sdelay $0x2  }
0xb8: {  	s31 =	sshll.u32 s1, $0xD;
	s1 =	sshrl.u32 s1, $0x2  }
0xb9: {  	s3 =	sand.u32 $0x4000, s31;
	s1 =	sadd.s32 s1, s30  }
0xba: {  	s0 =	sor.u32 s3, s0;
	s1 =	sshll.u32 s1, $0x11  }
0xbb: {  	s0 =	sor.u32 s1, s0  }
0xbc: {  	s0 =	sadd.s32 $0x8F2B, s0  }
0xbd: {  	[sflag:s0] =	ssyncadd.remote.s32 $0x1  }
0xbe: {  	_ =	sfence.sel $0xFFFF  }
0xbf: {  	[dreg:$0x0] =	wrdreg $0xFFFFFFFF;
	(pc) =	sbr.abs _section_cstart, $3  }
0xc0: {  	[dreg:$0x1] =	wrdreg $0xFFFFFFFF  }
0xc1: {  	_ =	task.clear_ibuf [dreg:s6], $0x2FFFF;
	_ =	strace $0x9FFFFFFF  }
0xc2: {  	(tm) =	ssettm $0x7FFFFFFF  }
0xc3: {  	_ =	shalt  }
tec
execute0_lowered:
.L_overlay_start_1:
0x0: {  	(tag) =	ssettag $0x1  }
0x1: {  	s0 =	rddreg [dreg:$0x0]  }
0x2: {  	s1 =	rddreg [dreg:$0x1]  }
0x3: {  	s2 =	simm.s32 $0x0;
	s3 =	srdreg.scid;
	s11 =	stileid.u32  }
0x4: {  	s14 =	simm.s32 $0x180;
	s16 =	simm.s32 $0x900;
	s18 =	simm.s32 $0x200  }
0x5: {  	s20 =	simm.s32 $0x980;
	s21 =	simm.s32 $0x280;
	s22 =	simm.s32 $0xA00  }
0x6: {  	s23 =	simm.s32 $0x300;
	s24 =	simm.s32 $0xA80;
	s28 =	simm.s32 $0xC80  }
0x7: {  	s29 =	simm.s32 $0x580;
	s30 =	simm.s32 $0xD00;
	s31 =	simm.s32 $0x600  }
0x8: {  	[smem:$0x7FF] =	sst s2;
	s3 =	sand.u32 $0x1, s3;
	s6 =	smul.u32 $0x13800, s11  }
0x9: {  	s4 =	sadd.s32 $0x66200, s0;
	_ =	strace $0x8000004D;
	[dreg:$0x8] =	wrdreg s14  }
0xa: {  	s8 =	sadd.s32 $0x4000, s0;
	s10 =	smul.u32 $0x2800, s11;
	[dreg:$0x9] =	wrdreg s16  }
0xb: {  	s0 =	sadd.s32 $0x8D400, s0;
	s25 =	smul.u32 $0x4E000, s11;
	[dreg:$0xa] =	wrdreg s18  }
0xc: {  	s13 =	sadd.s32 $0x138000, s1;
	p0 =	sne.s32 s11, $0x0;
	[dreg:$0xb] =	wrdreg s20  }
0xd: {  	s11 =	simm.s32 $0xF00;
	s5 =	smul.u32 $0x138800, s3;
	[dreg:$0xc] =	wrdreg s21  }
0xe: {  	s7 =	ssub.s32 $0x2, s3;
	s3 =	smul.u32 $0x28000, s3;
	[dreg:$0xd] =	wrdreg s22  }
0xf: {  	s16 =	simm.s32 $0x3;
	[dreg:$0xe] =	wrdreg s23;
	s18 =	simm.s32 $0x7D  }
0x10: {  	[dreg:$0xf] =	wrdreg s24;
	s20 =	simm.s32 $0x1;
	s21 =	simm.s32 $0x2  }
0x11: {  	s22 =	simm.s32 $0x400;
	s23 =	simm.s32 $0xB80;
	s24 =	simm.s32 $0x480  }
0x12: {  	s14 =	simm.s32 $0x0;
	[dreg:$0x12] =	wrdreg s13;
	s9 =	sshrl.u32 s7, $0x1  }
0x13: {  	s7 =	ssub.s32 s7, s9;
	s6 =	sadd.s32 s6, s5;
	s3 =	sadd.s32 s10, s3  }
0x14: {  	s9 =	sshrl.u32 s25, $0x2;
	s25 =	simm.s32 $0x380;
	s6 =	sshrl.u32 s6, $0x3  }
0x15: {  	s10 =	sadd.s32 $0x50000, s3;
	s9 =	sadd.s32 s9, s1;
	[dreg:$0x10] =	wrdreg s25  }
0x16: {  	s3 =	sshrl.u32 s3, $0x3;
	s6 =	sadd.s32 s0, s6;
	[dreg:$0x14] =	wrdreg s9  }
0x17: {  	s5 =	sshrl.u32 s5, $0x3;
	s3 =	sadd.s32 s3, s8;
	[dreg:$0x13] =	wrdreg s6  }
0x18: {  	s0 =	sadd.s32 s0, s5;
	s5 =	simm.s32 $0x80;
	[dreg:$0x4] =	wrdreg s3  }
0x19: {  	s25 =	simm.s32 $0xC00;
	s12 =	sadd.s32 $0x6800, s9;
	[dreg:$0x5] =	wrdreg s5  }
0x1a: {  	s26 =	sshrl.u32 s10, $0x3;
	s10 =	simm.s32 $0x880;
	[dreg:$0x18] =	wrdreg s12  }
0x1b: {  	s15 =	sadd.s32 $0x9C00, s9;
	s17 =	sadd.s32 $0xD000, s9;
	[dreg:$0x7] =	wrdreg s10  }
0x1c: {  	s19 =	sadd.s32 $0x10400, s9;
	s6 =	sadd.s32 s26, s8;
	[dreg:$0x19] =	wrdreg s15  }
0x1d: {  	s0 =	sadd.s32 $0x27000, s0;
	s8 =	sadd.s32 $0x3400, s9;
	[dreg:$0x1a] =	wrdreg s17  }
0x1e: {  	[dreg:$0x1b] =	wrdreg s19;
	s15 =	simm.s32 $0x1000;
	s17 =	simm.s32 $0x800  }
0x1f: {  	s19 =	simm.s32 $0x5000;
	s26 =	simm.s32 $0xB00;
	[dreg:$0x3] =	wrdreg s6  }
0x20: {  	s3 =	simm.s32 $0x680;
	s9 =	simm.s32 $0xE80;
	[dreg:$0x15] =	wrdreg s0  }
0x21: {  	s10 =	simm.s32 $0x780;
	s12 =	simm.s32 $0xF80;
	[dreg:$0x17] =	wrdreg s8  }
0x22: {  	s6 =	smax.u32 s7, $0x1;
	s7 =	simm.s32 $0x100;
	[dreg:$0x11] =	wrdreg s26  }
0x23: {  	s26 =	simm.s32 $0x500;
	s0 =	simm.s32 $0xD80;
	[dreg:$0x16] =	wrdreg s6  }
0x24: {  	v0 =	vimm.f32 $0.0e+00;
	s8 =	simm.s32 $0x700;
	[dreg:$0x6] =	wrdreg s7;
	s6 =	simm.s32 $0xE00  }
.LBB2_1:
0x25: {  	[dreg:$0x1c] =	wrdreg s14;
	s5 =	simm.s32 $0x0;
	s14 =	simm.s32 $0x200  }
.LBB2_2:
0x26: {  	p1 =	sne.s32 s14, $0xF800;
	[tilespmem:s5+$0x1070] =	vst v0  }
0x27: {  	[tilespmem:s5+$0x1000] =	vst v0  }
0x28: {  	[tilespmem:s5+$0x1010] =	vst v0  }
.Ltmp0:
0x29: {  	[tilespmem:s5+$0x1020] =	vst v0;
	(pc) =	sbr.rel @p1 .LBB2_2-.Ltmp0, $4  }
0x2a: {  	[tilespmem:s5+$0x1030] =	vst v0  }
0x2b: {  	[tilespmem:s5+$0x1040] =	vst v0  }
0x2c: {  	[tilespmem:s5+$0x1050] =	vst v0  }
0x2d: {  	[tilespmem:s5+$0x1060] =	vst v0;
	s5 =	sshra.s32 s14, $0x2;
	s14 =	sadd.s32 $0x200, s14  }
0x2e: {  	[tilespmem:s5+$0x1070] =	vst v0  }
0x2f: {  	[tilespmem:s5+$0x1000] =	vst v0  }
0x30: {  	[tilespmem:s5+$0x1010] =	vst v0  }
0x31: {  	[tilespmem:s5+$0x1020] =	vst v0  }
0x32: {  	[tilespmem:s5+$0x1030] =	vst v0  }
0x33: {  	[tilespmem:s5+$0x1040] =	vst v0  }
0x34: {  	[tilespmem:s5+$0x1050] =	vst v0  }
0x35: {  	[tilespmem:s5+$0x1060] =	vst v0;
	s7 =	rddreg [dreg:$0x14]  }
0x36: {  	[spmem:s7] =	stream.linear.scatter [tilespmem:s15], [sflag:$0x3], $0x3400, $0x38;
	[tilespmem:$0x1C880] =	vst v63  }
0x37: {  	_ =	swait.ge [sflag:s16], $0x3400  }
0x38: {  	[sflag:s16] =	ssyncset.done $0x0  }
0x39: {  	s14 =	rddreg [dreg:$0x17];
	[sflag:s16] =	ssyncadd.s32 $0xFFFFCC00  }
0x3a: {  	[spmem:s14] =	stream.linear.scatter [tilespmem:s15], [sflag:$0x3], $0x3400, $0x38;
	[tilespmem:$0x1C880] =	vst v63  }
0x3b: {  	_ =	swait.ge [sflag:s16], $0x3400  }
0x3c: {  	[sflag:s16] =	ssyncset.done $0x0  }
0x3d: {  	s7 =	rddreg [dreg:$0x18];
	[sflag:s16] =	ssyncadd.s32 $0xFFFFCC00  }
0x3e: {  	[spmem:s7] =	stream.linear.scatter [tilespmem:s15], [sflag:$0x3], $0x3400, $0x38;
	[tilespmem:$0x1C880] =	vst v63  }
0x3f: {  	_ =	swait.ge [sflag:s16], $0x3400  }
0x40: {  	[sflag:s16] =	ssyncset.done $0x0  }
0x41: {  	s14 =	rddreg [dreg:$0x19];
	[sflag:s16] =	ssyncadd.s32 $0xFFFFCC00  }
0x42: {  	[spmem:s14] =	stream.linear.scatter [tilespmem:s15], [sflag:$0x3], $0x3400, $0x38;
	[tilespmem:$0x1C880] =	vst v63  }
0x43: {  	_ =	swait.ge [sflag:s16], $0x3400  }
0x44: {  	[sflag:s16] =	ssyncset.done $0x0  }
0x45: {  	s7 =	rddreg [dreg:$0x1a];
	[sflag:s16] =	ssyncadd.s32 $0xFFFFCC00  }
0x46: {  	[spmem:s7] =	stream.linear.scatter [tilespmem:s15], [sflag:$0x3], $0x3400, $0x38;
	[tilespmem:$0x1C880] =	vst v63  }
0x47: {  	_ =	swait.ge [sflag:s16], $0x3400  }
0x48: {  	[sflag:s16] =	ssyncset.done $0x0  }
0x49: {  	s14 =	rddreg [dreg:$0x1b];
	[sflag:s16] =	ssyncadd.s32 $0xFFFFCC00  }
0x4a: {  	[spmem:s14] =	stream.linear.scatter [tilespmem:s15], [sflag:$0x3], $0x3400, $0x38;
	[tilespmem:$0x1C880] =	vst v63  }
0x4b: {  	_ =	swait.ge [sflag:s16], $0x3400  }
0x4c: {  	[sflag:s16] =	ssyncset.done $0x0  }
0x4d: {  	s5 =	simm.s32 @!p0 $0x1000;
	[sflag:s16] =	ssyncadd.s32 $0xFFFFCC00  }
0x4e: {  	[spmem:s13] =	stream.linear.scatter @!p0 [tilespmem:s5], [sflag:$0x3], $0x800, $0x38;
	[tilespmem:$0x1C880] =	vst v63  }
0x4f: {  	s5 =	simm.s32 @!p0 $0x3  }
0x50: {  	_ =	swait.ge @!p0 [sflag:s5], $0x800  }
0x51: {  	[sflag:s5] =	ssyncset.done @!p0 $0x0  }
0x52: {  	[sflag:s5] =	ssyncadd.s32 @!p0 $0xFFFFF800  }
0x53: {  	[bflag:$0x0] =	sbarrier.arrive $0xFFFF  }
0x54: {  	s7 =	rddreg [dreg:$0x4]  }
0x55: {  	s5 =	sadd.s32 $0x0, s7  }
0x56: {  	[tilespmem:s2], [sflag:$0x3] =	stream.linear.gather [hbm4b:s5+s2], $0x800, $0x38;
	[tilespmem:$0x1C880] =	vst v63  }
0x57: {  	_ =	swait.ge [sflag:s16], $0x800  }
0x58: {  	s13 =	rddreg [dreg:$0x3];
	[sflag:s16] =	ssyncset.done $0x0  }
0x59: {  	[sflag:s16] =	ssyncadd.s32 $0xFFFFF800;
	s5 =	sadd.s32 $0x0, s13  }
0x5a: {  	[tilespmem:s17], [sflag:$0x3] =	stream.linear.gather [hbm4b:s5+s2], $0x800, $0x38;
	[tilespmem:$0x1C880] =	vst v63  }
0x5b: {  	_ =	swait.ge [sflag:s16], $0x800  }
0x5c: {  	[sflag:s16] =	ssyncset.done $0x0  }
0x5d: {  	[sflag:s16] =	ssyncadd.s32 $0xFFFFF800  }
0x5e: {  	[tilespmem:s15], [sflag:$0x1] =	stream.indirect.gather [hbm4b:s4+s18], $0x80, s2, s18, $0xb8;
	[tilespmem:$0x1C880] =	vst v63  }
0x5f: {  	s14 =	rddreg [dreg:$0x5]  }
0x60: {  	[tilespmem:s19], [sflag:$0x2] =	stream.indirect.gather [hbm4b:s4+s18], $0x80, s14, s18, $0xb8;
	[tilespmem:$0x1C880] =	vst v63  }
0x61: {  	_ =	swait.ge [sflag:s20], $0x3E80  }
0x62: {  	[sflag:s20] =	ssyncset.done $0x0  }
0x63: {  	[sflag:s20] =	ssyncadd.s32 $0xFFFFC180  }
0x64: {  	[spmem:s1] =	stream.indirect.scatter.add.f32 [tilespmem:s15], [sflag:$0x3], $0x80, s17, s18, $0xb8;
	[tilespmem:$0x1C880] =	vst v63  }
0x65: {  	_ =	swait.ge [sflag:s16], $0x3E80  }
0x66: {  	[sflag:s16] =	ssyncset.done $0x0  }
0x67: {  	s7 =	rddreg [dreg:$0x6];
	[sflag:s16] =	ssyncadd.s32 $0xFFFFC180  }
0x68: {  	[tilespmem:s15], [sflag:$0x1] =	stream.indirect.gather [hbm4b:s4+s18], $0x80, s7, s18, $0xb8;
	[tilespmem:$0x1C880] =	vst v63  }
0x69: {  	_ =	swait.ge [sflag:s21], $0x3E80  }
0x6a: {  	[sflag:s21] =	ssyncset.done $0x0  }
0x6b: {  	s13 =	rddreg [dreg:$0x7];
	[sflag:s21] =	ssyncadd.s32 $0xFFFFC180  }
0x6c: {  	[spmem:s1] =	stream.indirect.scatter.add.f32 [tilespmem:s19], [sflag:$0x3], $0x80, s13, s18, $0xb8;
	[tilespmem:$0x1C880] =	vst v63  }
0x6d: {  	_ =	swait.ge [sflag:s16], $0x3E80  }
0x6e: {  	[sflag:s16] =	ssyncset.done $0x0  }
0x6f: {  	s14 =	rddreg [dreg:$0x8];
	[sflag:s16] =	ssyncadd.s32 $0xFFFFC180  }
0x70: {  	[tilespmem:s19], [sflag:$0x2] =	stream.indirect.gather [hbm4b:s4+s18], $0x80, s14, s18, $0xb8;
	[tilespmem:$0x1C880] =	vst v63  }
0x71: {  	_ =	swait.ge [sflag:s20], $0x3E80  }
0x72: {  	[sflag:s20] =	ssyncset.done $0x0  }
0x73: {  	s7 =	rddreg [dreg:$0x9];
	[sflag:s20] =	ssyncadd.s32 $0xFFFFC180  }
0x74: {  	[spmem:s1] =	stream.indirect.scatter.add.f32 [tilespmem:s15], [sflag:$0x3], $0x80, s7, s18, $0xb8;
	[tilespmem:$0x1C880] =	vst v63  }
0x75: {  	_ =	swait.ge [sflag:s16], $0x3E80  }
0x76: {  	[sflag:s16] =	ssyncset.done $0x0  }
0x77: {  	s13 =	rddreg [dreg:$0xa];
	[sflag:s16] =	ssyncadd.s32 $0xFFFFC180  }
0x78: {  	[tilespmem:s15], [sflag:$0x1] =	stream.indirect.gather [hbm4b:s4+s18], $0x80, s13, s18, $0xb8;
	[tilespmem:$0x1C880] =	vst v63  }
0x79: {  	_ =	swait.ge [sflag:s21], $0x3E80  }
0x7a: {  	[sflag:s21] =	ssyncset.done $0x0  }
0x7b: {  	s14 =	rddreg [dreg:$0xb];
	[sflag:s21] =	ssyncadd.s32 $0xFFFFC180  }
0x7c: {  	[spmem:s1] =	stream.indirect.scatter.add.f32 [tilespmem:s19], [sflag:$0x3], $0x80, s14, s18, $0xb8;
	[tilespmem:$0x1C880] =	vst v63  }
0x7d: {  	_ =	swait.ge [sflag:s16], $0x3E80  }
0x7e: {  	[sflag:s16] =	ssyncset.done $0x0  }
0x7f: {  	s7 =	rddreg [dreg:$0xc];
	[sflag:s16] =	ssyncadd.s32 $0xFFFFC180  }
0x80: {  	[tilespmem:s19], [sflag:$0x2] =	stream.indirect.gather [hbm4b:s4+s18], $0x80, s7, s18, $0xb8;
	[tilespmem:$0x1C880] =	vst v63  }
0x81: {  	_ =	swait.ge [sflag:s20], $0x3E80  }
0x82: {  	[sflag:s20] =	ssyncset.done $0x0  }
0x83: {  	s13 =	rddreg [dreg:$0xd];
	[sflag:s20] =	ssyncadd.s32 $0xFFFFC180  }
0x84: {  	[spmem:s1] =	stream.indirect.scatter.add.f32 [tilespmem:s15], [sflag:$0x3], $0x80, s13, s18, $0xb8;
	[tilespmem:$0x1C880] =	vst v63  }
0x85: {  	_ =	swait.ge [sflag:s16], $0x3E80  }
0x86: {  	[sflag:s16] =	ssyncset.done $0x0  }
0x87: {  	s14 =	rddreg [dreg:$0xe];
	[sflag:s16] =	ssyncadd.s32 $0xFFFFC180  }
0x88: {  	[tilespmem:s15], [sflag:$0x1] =	stream.indirect.gather [hbm4b:s4+s18], $0x80, s14, s18, $0xb8;
	[tilespmem:$0x1C880] =	vst v63  }
0x89: {  	_ =	swait.ge [sflag:s21], $0x3E80  }
0x8a: {  	[sflag:s21] =	ssyncset.done $0x0  }
0x8b: {  	s7 =	rddreg [dreg:$0xf];
	[sflag:s21] =	ssyncadd.s32 $0xFFFFC180  }
0x8c: {  	[spmem:s1] =	stream.indirect.scatter.add.f32 [tilespmem:s19], [sflag:$0x3], $0x80, s7, s18, $0xb8;
	[tilespmem:$0x1C880] =	vst v63  }
0x8d: {  	_ =	swait.ge [sflag:s16], $0x3E80  }
0x8e: {  	[sflag:s16] =	ssyncset.done $0x0  }
0x8f: {  	s13 =	rddreg [dreg:$0x10];
	[sflag:s16] =	ssyncadd.s32 $0xFFFFC180  }
0x90: {  	[tilespmem:s19], [sflag:$0x2] =	stream.indirect.gather [hbm4b:s4+s18], $0x80, s13, s18, $0xb8;
	[tilespmem:$0x1C880] =	vst v63  }
0x91: {  	_ =	swait.ge [sflag:s20], $0x3E80  }
0x92: {  	[sflag:s20] =	ssyncset.done $0x0  }
0x93: {  	s14 =	rddreg [dreg:$0x11];
	[sflag:s20] =	ssyncadd.s32 $0xFFFFC180  }
0x94: {  	[spmem:s1] =	stream.indirect.scatter.add.f32 [tilespmem:s15], [sflag:$0x3], $0x80, s14, s18, $0xb8;
	[tilespmem:$0x1C880] =	vst v63  }
0x95: {  	_ =	swait.ge [sflag:s16], $0x3E80  }
0x96: {  	[sflag:s16] =	ssyncset.done $0x0  }
0x97: {  	[sflag:s16] =	ssyncadd.s32 $0xFFFFC180  }
0x98: {  	[tilespmem:s15], [sflag:$0x1] =	stream.indirect.gather [hbm4b:s4+s18], $0x80, s22, s18, $0xb8;
	[tilespmem:$0x1C880] =	vst v63  }
0x99: {  	_ =	swait.ge [sflag:s21], $0x3E80  }
0x9a: {  	[sflag:s21] =	ssyncset.done $0x0  }
0x9b: {  	[sflag:s21] =	ssyncadd.s32 $0xFFFFC180  }
0x9c: {  	[spmem:s1] =	stream.indirect.scatter.add.f32 [tilespmem:s19], [sflag:$0x3], $0x80, s23, s18, $0xb8;
	[tilespmem:$0x1C880] =	vst v63  }
0x9d: {  	_ =	swait.ge [sflag:s16], $0x3E80  }
0x9e: {  	[sflag:s16] =	ssyncset.done $0x0  }
0x9f: {  	[sflag:s16] =	ssyncadd.s32 $0xFFFFC180  }
0xa0: {  	[tilespmem:s19], [sflag:$0x2] =	stream.indirect.gather [hbm4b:s4+s18], $0x80, s24, s18, $0xb8;
	[tilespmem:$0x1C880] =	vst v63  }
0xa1: {  	_ =	swait.ge [sflag:s20], $0x3E80  }
0xa2: {  	[sflag:s20] =	ssyncset.done $0x0  }
0xa3: {  	[sflag:s20] =	ssyncadd.s32 $0xFFFFC180  }
0xa4: {  	[spmem:s1] =	stream.indirect.scatter.add.f32 [tilespmem:s15], [sflag:$0x3], $0x80, s25, s18, $0xb8;
	[tilespmem:$0x1C880] =	vst v63  }
0xa5: {  	_ =	swait.ge [sflag:s16], $0x3E80  }
0xa6: {  	[sflag:s16] =	ssyncset.done $0x0  }
0xa7: {  	[sflag:s16] =	ssyncadd.s32 $0xFFFFC180  }
0xa8: {  	[tilespmem:s15], [sflag:$0x1] =	stream.indirect.gather [hbm4b:s4+s18], $0x80, s26, s18, $0xb8;
	[tilespmem:$0x1C880] =	vst v63  }
0xa9: {  	_ =	swait.ge [sflag:s21], $0x3E80  }
0xaa: {  	[sflag:s21] =	ssyncset.done $0x0  }
0xab: {  	[sflag:s21] =	ssyncadd.s32 $0xFFFFC180  }
0xac: {  	[spmem:s1] =	stream.indirect.scatter.add.f32 [tilespmem:s19], [sflag:$0x3], $0x80, s28, s18, $0xb8;
	[tilespmem:$0x1C880] =	vst v63  }
0xad: {  	_ =	swait.ge [sflag:s16], $0x3E80  }
0xae: {  	[sflag:s16] =	ssyncset.done $0x0  }
0xaf: {  	[sflag:s16] =	ssyncadd.s32 $0xFFFFC180  }
0xb0: {  	[tilespmem:s19], [sflag:$0x2] =	stream.indirect.gather [hbm4b:s4+s18], $0x80, s29, s18, $0xb8;
	[tilespmem:$0x1C880] =	vst v63  }
0xb1: {  	_ =	swait.ge [sflag:s20], $0x3E80  }
0xb2: {  	[sflag:s20] =	ssyncset.done $0x0  }
0xb3: {  	[sflag:s20] =	ssyncadd.s32 $0xFFFFC180  }
0xb4: {  	[spmem:s1] =	stream.indirect.scatter.add.f32 [tilespmem:s15], [sflag:$0x3], $0x80, s30, s18, $0xb8;
	[tilespmem:$0x1C880] =	vst v63  }
0xb5: {  	_ =	swait.ge [sflag:s16], $0x3E80  }
0xb6: {  	[sflag:s16] =	ssyncset.done $0x0  }
0xb7: {  	[sflag:s16] =	ssyncadd.s32 $0xFFFFC180  }
0xb8: {  	[tilespmem:s15], [sflag:$0x1] =	stream.indirect.gather [hbm4b:s4+s18], $0x80, s31, s18, $0xb8;
	[tilespmem:$0x1C880] =	vst v63  }
0xb9: {  	_ =	swait.ge [sflag:s21], $0x3E80  }
0xba: {  	[sflag:s21] =	ssyncset.done $0x0  }
0xbb: {  	[sflag:s21] =	ssyncadd.s32 $0xFFFFC180  }
0xbc: {  	[spmem:s1] =	stream.indirect.scatter.add.f32 [tilespmem:s19], [sflag:$0x3], $0x80, s0, s18, $0xb8;
	[tilespmem:$0x1C880] =	vst v63  }
0xbd: {  	_ =	swait.ge [sflag:s16], $0x3E80  }
0xbe: {  	[sflag:s16] =	ssyncset.done $0x0  }
0xbf: {  	[sflag:s16] =	ssyncadd.s32 $0xFFFFC180  }
0xc0: {  	[tilespmem:s19], [sflag:$0x2] =	stream.indirect.gather [hbm4b:s4+s18], $0x80, s3, s18, $0xb8;
	[tilespmem:$0x1C880] =	vst v63  }
0xc1: {  	_ =	swait.ge [sflag:s20], $0x3E80  }
0xc2: {  	[sflag:s20] =	ssyncset.done $0x0  }
0xc3: {  	[sflag:s20] =	ssyncadd.s32 $0xFFFFC180  }
0xc4: {  	[spmem:s1] =	stream.indirect.scatter.add.f32 [tilespmem:s15], [sflag:$0x3], $0x80, s6, s18, $0xb8;
	[tilespmem:$0x1C880] =	vst v63  }
0xc5: {  	_ =	swait.ge [sflag:s16], $0x3E80  }
0xc6: {  	[sflag:s16] =	ssyncset.done $0x0  }
0xc7: {  	[sflag:s16] =	ssyncadd.s32 $0xFFFFC180  }
0xc8: {  	[tilespmem:s15], [sflag:$0x1] =	stream.indirect.gather [hbm4b:s4+s18], $0x80, s8, s18, $0xb8;
	[tilespmem:$0x1C880] =	vst v63  }
0xc9: {  	_ =	swait.ge [sflag:s21], $0x3E80  }
0xca: {  	[sflag:s21] =	ssyncset.done $0x0  }
0xcb: {  	[sflag:s21] =	ssyncadd.s32 $0xFFFFC180  }
0xcc: {  	[spmem:s1] =	stream.indirect.scatter.add.f32 [tilespmem:s19], [sflag:$0x3], $0x80, s9, s18, $0xb8;
	[tilespmem:$0x1C880] =	vst v63  }
0xcd: {  	_ =	swait.ge [sflag:s16], $0x3E80  }
0xce: {  	[sflag:s16] =	ssyncset.done $0x0  }
0xcf: {  	[sflag:s16] =	ssyncadd.s32 $0xFFFFC180  }
0xd0: {  	[tilespmem:s19], [sflag:$0x2] =	stream.indirect.gather [hbm4b:s4+s18], $0x80, s10, s18, $0xb8;
	[tilespmem:$0x1C880] =	vst v63  }
0xd1: {  	_ =	swait.ge [sflag:s20], $0x3E80  }
0xd2: {  	[sflag:s20] =	ssyncset.done $0x0  }
0xd3: {  	[sflag:s20] =	ssyncadd.s32 $0xFFFFC180  }
0xd4: {  	[spmem:s1] =	stream.indirect.scatter.add.f32 [tilespmem:s15], [sflag:$0x3], $0x80, s11, s18, $0xb8;
	[tilespmem:$0x1C880] =	vst v63  }
0xd5: {  	_ =	swait.ge [sflag:s16], $0x3E80  }
0xd6: {  	[sflag:s16] =	ssyncset.done $0x0  }
0xd7: {  	[sflag:s16] =	ssyncadd.s32 $0xFFFFC180  }
0xd8: {  	_ =	swait.ge [sflag:s21], $0x3E80  }
0xd9: {  	[sflag:s21] =	ssyncset.done $0x0  }
0xda: {  	[sflag:s21] =	ssyncadd.s32 $0xFFFFC180  }
0xdb: {  	[spmem:s1] =	stream.indirect.scatter.add.f32 [tilespmem:s19], [sflag:$0x3], $0x80, s12, s18, $0xb8;
	[tilespmem:$0x1C880] =	vst v63  }
0xdc: {  	s5 =	simm.s32 $0x200;
	_ =	swait.ge [sflag:s16], $0x3E80  }
0xdd: {  	s14 =	simm.s32 $0x100;
	s7 =	rddreg [dreg:$0x4];
	[sflag:s16] =	ssyncset.done $0x0  }
.LBB2_4:
0xde: {  	[sflag:s16] =	ssyncadd.s32 $0xFFFFC180;
	s7 =	sadd.s32 s14, s7  }
0xdf: {  	[tilespmem:s2], [sflag:$0x3] =	stream.linear.gather [hbm4b:s7+s2], $0x800, $0x38;
	[tilespmem:$0x1C880] =	vst v63  }
0xe0: {  	_ =	swait.ge [sflag:s16], $0x800  }
0xe1: {  	s7 =	rddreg [dreg:$0x3];
	[sflag:s16] =	ssyncset.done $0x0  }
0xe2: {  	[sflag:s16] =	ssyncadd.s32 $0xFFFFF800;
	s7 =	sadd.s32 s14, s7  }
0xe3: {  	[tilespmem:s17], [sflag:$0x3] =	stream.linear.gather [hbm4b:s7+s2], $0x800, $0x38;
	[tilespmem:$0x1C880] =	vst v63  }
0xe4: {  	_ =	swait.ge [sflag:s16], $0x800  }
0xe5: {  	[sflag:s16] =	ssyncset.done $0x0  }
0xe6: {  	s13 =	smov.u32 s5;
	[sflag:s16] =	ssyncadd.s32 $0xFFFFF800  }
0xe7: {  	[tilespmem:s15], [sflag:$0x1] =	stream.indirect.gather [hbm4b:s4+s18], $0x80, s2, s18, $0xb8;
	[tilespmem:$0x1C880] =	vst v63  }
0xe8: {  	s14 =	smov.u32 s13;
	s13 =	rddreg [dreg:$0x5]  }
0xe9: {  	[tilespmem:s19], [sflag:$0x2] =	stream.indirect.gather [hbm4b:s4+s18], $0x80, s13, s18, $0xb8;
	[tilespmem:$0x1C880] =	vst v63  }
0xea: {  	_ =	swait.ge [sflag:s20], $0x3E80  }
0xeb: {  	[sflag:s20] =	ssyncset.done $0x0  }
0xec: {  	[sflag:s20] =	ssyncadd.s32 $0xFFFFC180  }
0xed: {  	[spmem:s1] =	stream.indirect.scatter.add.f32 [tilespmem:s15], [sflag:$0x3], $0x80, s17, s18, $0xb8;
	[tilespmem:$0x1C880] =	vst v63  }
0xee: {  	_ =	swait.ge [sflag:s16], $0x3E80  }
0xef: {  	[sflag:s16] =	ssyncset.done $0x0  }
0xf0: {  	s13 =	rddreg [dreg:$0x6];
	[sflag:s16] =	ssyncadd.s32 $0xFFFFC180  }
0xf1: {  	[tilespmem:s15], [sflag:$0x1] =	stream.indirect.gather [hbm4b:s4+s18], $0x80, s13, s18, $0xb8;
	[tilespmem:$0x1C880] =	vst v63  }
0xf2: {  	_ =	swait.ge [sflag:s21], $0x3E80  }
0xf3: {  	[sflag:s21] =	ssyncset.done $0x0  }
0xf4: {  	s13 =	rddreg [dreg:$0x7];
	[sflag:s21] =	ssyncadd.s32 $0xFFFFC180  }
0xf5: {  	[spmem:s1] =	stream.indirect.scatter.add.f32 [tilespmem:s19], [sflag:$0x3], $0x80, s13, s18, $0xb8;
	[tilespmem:$0x1C880] =	vst v63  }
0xf6: {  	_ =	swait.ge [sflag:s16], $0x3E80  }
0xf7: {  	[sflag:s16] =	ssyncset.done $0x0  }
0xf8: {  	s13 =	rddreg [dreg:$0x8];
	[sflag:s16] =	ssyncadd.s32 $0xFFFFC180  }
0xf9: {  	[tilespmem:s19], [sflag:$0x2] =	stream.indirect.gather [hbm4b:s4+s18], $0x80, s13, s18, $0xb8;
	[tilespmem:$0x1C880] =	vst v63  }
0xfa: {  	_ =	swait.ge [sflag:s20], $0x3E80  }
0xfb: {  	[sflag:s20] =	ssyncset.done $0x0  }
0xfc: {  	s13 =	rddreg [dreg:$0x9];
	[sflag:s20] =	ssyncadd.s32 $0xFFFFC180  }
0xfd: {  	[spmem:s1] =	stream.indirect.scatter.add.f32 [tilespmem:s15], [sflag:$0x3], $0x80, s13, s18, $0xb8;
	[tilespmem:$0x1C880] =	vst v63  }
0xfe: {  	_ =	swait.ge [sflag:s16], $0x3E80  }
0xff: {  	[sflag:s16] =	ssyncset.done $0x0  }
0x100: {  	s13 =	rddreg [dreg:$0xa];
	[sflag:s16] =	ssyncadd.s32 $0xFFFFC180  }
0x101: {  	[tilespmem:s15], [sflag:$0x1] =	stream.indirect.gather [hbm4b:s4+s18], $0x80, s13, s18, $0xb8;
	[tilespmem:$0x1C880] =	vst v63  }
0x102: {  	_ =	swait.ge [sflag:s21], $0x3E80  }
0x103: {  	[sflag:s21] =	ssyncset.done $0x0  }
0x104: {  	s13 =	rddreg [dreg:$0xb];
	[sflag:s21] =	ssyncadd.s32 $0xFFFFC180  }
0x105: {  	[spmem:s1] =	stream.indirect.scatter.add.f32 [tilespmem:s19], [sflag:$0x3], $0x80, s13, s18, $0xb8;
	[tilespmem:$0x1C880] =	vst v63  }
0x106: {  	_ =	swait.ge [sflag:s16], $0x3E80  }
0x107: {  	[sflag:s16] =	ssyncset.done $0x0  }
0x108: {  	s13 =	rddreg [dreg:$0xc];
	[sflag:s16] =	ssyncadd.s32 $0xFFFFC180  }
0x109: {  	[tilespmem:s19], [sflag:$0x2] =	stream.indirect.gather [hbm4b:s4+s18], $0x80, s13, s18, $0xb8;
	[tilespmem:$0x1C880] =	vst v63  }
0x10a: {  	_ =	swait.ge [sflag:s20], $0x3E80  }
0x10b: {  	[sflag:s20] =	ssyncset.done $0x0  }
0x10c: {  	s13 =	rddreg [dreg:$0xd];
	[sflag:s20] =	ssyncadd.s32 $0xFFFFC180  }
0x10d: {  	[spmem:s1] =	stream.indirect.scatter.add.f32 [tilespmem:s15], [sflag:$0x3], $0x80, s13, s18, $0xb8;
	[tilespmem:$0x1C880] =	vst v63  }
0x10e: {  	_ =	swait.ge [sflag:s16], $0x3E80  }
0x10f: {  	[sflag:s16] =	ssyncset.done $0x0  }
0x110: {  	s13 =	rddreg [dreg:$0xe];
	[sflag:s16] =	ssyncadd.s32 $0xFFFFC180  }
0x111: {  	[tilespmem:s15], [sflag:$0x1] =	stream.indirect.gather [hbm4b:s4+s18], $0x80, s13, s18, $0xb8;
	[tilespmem:$0x1C880] =	vst v63  }
0x112: {  	_ =	swait.ge [sflag:s21], $0x3E80  }
0x113: {  	[sflag:s21] =	ssyncset.done $0x0  }
0x114: {  	s13 =	rddreg [dreg:$0xf];
	[sflag:s21] =	ssyncadd.s32 $0xFFFFC180  }
0x115: {  	[spmem:s1] =	stream.indirect.scatter.add.f32 [tilespmem:s19], [sflag:$0x3], $0x80, s13, s18, $0xb8;
	[tilespmem:$0x1C880] =	vst v63  }
0x116: {  	_ =	swait.ge [sflag:s16], $0x3E80  }
0x117: {  	[sflag:s16] =	ssyncset.done $0x0  }
0x118: {  	s13 =	rddreg [dreg:$0x10];
	[sflag:s16] =	ssyncadd.s32 $0xFFFFC180  }
0x119: {  	[tilespmem:s19], [sflag:$0x2] =	stream.indirect.gather [hbm4b:s4+s18], $0x80, s13, s18, $0xb8;
	[tilespmem:$0x1C880] =	vst v63  }
0x11a: {  	_ =	swait.ge [sflag:s20], $0x3E80  }
0x11b: {  	[sflag:s20] =	ssyncset.done $0x0  }
0x11c: {  	s13 =	rddreg [dreg:$0x11];
	[sflag:s20] =	ssyncadd.s32 $0xFFFFC180  }
0x11d: {  	[spmem:s1] =	stream.indirect.scatter.add.f32 [tilespmem:s15], [sflag:$0x3], $0x80, s13, s18, $0xb8;
	[tilespmem:$0x1C880] =	vst v63  }
0x11e: {  	_ =	swait.ge [sflag:s16], $0x3E80  }
0x11f: {  	[sflag:s16] =	ssyncset.done $0x0  }
0x120: {  	[sflag:s16] =	ssyncadd.s32 $0xFFFFC180  }
0x121: {  	[tilespmem:s15], [sflag:$0x1] =	stream.indirect.gather [hbm4b:s4+s18], $0x80, s22, s18, $0xb8;
	[tilespmem:$0x1C880] =	vst v63  }
0x122: {  	_ =	swait.ge [sflag:s21], $0x3E80  }
0x123: {  	[sflag:s21] =	ssyncset.done $0x0  }
0x124: {  	[sflag:s21] =	ssyncadd.s32 $0xFFFFC180  }
0x125: {  	[spmem:s1] =	stream.indirect.scatter.add.f32 [tilespmem:s19], [sflag:$0x3], $0x80, s23, s18, $0xb8;
	[tilespmem:$0x1C880] =	vst v63  }
0x126: {  	_ =	swait.ge [sflag:s16], $0x3E80  }
0x127: {  	[sflag:s16] =	ssyncset.done $0x0  }
0x128: {  	[sflag:s16] =	ssyncadd.s32 $0xFFFFC180  }
0x129: {  	[tilespmem:s19], [sflag:$0x2] =	stream.indirect.gather [hbm4b:s4+s18], $0x80, s24, s18, $0xb8;
	[tilespmem:$0x1C880] =	vst v63  }
0x12a: {  	_ =	swait.ge [sflag:s20], $0x3E80  }
0x12b: {  	[sflag:s20] =	ssyncset.done $0x0  }
0x12c: {  	[sflag:s20] =	ssyncadd.s32 $0xFFFFC180  }
0x12d: {  	[spmem:s1] =	stream.indirect.scatter.add.f32 [tilespmem:s15], [sflag:$0x3], $0x80, s25, s18, $0xb8;
	[tilespmem:$0x1C880] =	vst v63  }
0x12e: {  	_ =	swait.ge [sflag:s16], $0x3E80  }
0x12f: {  	[sflag:s16] =	ssyncset.done $0x0  }
0x130: {  	[sflag:s16] =	ssyncadd.s32 $0xFFFFC180  }
0x131: {  	[tilespmem:s15], [sflag:$0x1] =	stream.indirect.gather [hbm4b:s4+s18], $0x80, s26, s18, $0xb8;
	[tilespmem:$0x1C880] =	vst v63  }
0x132: {  	_ =	swait.ge [sflag:s21], $0x3E80  }
0x133: {  	[sflag:s21] =	ssyncset.done $0x0  }
0x134: {  	[sflag:s21] =	ssyncadd.s32 $0xFFFFC180  }
0x135: {  	[spmem:s1] =	stream.indirect.scatter.add.f32 [tilespmem:s19], [sflag:$0x3], $0x80, s28, s18, $0xb8;
	[tilespmem:$0x1C880] =	vst v63  }
0x136: {  	_ =	swait.ge [sflag:s16], $0x3E80  }
0x137: {  	[sflag:s16] =	ssyncset.done $0x0  }
0x138: {  	[sflag:s16] =	ssyncadd.s32 $0xFFFFC180  }
0x139: {  	[tilespmem:s19], [sflag:$0x2] =	stream.indirect.gather [hbm4b:s4+s18], $0x80, s29, s18, $0xb8;
	[tilespmem:$0x1C880] =	vst v63  }
0x13a: {  	_ =	swait.ge [sflag:s20], $0x3E80  }
0x13b: {  	[sflag:s20] =	ssyncset.done $0x0  }
0x13c: {  	[sflag:s20] =	ssyncadd.s32 $0xFFFFC180  }
0x13d: {  	[spmem:s1] =	stream.indirect.scatter.add.f32 [tilespmem:s15], [sflag:$0x3], $0x80, s30, s18, $0xb8;
	[tilespmem:$0x1C880] =	vst v63  }
0x13e: {  	_ =	swait.ge [sflag:s16], $0x3E80  }
0x13f: {  	[sflag:s16] =	ssyncset.done $0x0  }
0x140: {  	[sflag:s16] =	ssyncadd.s32 $0xFFFFC180  }
0x141: {  	[tilespmem:s15], [sflag:$0x1] =	stream.indirect.gather [hbm4b:s4+s18], $0x80, s31, s18, $0xb8;
	[tilespmem:$0x1C880] =	vst v63  }
0x142: {  	_ =	swait.ge [sflag:s21], $0x3E80  }
0x143: {  	[sflag:s21] =	ssyncset.done $0x0  }
0x144: {  	[sflag:s21] =	ssyncadd.s32 $0xFFFFC180  }
0x145: {  	[spmem:s1] =	stream.indirect.scatter.add.f32 [tilespmem:s19], [sflag:$0x3], $0x80, s0, s18, $0xb8;
	[tilespmem:$0x1C880] =	vst v63  }
0x146: {  	_ =	swait.ge [sflag:s16], $0x3E80  }
0x147: {  	[sflag:s16] =	ssyncset.done $0x0  }
0x148: {  	[sflag:s16] =	ssyncadd.s32 $0xFFFFC180  }
0x149: {  	[tilespmem:s19], [sflag:$0x2] =	stream.indirect.gather [hbm4b:s4+s18], $0x80, s3, s18, $0xb8;
	[tilespmem:$0x1C880] =	vst v63  }
0x14a: {  	_ =	swait.ge [sflag:s20], $0x3E80  }
0x14b: {  	[sflag:s20] =	ssyncset.done $0x0  }
0x14c: {  	[sflag:s20] =	ssyncadd.s32 $0xFFFFC180  }
0x14d: {  	[spmem:s1] =	stream.indirect.scatter.add.f32 [tilespmem:s15], [sflag:$0x3], $0x80, s6, s18, $0xb8;
	[tilespmem:$0x1C880] =	vst v63  }
0x14e: {  	_ =	swait.ge [sflag:s16], $0x3E80  }
0x14f: {  	[sflag:s16] =	ssyncset.done $0x0  }
0x150: {  	[sflag:s16] =	ssyncadd.s32 $0xFFFFC180  }
0x151: {  	[tilespmem:s15], [sflag:$0x1] =	stream.indirect.gather [hbm4b:s4+s18], $0x80, s8, s18, $0xb8;
	[tilespmem:$0x1C880] =	vst v63  }
0x152: {  	_ =	swait.ge [sflag:s21], $0x3E80  }
0x153: {  	[sflag:s21] =	ssyncset.done $0x0  }
0x154: {  	[sflag:s21] =	ssyncadd.s32 $0xFFFFC180  }
0x155: {  	[spmem:s1] =	stream.indirect.scatter.add.f32 [tilespmem:s19], [sflag:$0x3], $0x80, s9, s18, $0xb8;
	[tilespmem:$0x1C880] =	vst v63  }
0x156: {  	_ =	swait.ge [sflag:s16], $0x3E80  }
0x157: {  	[sflag:s16] =	ssyncset.done $0x0  }
0x158: {  	[sflag:s16] =	ssyncadd.s32 $0xFFFFC180  }
0x159: {  	[tilespmem:s19], [sflag:$0x2] =	stream.indirect.gather [hbm4b:s4+s18], $0x80, s10, s18, $0xb8;
	[tilespmem:$0x1C880] =	vst v63  }
0x15a: {  	_ =	swait.ge [sflag:s20], $0x3E80  }
0x15b: {  	[sflag:s20] =	ssyncset.done $0x0  }
0x15c: {  	[sflag:s20] =	ssyncadd.s32 $0xFFFFC180  }
0x15d: {  	[spmem:s1] =	stream.indirect.scatter.add.f32 [tilespmem:s15], [sflag:$0x3], $0x80, s11, s18, $0xb8;
	[tilespmem:$0x1C880] =	vst v63  }
0x15e: {  	_ =	swait.ge [sflag:s16], $0x3E80  }
0x15f: {  	[sflag:s16] =	ssyncset.done $0x0  }
0x160: {  	[sflag:s16] =	ssyncadd.s32 $0xFFFFC180  }
0x161: {  	p1 =	sne.s32 s5, $0x400;
	_ =	swait.ge [sflag:s21], $0x3E80  }
.Ltmp1:
0x162: {  	[sflag:s21] =	ssyncset.done $0x0;
	(pc) =	sbr.rel @p1 .LBB2_4-.Ltmp1, $4  }
0x163: {  	[sflag:s21] =	ssyncadd.s32 $0xFFFFC180  }
0x164: {  	[spmem:s1] =	stream.indirect.scatter.add.f32 [tilespmem:s19], [sflag:$0x3], $0x80, s12, s18, $0xb8;
	[tilespmem:$0x1C880] =	vst v63  }
0x165: {  	_ =	swait.ge [sflag:s16], $0x3E80  }
0x166: {  	s5 =	sadd.s32 $0x100, s5;
	s7 =	rddreg [dreg:$0x4];
	[sflag:s16] =	ssyncset.done $0x0  }
0x167: {  	[sflag:s16] =	ssyncadd.s32 $0xFFFFC180;
	s5 =	sadd.s32 s14, s7  }
0x168: {  	[tilespmem:s2], [sflag:$0x3] =	stream.linear.gather [hbm4b:s5+s2], $0x800, $0x38;
	[tilespmem:$0x1C880] =	vst v63  }
0x169: {  	_ =	swait.ge [sflag:s16], $0x800  }
0x16a: {  	s13 =	rddreg [dreg:$0x3];
	[sflag:s16] =	ssyncset.done $0x0  }
0x16b: {  	[sflag:s16] =	ssyncadd.s32 $0xFFFFF800;
	s5 =	sadd.s32 s14, s13  }
0x16c: {  	[tilespmem:s17], [sflag:$0x3] =	stream.linear.gather [hbm4b:s5+s2], $0x800, $0x38;
	[tilespmem:$0x1C880] =	vst v63  }
0x16d: {  	_ =	swait.ge [sflag:s16], $0x800  }
0x16e: {  	[sflag:s16] =	ssyncset.done $0x0  }
0x16f: {  	[sflag:s16] =	ssyncadd.s32 $0xFFFFF800  }
0x170: {  	[tilespmem:s15], [sflag:$0x1] =	stream.indirect.gather [hbm4b:s4+s18], $0x80, s2, s18, $0xb8;
	[tilespmem:$0x1C880] =	vst v63  }
0x171: {  	s7 =	rddreg [dreg:$0x5]  }
0x172: {  	[tilespmem:s19], [sflag:$0x2] =	stream.indirect.gather [hbm4b:s4+s18], $0x80, s7, s18, $0xb8;
	[tilespmem:$0x1C880] =	vst v63  }
0x173: {  	_ =	swait.ge [sflag:s20], $0x3E80  }
0x174: {  	[sflag:s20] =	ssyncset.done $0x0  }
0x175: {  	[sflag:s20] =	ssyncadd.s32 $0xFFFFC180  }
0x176: {  	[spmem:s1] =	stream.indirect.scatter.add.f32 [tilespmem:s15], [sflag:$0x3], $0x80, s17, s18, $0xb8;
	[tilespmem:$0x1C880] =	vst v63  }
0x177: {  	_ =	swait.ge [sflag:s16], $0x3E80  }
0x178: {  	[sflag:s16] =	ssyncset.done $0x0  }
0x179: {  	s13 =	rddreg [dreg:$0x6];
	[sflag:s16] =	ssyncadd.s32 $0xFFFFC180  }
0x17a: {  	[tilespmem:s15], [sflag:$0x1] =	stream.indirect.gather [hbm4b:s4+s18], $0x80, s13, s18, $0xb8;
	[tilespmem:$0x1C880] =	vst v63  }
0x17b: {  	_ =	swait.ge [sflag:s21], $0x3E80  }
0x17c: {  	[sflag:s21] =	ssyncset.done $0x0  }
0x17d: {  	s14 =	rddreg [dreg:$0x7];
	[sflag:s21] =	ssyncadd.s32 $0xFFFFC180  }
0x17e: {  	[spmem:s1] =	stream.indirect.scatter.add.f32 [tilespmem:s19], [sflag:$0x3], $0x80, s14, s18, $0xb8;
	[tilespmem:$0x1C880] =	vst v63  }
0x17f: {  	_ =	swait.ge [sflag:s16], $0x3E80  }
0x180: {  	[sflag:s16] =	ssyncset.done $0x0  }
0x181: {  	s7 =	rddreg [dreg:$0x8];
	[sflag:s16] =	ssyncadd.s32 $0xFFFFC180  }
0x182: {  	[tilespmem:s19], [sflag:$0x2] =	stream.indirect.gather [hbm4b:s4+s18], $0x80, s7, s18, $0xb8;
	[tilespmem:$0x1C880] =	vst v63  }
0x183: {  	_ =	swait.ge [sflag:s20], $0x3E80  }
0x184: {  	[sflag:s20] =	ssyncset.done $0x0  }
0x185: {  	s13 =	rddreg [dreg:$0x9];
	[sflag:s20] =	ssyncadd.s32 $0xFFFFC180  }
0x186: {  	[spmem:s1] =	stream.indirect.scatter.add.f32 [tilespmem:s15], [sflag:$0x3], $0x80, s13, s18, $0xb8;
	[tilespmem:$0x1C880] =	vst v63  }
0x187: {  	_ =	swait.ge [sflag:s16], $0x3E80  }
0x188: {  	[sflag:s16] =	ssyncset.done $0x0  }
0x189: {  	s14 =	rddreg [dreg:$0xa];
	[sflag:s16] =	ssyncadd.s32 $0xFFFFC180  }
0x18a: {  	[tilespmem:s15], [sflag:$0x1] =	stream.indirect.gather [hbm4b:s4+s18], $0x80, s14, s18, $0xb8;
	[tilespmem:$0x1C880] =	vst v63  }
0x18b: {  	_ =	swait.ge [sflag:s21], $0x3E80  }
0x18c: {  	[sflag:s21] =	ssyncset.done $0x0  }
0x18d: {  	s7 =	rddreg [dreg:$0xb];
	[sflag:s21] =	ssyncadd.s32 $0xFFFFC180  }
0x18e: {  	[spmem:s1] =	stream.indirect.scatter.add.f32 [tilespmem:s19], [sflag:$0x3], $0x80, s7, s18, $0xb8;
	[tilespmem:$0x1C880] =	vst v63  }
0x18f: {  	_ =	swait.ge [sflag:s16], $0x3E80  }
0x190: {  	[sflag:s16] =	ssyncset.done $0x0  }
0x191: {  	s13 =	rddreg [dreg:$0xc];
	[sflag:s16] =	ssyncadd.s32 $0xFFFFC180  }
0x192: {  	[tilespmem:s19], [sflag:$0x2] =	stream.indirect.gather [hbm4b:s4+s18], $0x80, s13, s18, $0xb8;
	[tilespmem:$0x1C880] =	vst v63  }
0x193: {  	_ =	swait.ge [sflag:s20], $0x3E80  }
0x194: {  	[sflag:s20] =	ssyncset.done $0x0  }
0x195: {  	s14 =	rddreg [dreg:$0xd];
	[sflag:s20] =	ssyncadd.s32 $0xFFFFC180  }
0x196: {  	[spmem:s1] =	stream.indirect.scatter.add.f32 [tilespmem:s15], [sflag:$0x3], $0x80, s14, s18, $0xb8;
	[tilespmem:$0x1C880] =	vst v63  }
0x197: {  	_ =	swait.ge [sflag:s16], $0x3E80  }
0x198: {  	[sflag:s16] =	ssyncset.done $0x0  }
0x199: {  	s7 =	rddreg [dreg:$0xe];
	[sflag:s16] =	ssyncadd.s32 $0xFFFFC180  }
0x19a: {  	[tilespmem:s15], [sflag:$0x1] =	stream.indirect.gather [hbm4b:s4+s18], $0x80, s7, s18, $0xb8;
	[tilespmem:$0x1C880] =	vst v63  }
0x19b: {  	_ =	swait.ge [sflag:s21], $0x3E80  }
0x19c: {  	[sflag:s21] =	ssyncset.done $0x0  }
0x19d: {  	s13 =	rddreg [dreg:$0xf];
	[sflag:s21] =	ssyncadd.s32 $0xFFFFC180  }
0x19e: {  	[spmem:s1] =	stream.indirect.scatter.add.f32 [tilespmem:s19], [sflag:$0x3], $0x80, s13, s18, $0xb8;
	[tilespmem:$0x1C880] =	vst v63  }
0x19f: {  	_ =	swait.ge [sflag:s16], $0x3E80  }
0x1a0: {  	[sflag:s16] =	ssyncset.done $0x0  }
0x1a1: {  	s14 =	rddreg [dreg:$0x10];
	[sflag:s16] =	ssyncadd.s32 $0xFFFFC180  }
0x1a2: {  	[tilespmem:s19], [sflag:$0x2] =	stream.indirect.gather [hbm4b:s4+s18], $0x80, s14, s18, $0xb8;
	[tilespmem:$0x1C880] =	vst v63  }
0x1a3: {  	_ =	swait.ge [sflag:s20], $0x3E80  }
0x1a4: {  	[sflag:s20] =	ssyncset.done $0x0  }
0x1a5: {  	s7 =	rddreg [dreg:$0x11];
	[sflag:s20] =	ssyncadd.s32 $0xFFFFC180  }
0x1a6: {  	[spmem:s1] =	stream.indirect.scatter.add.f32 [tilespmem:s15], [sflag:$0x3], $0x80, s7, s18, $0xb8;
	[tilespmem:$0x1C880] =	vst v63  }
0x1a7: {  	_ =	swait.ge [sflag:s16], $0x3E80  }
0x1a8: {  	[sflag:s16] =	ssyncset.done $0x0  }
0x1a9: {  	[sflag:s16] =	ssyncadd.s32 $0xFFFFC180  }
0x1aa: {  	[tilespmem:s15], [sflag:$0x1] =	stream.indirect.gather [hbm4b:s4+s18], $0x80, s22, s18, $0xb8;
	[tilespmem:$0x1C880] =	vst v63  }
0x1ab: {  	_ =	swait.ge [sflag:s21], $0x3E80  }
0x1ac: {  	[sflag:s21] =	ssyncset.done $0x0  }
0x1ad: {  	[sflag:s21] =	ssyncadd.s32 $0xFFFFC180  }
0x1ae: {  	[spmem:s1] =	stream.indirect.scatter.add.f32 [tilespmem:s19], [sflag:$0x3], $0x80, s23, s18, $0xb8;
	[tilespmem:$0x1C880] =	vst v63  }
0x1af: {  	_ =	swait.ge [sflag:s16], $0x3E80  }
0x1b0: {  	[sflag:s16] =	ssyncset.done $0x0  }
0x1b1: {  	[sflag:s16] =	ssyncadd.s32 $0xFFFFC180  }
0x1b2: {  	[tilespmem:s19], [sflag:$0x2] =	stream.indirect.gather [hbm4b:s4+s18], $0x80, s24, s18, $0xb8;
	[tilespmem:$0x1C880] =	vst v63  }
0x1b3: {  	_ =	swait.ge [sflag:s20], $0x3E80  }
0x1b4: {  	[sflag:s20] =	ssyncset.done $0x0  }
0x1b5: {  	[sflag:s20] =	ssyncadd.s32 $0xFFFFC180  }
0x1b6: {  	[spmem:s1] =	stream.indirect.scatter.add.f32 [tilespmem:s15], [sflag:$0x3], $0x80, s25, s18, $0xb8;
	[tilespmem:$0x1C880] =	vst v63  }
0x1b7: {  	_ =	swait.ge [sflag:s16], $0x3E80  }
0x1b8: {  	[sflag:s16] =	ssyncset.done $0x0  }
0x1b9: {  	[sflag:s16] =	ssyncadd.s32 $0xFFFFC180  }
0x1ba: {  	[tilespmem:s15], [sflag:$0x1] =	stream.indirect.gather [hbm4b:s4+s18], $0x80, s26, s18, $0xb8;
	[tilespmem:$0x1C880] =	vst v63  }
0x1bb: {  	_ =	swait.ge [sflag:s21], $0x3E80  }
0x1bc: {  	[sflag:s21] =	ssyncset.done $0x0  }
0x1bd: {  	[sflag:s21] =	ssyncadd.s32 $0xFFFFC180  }
0x1be: {  	[spmem:s1] =	stream.indirect.scatter.add.f32 [tilespmem:s19], [sflag:$0x3], $0x80, s28, s18, $0xb8;
	[tilespmem:$0x1C880] =	vst v63  }
0x1bf: {  	_ =	swait.ge [sflag:s16], $0x3E80  }
0x1c0: {  	[sflag:s16] =	ssyncset.done $0x0  }
0x1c1: {  	[sflag:s16] =	ssyncadd.s32 $0xFFFFC180  }
0x1c2: {  	[tilespmem:s19], [sflag:$0x2] =	stream.indirect.gather [hbm4b:s4+s18], $0x80, s29, s18, $0xb8;
	[tilespmem:$0x1C880] =	vst v63  }
0x1c3: {  	_ =	swait.ge [sflag:s20], $0x3E80  }
0x1c4: {  	[sflag:s20] =	ssyncset.done $0x0  }
0x1c5: {  	[sflag:s20] =	ssyncadd.s32 $0xFFFFC180  }
0x1c6: {  	[spmem:s1] =	stream.indirect.scatter.add.f32 [tilespmem:s15], [sflag:$0x3], $0x80, s30, s18, $0xb8;
	[tilespmem:$0x1C880] =	vst v63  }
0x1c7: {  	_ =	swait.ge [sflag:s16], $0x3E80  }
0x1c8: {  	[sflag:s16] =	ssyncset.done $0x0  }
0x1c9: {  	[sflag:s16] =	ssyncadd.s32 $0xFFFFC180  }
0x1ca: {  	[tilespmem:s15], [sflag:$0x1] =	stream.indirect.gather [hbm4b:s4+s18], $0x80, s31, s18, $0xb8;
	[tilespmem:$0x1C880] =	vst v63  }
0x1cb: {  	_ =	swait.ge [sflag:s21], $0x3E80  }
0x1cc: {  	[sflag:s21] =	ssyncset.done $0x0  }
0x1cd: {  	[sflag:s21] =	ssyncadd.s32 $0xFFFFC180  }
0x1ce: {  	[spmem:s1] =	stream.indirect.scatter.add.f32 [tilespmem:s19], [sflag:$0x3], $0x80, s0, s18, $0xb8;
	[tilespmem:$0x1C880] =	vst v63  }
0x1cf: {  	_ =	swait.ge [sflag:s16], $0x3E80  }
0x1d0: {  	[sflag:s16] =	ssyncset.done $0x0  }
0x1d1: {  	[sflag:s16] =	ssyncadd.s32 $0xFFFFC180  }
0x1d2: {  	[tilespmem:s19], [sflag:$0x2] =	stream.indirect.gather [hbm4b:s4+s18], $0x80, s3, s18, $0xb8;
	[tilespmem:$0x1C880] =	vst v63  }
0x1d3: {  	_ =	swait.ge [sflag:s20], $0x3E80  }
0x1d4: {  	[sflag:s20] =	ssyncset.done $0x0  }
0x1d5: {  	[sflag:s20] =	ssyncadd.s32 $0xFFFFC180  }
0x1d6: {  	[spmem:s1] =	stream.indirect.scatter.add.f32 [tilespmem:s15], [sflag:$0x3], $0x80, s6, s18, $0xb8;
	[tilespmem:$0x1C880] =	vst v63  }
0x1d7: {  	_ =	swait.ge [sflag:s16], $0x3E80  }
0x1d8: {  	[sflag:s16] =	ssyncset.done $0x0  }
0x1d9: {  	[sflag:s16] =	ssyncadd.s32 $0xFFFFC180  }
0x1da: {  	[tilespmem:s15], [sflag:$0x1] =	stream.indirect.gather [hbm4b:s4+s18], $0x80, s8, s18, $0xb8;
	[tilespmem:$0x1C880] =	vst v63  }
0x1db: {  	_ =	swait.ge [sflag:s21], $0x3E80  }
0x1dc: {  	[sflag:s21] =	ssyncset.done $0x0  }
0x1dd: {  	[sflag:s21] =	ssyncadd.s32 $0xFFFFC180  }
0x1de: {  	[spmem:s1] =	stream.indirect.scatter.add.f32 [tilespmem:s19], [sflag:$0x3], $0x80, s9, s18, $0xb8;
	[tilespmem:$0x1C880] =	vst v63  }
0x1df: {  	_ =	swait.ge [sflag:s16], $0x3E80  }
0x1e0: {  	[sflag:s16] =	ssyncset.done $0x0  }
0x1e1: {  	[sflag:s16] =	ssyncadd.s32 $0xFFFFC180  }
0x1e2: {  	[tilespmem:s19], [sflag:$0x2] =	stream.indirect.gather [hbm4b:s4+s18], $0x80, s10, s18, $0xb8;
	[tilespmem:$0x1C880] =	vst v63  }
0x1e3: {  	_ =	swait.ge [sflag:s20], $0x3E80  }
0x1e4: {  	[sflag:s20] =	ssyncset.done $0x0  }
0x1e5: {  	[sflag:s20] =	ssyncadd.s32 $0xFFFFC180  }
0x1e6: {  	[spmem:s1] =	stream.indirect.scatter.add.f32 [tilespmem:s15], [sflag:$0x3], $0x80, s11, s18, $0xb8;
	[tilespmem:$0x1C880] =	vst v63  }
0x1e7: {  	_ =	swait.ge [sflag:s16], $0x3E80  }
0x1e8: {  	[sflag:s16] =	ssyncset.done $0x0  }
0x1e9: {  	[sflag:s16] =	ssyncadd.s32 $0xFFFFC180  }
0x1ea: {  	_ =	swait.ge [sflag:s21], $0x3E80  }
0x1eb: {  	[sflag:s21] =	ssyncset.done $0x0  }
0x1ec: {  	[sflag:s21] =	ssyncadd.s32 $0xFFFFC180  }
0x1ed: {  	[spmem:s1] =	stream.indirect.scatter.add.f32 [tilespmem:s19], [sflag:$0x3], $0x80, s12, s18, $0xb8;
	[tilespmem:$0x1C880] =	vst v63  }
0x1ee: {  	_ =	swait.ge [sflag:s16], $0x3E80  }
0x1ef: {  	[sflag:s16] =	ssyncset.done $0x0  }
0x1f0: {  	[sflag:s16] =	ssyncadd.s32 $0xFFFFC180  }
0x1f1: {  	s13 =	stileid.u32;
	[bflag:$0x0] =	sbarrier.arrive $0xFFFF  }
0x1f2: {  	s5 =	sshll.u32 s13, $0x6;
	s14 =	rddreg [dreg:$0x14]  }
0x1f3: {  	s5 =	sor.u32 $0x1C03, s5;
	s13 =	rddreg [dreg:$0x13];
	s7 =	sshrl.u32 s14, $0x3  }
0x1f4: {  	[hbm:s13], [sflag:s5] =	dma.local [spmem:s7], $0x2700  }
0x1f5: {  	_ =	swait.ge [sflag:s16], $0x2700  }
0x1f6: {  	[sflag:s16] =	ssyncset.done $0x0;
	s13 =	rddreg [dreg:$0x12]  }
0x1f7: {  	s14 =	rddreg [dreg:$0x15];
	[sflag:s16] =	ssyncadd.s32 $0xFFFFD900;
	s7 =	sshrl.u32 @!p0 s13, $0x3  }
0x1f8: {  	[hbm:s14], [sflag:s5] =	dma.local @!p0 [spmem:s7], $0x100  }
0x1f9: {  	s5 =	simm.s32 @!p0 $0x3  }
0x1fa: {  	_ =	swait.ge @!p0 [sflag:s5], $0x100  }
0x1fb: {  	s7 =	rddreg [dreg:$0x1c]  }
0x1fc: {  	s14 =	sadd.s32 $0x1, s7;
	s7 =	rddreg [dreg:$0x16]  }
0x1fd: {  	p1 =	sne.s32 s14, s7  }
.Ltmp2:
0x1fe: {  	_ = 	snop;
	(pc) =	sbr.rel @p1 .LBB2_1-.Ltmp2, $3  }
0x1ff: {  	_ =	sdelay $0x1  }
0x200: {  	[sflag:s5] =	ssyncset.done @!p0 $0x0  }
0x201: {  	[sflag:s5] =	ssyncadd.s32 @!p0 $0xFFFFFF00  }
0x202: {  	_ =	sfence.sel $0x180000  }
0x203: {  	[bflag:$0x0] =	sbarrier.arrive $0xFFFF  }
0x204: {  	_ =	strace $0x9000004D  }
0x205: {  	[bflag:$0x2] =	sbarrier.arrive $0xFFFF  }
0x206: {  	s0 =	rddreg [dreg:$0x2]  }
0x207: {  	s0 =	sadd.s32 @!p0 $0x100000, s0  }
0x208: {  	[sflag:s0] =	ssyncadd.tile.s32 @!p0 $0x1;
	_ =	shalt  }
.Lfunc_end2:
_tile_overlayer_lowered:
.L_overlay_start_2:
0x209: {  	(tag) =	ssettag $0x2  }
0x20a: {  	s0 =	rddreg [dreg:$0x0];
	s2 =	stileid.u32  }
0x20b: {  	s1 =	rddreg [dreg:$0x1];
	p0 =	sne.s32 s2, $0x0  }
0x20c: {  	s3 =	rddreg [dreg:$0x2];
	[bflag:$0x3] =	sbarrier.arrive $0xFFFF;
	s2 =	simm.s32 @!p0 $0x1C03  }
0x20d: {  	[timem:s3], [sflag:s2] =	dma.local @!p0 [hbm:s0], s1  }
0x20e: {  	s0 =	simm.s32 @!p0 $0x3  }
0x20f: {  	_ =	swait.ge @!p0 [sflag:s0], s1  }
0x210: {  	s1 =	ssub.s32 @!p0 $0x0, s1;
	[sflag:s0] =	ssyncset.done @!p0 $0x0  }
0x211: {  	[sflag:s0] =	ssyncadd.s32 @!p0 s1  }
0x212: {  	[bflag:$0x3] =	sbarrier.arrive $0xFFFF  }
0x213: {  	_ =	shalt  }

// kernel: kernel.8.cloned.1.call-start
scs
__scs_entry_jumppad:
0x0: {  	(pc) =	sbr.rel $0x88, $3  }
0x1: {  	(tag) =	ssettag $0x0;
	lr =	simm.s32 $0x1  }
0x2: {  	[smem:$0x3F90] =	sst lr;
	_ =	strace $0xD0000000  }
0x3: {  	_ = 	snop  }
0x4: {  	_ = 	snop  }
0x5: {  	_ = 	snop  }
0x6: {  	_ = 	snop  }
0x7: {  	_ = 	snop  }
__scs_overlays_trampoline_lowered:
0x8: {  	[smem:$0x3F9F] =	sst s0  }
0x9: {  	[smem:$0x3FA0] =	sst s1  }
0xa: {  	[smem:$0x3FA1] =	sst s2  }
0xb: {  	[smem:$0x3FA2] =	sst s3  }
0xc: {  	[smem:$0x3FA3] =	sst s4  }
0xd: {  	[smem:$0x3FA4] =	sst s5  }
0xe: {  	[smem:$0x3FA5] =	sst s6  }
0xf: {  	[smem:$0x3FA6] =	sst s7  }
0x10: {  	[smem:$0x3FA7] =	sst s8  }
0x11: {  	[smem:$0x3FA8] =	sst s9;
	s0 =	simm.s32 @!p0 $0x0  }
0x12: {  	s1 =	sld [smem:$0x3F8E];
	s0 =	simm.s32 @p0 $0x1  }
0x13: {  	[smem:$0x3FA9] =	sst s0;
	s0 =	simm.s32 @!p1 $0x0  }
0x14: {  	s2 =	sld [smem:$0x3F8D];
	s0 =	simm.s32 @p1 $0x1  }
0x15: {  	[smem:$0x3FAA] =	sst s0;
	s0 =	simm.s32 @!p2 $0x0  }
0x16: {  	s3 =	sld [smem:$0x3FDB];
	s0 =	simm.s32 @p2 $0x1  }
0x17: {  	s4 =	simm.s32 $0x1BF5;
	[smem:$0x3FAC] =	sst s0  }
0x18: {  	s0 =	sld [smem:$0x3F8F];
	_ =	swait.ge [sflag:s4], $0x0  }
0x19: {  	s7 =	sld [smem:$0x3F90]  }
0x1a: {  	s8 =	sadd.s32 $0xFFFFE003, lr  }
0x1b: {  	s9 =	sadd.s32 $0xFFFFFEF7, lr;
	s5 =	simm.s32 $0xFFFFFFFF;
	p2 =	slt.u32 s8, $0xFFFFF086  }
0x1c: {  	p1 =	slt.u32 s9, $0xF7A;
	s5 =	simm.s32 @!p2 $0x0  }
0x1d: {  	s5 =	simm.s32 @p1 $0x1;
	p0 =	seq.s32 s7, s2  }
0x1e: {  	s7 =	smul.u32 @!p0 $0xF7A, s2;
	p2 =	seq.s32 @!p0 s5, $0x0  }
0x1f: {  	s9 =	smul.u32 $0xF7A, s1;
	s8 =	simm.s32 @!p0 $0x1BF5;
	p2 =	por !p2, p0  }
0x20: {  	[sflag:s8] =	ssyncset.s32 @!p0 $0xFFFFF086;
	s6 =	sadd.s32 @!p0 s3, s7;
	s7 =	simm.s32 @!p0 $0x108  }
0x21: {  	s3 =	sadd.s32 s3, s9;
	s6 =	sadd.s32 @!p0 $0x88, s6;
	s7 =	simm.s32 @p2 $0x1082  }
0x22: {  	[simem:s7], [sflag:s8] =	dma.local @!p0 [hbm:s6], $0xF7A  }
0x23: {  	s9 =	sor.u32 $0xD0000000, s2;
	s6 =	simm.s32 $0x108;
	_ =	swait.ge @!p0 [sflag:s8], $0x0  }
0x24: {  	s3 =	sadd.s32 $0x88, s3;
	s6 =	simm.s32 @!p1 $0x1082;
	[sflag:s4] =	ssyncset.s32 $0xFFFFF086  }
0x25: {  	[simem:s6], [sflag:s4] =	dma.local [hbm:s3], $0xF7A  }
0x26: {  	[smem:$0x3F90] =	sst s1;
	(tag) =	ssettag s2;
	_ =	strace s9  }
0x27: {  	s1 =	sld [smem:$0x3FA0]  }
0x28: {  	s2 =	sld [smem:$0x3FA1]  }
0x29: {  	s4 =	sld [smem:$0x3FA3]  }
0x2a: {  	p0 =	seq.s32 s5, $0x0;
	s5 =	sld [smem:$0x3FA4]  }
0x2b: {  	s6 =	sld [smem:$0x3FA5]  }
0x2c: {  	s7 =	sld [smem:$0x3FA6]  }
0x2d: {  	s3 =	simm.s32 $0x108;
	s8 =	sld [smem:$0x3FA7]  }
0x2e: {  	s3 =	simm.s32 @!p0 $0x1082;
	s9 =	sld [smem:$0x3FA8]  }
0x2f: {  	lr =	sadd.s32 s0, s3;
	s0 =	sld [smem:$0x3F9F]  }
0x30: {  	s3 =	sld [smem:$0x3FA2]  }
0x31: {  	[smem:$0x3FAB] =	sst s10  }
0x32: {  	s10 =	sld [smem:$0x3FA9];
	_ =	sdelay $0x3  }
0x33: {  	p0 =	seq.s32 s10, $0x1;
	s10 =	sld [smem:$0x3FAB];
	_ =	sdelay $0x3  }
0x34: {  	[smem:$0x3FAB] =	sst s10  }
0x35: {  	s10 =	sld [smem:$0x3FAA];
	_ =	sdelay $0x3  }
0x36: {  	p1 =	seq.s32 s10, $0x1;
	s10 =	sld [smem:$0x3FAB];
	_ =	sdelay $0x3  }
0x37: {  	[smem:$0x3FAB] =	sst s10  }
0x38: {  	s10 =	sld [smem:$0x3FAC]  }
0x39: {  	_ = 	snop;
	(pc) =	sbr.ind lr, $3  }
0x3a: {  	_ = 	snop  }
0x3b: {  	_ = 	snop  }
0x3c: {  	p2 =	seq.s32 s10, $0x1;
	s10 =	sld [smem:$0x3FAB]  }
0x3d: {  	_ =	shalt  }
0x3e: {  	_ =	shalt  }
0x3f: {  	_ =	shalt  }
0x40: {  	_ =	shalt  }
0x41: {  	_ =	shalt  }
0x42: {  	_ =	shalt  }
0x43: {  	_ =	shalt  }
0x44: {  	_ =	shalt  }
0x45: {  	_ =	shalt  }
0x46: {  	_ =	shalt  }
0x47: {  	_ =	shalt  }
0x48: {  	_ =	shalt  }
0x49: {  	_ =	shalt  }
0x4a: {  	_ =	shalt  }
0x4b: {  	_ =	shalt  }
0x4c: {  	_ =	shalt  }
0x4d: {  	_ =	shalt  }
0x4e: {  	_ =	shalt  }
0x4f: {  	_ =	shalt  }
0x50: {  	_ =	shalt  }
0x51: {  	_ =	shalt  }
0x52: {  	_ =	shalt  }
0x53: {  	_ =	shalt  }
0x54: {  	_ =	shalt  }
0x55: {  	_ =	shalt  }
0x56: {  	_ =	shalt  }
0x57: {  	_ =	shalt  }
0x58: {  	_ =	shalt  }
0x59: {  	_ =	shalt  }
0x5a: {  	_ =	shalt  }
0x5b: {  	_ =	shalt  }
0x5c: {  	_ =	shalt  }
0x5d: {  	_ =	shalt  }
0x5e: {  	_ =	shalt  }
0x5f: {  	_ =	shalt  }
0x60: {  	_ =	shalt  }
0x61: {  	_ =	shalt  }
0x62: {  	_ =	shalt  }
0x63: {  	_ =	shalt  }
0x64: {  	_ =	shalt  }
0x65: {  	_ =	shalt  }
0x66: {  	_ =	shalt  }
0x67: {  	_ =	shalt  }
0x68: {  	_ =	shalt  }
0x69: {  	_ =	shalt  }
0x6a: {  	_ =	shalt  }
0x6b: {  	_ =	shalt  }
0x6c: {  	_ =	shalt  }
0x6d: {  	_ =	shalt  }
0x6e: {  	_ =	shalt  }
0x6f: {  	_ =	shalt  }
0x70: {  	_ =	shalt  }
0x71: {  	_ =	shalt  }
0x72: {  	_ =	shalt  }
0x73: {  	_ =	shalt  }
0x74: {  	_ =	shalt  }
0x75: {  	_ =	shalt  }
0x76: {  	_ =	shalt  }
0x77: {  	_ =	shalt  }
0x78: {  	_ =	shalt  }
0x79: {  	_ =	shalt  }
0x7a: {  	_ =	shalt  }
0x7b: {  	_ =	shalt  }
0x7c: {  	_ =	shalt  }
0x7d: {  	_ =	shalt  }
0x7e: {  	_ =	shalt  }
0x7f: {  	_ =	shalt  }
0x80: {  	_ =	shalt  }
0x81: {  	_ =	shalt  }
0x82: {  	_ =	shalt  }
0x83: {  	_ =	shalt  }
0x84: {  	_ =	shalt  }
0x85: {  	_ =	shalt  }
0x86: {  	_ =	shalt  }
0x87: {  	_ =	shalt  }
.Lfunc_end0:
.L_simem_size_0:
called_computation_lowered:
.L_overlay_start_0:
0x88: {  	s2 =	sld [smem:$0x3FD9]  }
0x89: {  	s3 =	sld [smem:$0x3FFE];
	_ =	sdelay $0x1  }
0x8a: {  	s1 =	srdreg.scid  }
0x8b: {  	s0 =	sand.u32 $0x1, s1  }
0x8c: {  	s16 =	sshll.u32 s0, $0xA;
	s2 =	sadd.s32 s3, s2  }
0x8d: {  	s2 =	sadd.s32 s2, s16  }
0x8e: {  	[smem:$0x3FB7] =	sst s2  }
0x8f: {  	_ = 	snop  }
0x90: {  	(tm) =	ssettm $0x1  }
0x91: {  	s17 =	sld [smem:$0x3FFB];
	_ =	sdelay $0x3  }
0x92: {  	_ =	strace s17  }
0x93: {  	s2 =	sld [smem:$0x3FFC];
	_ =	sdelay $0x3  }
0x94: {  	_ =	strace s2  }
0x95: {  	s2 =	sld [smem:$0x3FFD];
	_ =	sdelay $0x3  }
0x96: {  	_ =	strace s2  }
0x97: {  	_ =	strace $0x8FFFFFFF  }
0x98: {  	s18 =	sld [smem:$0x3FDB];
	_ =	sdelay $0x1  }
0x99: {  	s19 =	simm.s32 $_scs_section_size  }
0x9a: {  	s4 =	simm.s32 $_size__tile_overlayer_lowered;
	s5 =	simm.s32 $_tile_overlayer_lowered  }
0x9b: {  	s22 =	simm.s32 $0x1BFF;
	s21 =	sshll.u32 s5, $0x1;
	s2 =	sadd.s32 s19, s18  }
0x9c: {  	s6 =	simm.s32 $0x0;
	s20 =	sshll.u32 s4, $0x1;
	s4 =	sadd.s32 s21, s2  }
0x9d: {  	[timem:s6], [sflag:s22] =	dma.local [hbm:s4], s20  }
0x9e: {  	_ =	swait.ge [sflag:s22], s20  }
0x9f: {  	s3 =	ssub.s32 $0x0, s20;
	[sflag:s22] =	ssyncset.done $0x0  }
0xa0: {  	[sflag:s22] =	ssyncadd.s32 s3;
	_ =	sdelay $0x1  }
0xa1: {  	s23 =	simm.s32 $0x1B8B  }
0xa2: {  	_ =	swait.ge [sflag:s23], $0x1  }
0xa3: {  	[sflag:s23] =	ssyncset.done $0x0  }
0xa4: {  	s25 =	simm.s32 $0x1B8E;
	s24 =	sld [smem:$0x3FFE];
	[sflag:s23] =	ssyncadd.s32 $0xFFFFFFFF  }
0xa5: {  	s26 =	simm.s32 $execute0_lowered;
	[smem:$0x3FD2] =	sst s25  }
0xa6: {  	s4 =	sshll.u32 s26, $0x1;
	_ =	strace $0x80000046;
	[dreg:$0x1] =	wrdreg $0xFFFFFFFF  }
0xa7: {  	s28 =	simm.s32 $_size_execute0_lowered;
	s2 =	sadd.s32 s2, s4;
	[dreg:$0x0] =	wrdreg $0x0  }
0xa8: {  	s4 =	sshll.u32 s28, $0x1;
	[dreg:$0x2] =	wrdreg s2  }
0xa9: {  	[dreg:$0x3] =	wrdreg s4  }
0xaa: {  	[dreg:$0x4] =	wrdreg $0xC0  }
0xab: {  	_ =	task [dreg:s6], $0x5FFFF  }
0xac: {  	[dreg:$0x1] =	wrdreg $0xFFFFFFFF  }
0xad: {  	[dreg:$0x0] =	wrdreg $0x60  }
0xae: {  	[dreg:$0x2] =	wrdreg s24  }
0xaf: {  	[dreg:$0x3] =	wrdreg $0x50000  }
0xb0: {  	[dreg:$0x4] =	wrdreg $0x9  }
0xb1: {  	_ =	task.clear_ibuf [dreg:s6], $0x5FFFF;
	_ =	strace $0x90000046  }
0xb2: {  	s29 =	simm.s32 $0x9;
	_ =	strace $0x80000048  }
0xb3: {  	_ =	swait.ge [sflag:s29], $0x1  }
0xb4: {  	[sflag:s29] =	ssyncadd.s32 $0xFFFFFFFF  }
0xb5: {  	_ =	strace $0x90000048  }
0xb6: {  	_ =	sfence  }
0xb7: {  	s30 =	sld [smem:$0x0];
	_ =	sdelay $0x2  }
0xb8: {  	s31 =	sshll.u32 s1, $0xD;
	s1 =	sshrl.u32 s1, $0x2  }
0xb9: {  	s3 =	sand.u32 $0x4000, s31;
	s1 =	sadd.s32 s1, s30  }
0xba: {  	s0 =	sor.u32 s3, s0;
	s1 =	sshll.u32 s1, $0x11  }
0xbb: {  	s0 =	sor.u32 s1, s0  }
0xbc: {  	s0 =	sadd.s32 $0x8F2B, s0  }
0xbd: {  	[sflag:s0] =	ssyncadd.remote.s32 $0x1  }
0xbe: {  	_ =	sfence.sel $0xFFFF  }
0xbf: {  	[dreg:$0x0] =	wrdreg $0xFFFFFFFF;
	(pc) =	sbr.abs _section_cstart, $3  }
0xc0: {  	[dreg:$0x1] =	wrdreg $0xFFFFFFFF  }
0xc1: {  	_ =	task.clear_ibuf [dreg:s6], $0x2FFFF;
	_ =	strace $0x9FFFFFFF  }
0xc2: {  	(tm) =	ssettm $0x7FFFFFFF  }
0xc3: {  	_ =	shalt  }
tec
execute0_lowered:
.L_overlay_start_1:
0x0: {  	(tag) =	ssettag $0x1  }
0x1: {  	s0 =	srdreg.scid;
	s4 =	rddreg [dreg:$0x0]  }
0x2: {  	s6 =	stileid.u32;
	s1 =	rddreg [dreg:$0x1];
	s2 =	simm.s32 $0x0  }
0x3: {  	s9 =	simm.s32 $0x2800;
	s10 =	simm.s32 $0x1;
	s3 =	sand.u32 $0x1, s0  }
0x4: {  	s12 =	simm.s32 $0x0;
	s0 =	rddreg [dreg:$0x2];
	s5 =	sshll.u32 s3, $0x4  }
0x5: {  	[smem:$0x7FF] =	sst s2;
	p0 =	sne.s32 s6, $0x0;
	s7 =	sor.u32 s6, s5  }
0x6: {  	_ =	strace $0x80000047;
	s3 =	ssub.s32 $0x2, s3;
	s7 =	smul.u32 $0x2800, s7  }
0x7: {  	s11 =	sshrl.u32 @!p0 s1, $0x3;
	s5 =	sadd.s32 s5, s4;
	s8 =	sshrl.u32 s3, $0x1  }
0x8: {  	s6 =	simm.s32 $0x2;
	s31 =	ssub.s32 s3, s8;
	s7 =	sshrl.u32 s7, $0x3  }
0x9: {  	s8 =	simm.s32 $0x7D;
	s4 =	sadd.s32 s4, s7;
	s7 =	simm.s32 $0x2880  }
0xa: {  	v0 =	vimm.f32 $1.000000000e+00;
	v1 =	vimm.f32 $0.0e+00;
	s3 =	sadd.s32 $0xE000, s4;
	s4 =	sadd.s32 $0x18000, s5;
	s5 =	smax.u32 s31, $0x1  }
.LBB2_1:
0xb: {  	[tilespmem:s2], [sflag:$0x2] =	stream.linear.gather [hbm4b:s3+s2], $0x2800, $0x38;
	[tilespmem:$0x5278] =	vst v63  }
0xc: {  	_ =	swait.ge [sflag:s6], $0x2800  }
0xd: {  	[sflag:s6] =	ssyncset.done $0x0  }
0xe: {  	[sflag:s6] =	ssyncadd.s32 $0xFFFFD800  }
0xf: {  	[tilespmem:$0x2800] =	vst v0  }
0x10: {  	[tilespmem:$0x2810] =	vst v0  }
0x11: {  	[tilespmem:$0x2820] =	vst v0  }
.Ltmp0:
0x12: {  	[tilespmem:$0x2830] =	vst v0;
	(pc) =	sbr.rel @p0 .LBB2_5-.Ltmp0, $4  }
0x13: {  	[tilespmem:$0x2840] =	vst v0  }
0x14: {  	[tilespmem:$0x2850] =	vst v0  }
0x15: {  	[tilespmem:$0x2860] =	vst v0  }
0x16: {  	[tilespmem:$0x286D] =	vst v0  }
0x17: {  	s13 =	simm.s32 $0x40;
	s14 =	simm.s32 $0x0  }
.LBB2_3:
0x18: {  	p1 =	sne.s32 s13, $0x9C00;
	[tilespmem:s14+$0x2880] =	vst v1;
	s14 =	smov.u32 s13;
	s13 =	sadd.s32 $0x40, s13  }
.Ltmp1:
0x19: {  	(pc) =	sbr.rel @p1 .LBB2_3-.Ltmp1, $2  }
0x1a: {  	_ =	sdelay $0x2  }
0x1b: {  	s14 =	sshra.s32 s14, $0x2  }
0x1c: {  	[tilespmem:s14+$0x2880] =	vst v1  }
0x1d: {  	[spmem:s1] =	stream.linear.scatter [tilespmem:s7], [sflag:$0x2], $0x2780, $0x38;
	[tilespmem:$0x5278] =	vst v63  }
0x1e: {  	_ =	swait.ge [sflag:s6], $0x2780  }
0x1f: {  	[sflag:s6] =	ssyncset.done $0x0  }
0x20: {  	[sflag:s6] =	ssyncadd.s32 $0xFFFFD880  }
.LBB2_5:
0x21: {  	[bflag:$0x0] =	sbarrier.arrive $0xFFFF;
	s13 =	simm.s32 $0x0  }
0x22: {  	[spmem:s1] =	stream.indirect.scatter.add.f32 [tilespmem:s9], [sflag:$0x1], $0x1, s13, s8, $0xb8;
	[tilespmem:$0x5278] =	vst v63  }
0x23: {  	s16 =	simm.s32 $0x80  }
0x24: {  	[spmem:s1] =	stream.indirect.scatter.add.f32 [tilespmem:s9], [sflag:$0x1], $0x1, s16, s8, $0xb8;
	[tilespmem:$0x5278] =	vst v63  }
0x25: {  	s17 =	simm.s32 $0x100  }
0x26: {  	[spmem:s1] =	stream.indirect.scatter.add.f32 [tilespmem:s9], [sflag:$0x1], $0x1, s17, s8, $0xb8;
	[tilespmem:$0x5278] =	vst v63  }
0x27: {  	s18 =	simm.s32 $0x180  }
0x28: {  	[spmem:s1] =	stream.indirect.scatter.add.f32 [tilespmem:s9], [sflag:$0x1], $0x1, s18, s8, $0xb8;
	[tilespmem:$0x5278] =	vst v63  }
0x29: {  	s19 =	simm.s32 $0x200  }
0x2a: {  	[spmem:s1] =	stream.indirect.scatter.add.f32 [tilespmem:s9], [sflag:$0x1], $0x1, s19, s8, $0xb8;
	[tilespmem:$0x5278] =	vst v63  }
0x2b: {  	s20 =	simm.s32 $0x280  }
0x2c: {  	[spmem:s1] =	stream.indirect.scatter.add.f32 [tilespmem:s9], [sflag:$0x1], $0x1, s20, s8, $0xb8;
	[tilespmem:$0x5278] =	vst v63  }
0x2d: {  	s21 =	simm.s32 $0x300  }
0x2e: {  	[spmem:s1] =	stream.indirect.scatter.add.f32 [tilespmem:s9], [sflag:$0x1], $0x1, s21, s8, $0xb8;
	[tilespmem:$0x5278] =	vst v63  }
0x2f: {  	s22 =	simm.s32 $0x380  }
0x30: {  	[spmem:s1] =	stream.indirect.scatter.add.f32 [tilespmem:s9], [sflag:$0x1], $0x1, s22, s8, $0xb8;
	[tilespmem:$0x5278] =	vst v63  }
0x31: {  	_ =	swait.ge [sflag:s10], $0x7D  }
0x32: {  	[sflag:s10] =	ssyncset.done $0x0  }
0x33: {  	[sflag:s10] =	ssyncadd.s32 $0xFFFFFF83  }
0x34: {  	_ =	swait.ge [sflag:s10], $0x7D  }
0x35: {  	[sflag:s10] =	ssyncset.done $0x0  }
0x36: {  	[sflag:s10] =	ssyncadd.s32 $0xFFFFFF83  }
0x37: {  	_ =	swait.ge [sflag:s10], $0x7D  }
0x38: {  	[sflag:s10] =	ssyncset.done $0x0  }
0x39: {  	[sflag:s10] =	ssyncadd.s32 $0xFFFFFF83  }
0x3a: {  	_ =	swait.ge [sflag:s10], $0x7D  }
0x3b: {  	[sflag:s10] =	ssyncset.done $0x0  }
0x3c: {  	[sflag:s10] =	ssyncadd.s32 $0xFFFFFF83  }
0x3d: {  	_ =	swait.ge [sflag:s10], $0x7D  }
0x3e: {  	[sflag:s10] =	ssyncset.done $0x0  }
0x3f: {  	[sflag:s10] =	ssyncadd.s32 $0xFFFFFF83  }
0x40: {  	_ =	swait.ge [sflag:s10], $0x7D  }
0x41: {  	[sflag:s10] =	ssyncset.done $0x0  }
0x42: {  	[sflag:s10] =	ssyncadd.s32 $0xFFFFFF83  }
0x43: {  	_ =	swait.ge [sflag:s10], $0x7D  }
0x44: {  	[sflag:s10] =	ssyncset.done $0x0  }
0x45: {  	[sflag:s10] =	ssyncadd.s32 $0xFFFFFF83  }
0x46: {  	_ =	swait.ge [sflag:s10], $0x7D  }
0x47: {  	[sflag:s10] =	ssyncset.done $0x0  }
0x48: {  	s23 =	simm.s32 $0x400;
	[sflag:s10] =	ssyncadd.s32 $0xFFFFFF83  }
0x49: {  	[spmem:s1] =	stream.indirect.scatter.add.f32 [tilespmem:s9], [sflag:$0x1], $0x1, s23, s8, $0xb8;
	[tilespmem:$0x5278] =	vst v63  }
0x4a: {  	s24 =	simm.s32 $0x480  }
0x4b: {  	[spmem:s1] =	stream.indirect.scatter.add.f32 [tilespmem:s9], [sflag:$0x1], $0x1, s24, s8, $0xb8;
	[tilespmem:$0x5278] =	vst v63  }
0x4c: {  	s25 =	simm.s32 $0x500  }
0x4d: {  	[spmem:s1] =	stream.indirect.scatter.add.f32 [tilespmem:s9], [sflag:$0x1], $0x1, s25, s8, $0xb8;
	[tilespmem:$0x5278] =	vst v63  }
0x4e: {  	s26 =	simm.s32 $0x580  }
0x4f: {  	[spmem:s1] =	stream.indirect.scatter.add.f32 [tilespmem:s9], [sflag:$0x1], $0x1, s26, s8, $0xb8;
	[tilespmem:$0x5278] =	vst v63  }
0x50: {  	s28 =	simm.s32 $0x600  }
0x51: {  	[spmem:s1] =	stream.indirect.scatter.add.f32 [tilespmem:s9], [sflag:$0x1], $0x1, s28, s8, $0xb8;
	[tilespmem:$0x5278] =	vst v63  }
0x52: {  	s29 =	simm.s32 $0x680  }
0x53: {  	[spmem:s1] =	stream.indirect.scatter.add.f32 [tilespmem:s9], [sflag:$0x1], $0x1, s29, s8, $0xb8;
	[tilespmem:$0x5278] =	vst v63  }
0x54: {  	s30 =	simm.s32 $0x700  }
0x55: {  	[spmem:s1] =	stream.indirect.scatter.add.f32 [tilespmem:s9], [sflag:$0x1], $0x1, s30, s8, $0xb8;
	[tilespmem:$0x5278] =	vst v63  }
0x56: {  	s31 =	simm.s32 $0x780  }
0x57: {  	[spmem:s1] =	stream.indirect.scatter.add.f32 [tilespmem:s9], [sflag:$0x1], $0x1, s31, s8, $0xb8;
	[tilespmem:$0x5278] =	vst v63  }
0x58: {  	_ =	swait.ge [sflag:s10], $0x7D  }
0x59: {  	[sflag:s10] =	ssyncset.done $0x0  }
0x5a: {  	[sflag:s10] =	ssyncadd.s32 $0xFFFFFF83  }
0x5b: {  	_ =	swait.ge [sflag:s10], $0x7D  }
0x5c: {  	[sflag:s10] =	ssyncset.done $0x0  }
0x5d: {  	[sflag:s10] =	ssyncadd.s32 $0xFFFFFF83  }
0x5e: {  	_ =	swait.ge [sflag:s10], $0x7D  }
0x5f: {  	[sflag:s10] =	ssyncset.done $0x0  }
0x60: {  	[sflag:s10] =	ssyncadd.s32 $0xFFFFFF83  }
0x61: {  	_ =	swait.ge [sflag:s10], $0x7D  }
0x62: {  	[sflag:s10] =	ssyncset.done $0x0  }
0x63: {  	[sflag:s10] =	ssyncadd.s32 $0xFFFFFF83  }
0x64: {  	_ =	swait.ge [sflag:s10], $0x7D  }
0x65: {  	[sflag:s10] =	ssyncset.done $0x0  }
0x66: {  	[sflag:s10] =	ssyncadd.s32 $0xFFFFFF83  }
0x67: {  	_ =	swait.ge [sflag:s10], $0x7D  }
0x68: {  	[sflag:s10] =	ssyncset.done $0x0  }
0x69: {  	[sflag:s10] =	ssyncadd.s32 $0xFFFFFF83  }
0x6a: {  	_ =	swait.ge [sflag:s10], $0x7D  }
0x6b: {  	[sflag:s10] =	ssyncset.done $0x0  }
0x6c: {  	[sflag:s10] =	ssyncadd.s32 $0xFFFFFF83  }
0x6d: {  	_ =	swait.ge [sflag:s10], $0x7D  }
0x6e: {  	s13 =	simm.s32 $0x2000;
	s16 =	simm.s32 $0x4000;
	[sflag:s10] =	ssyncset.done $0x0  }
.LBB2_6:
0x6f: {  	s15 =	sshra.s32 s13, $0x2  }
0x70: {  	[sflag:s10] =	ssyncadd.s32 $0xFFFFFF83;
	s13 =	smov.u32 s16;
	s14 =	sadd.s32 $0x2000, s16  }
0x71: {  	[spmem:s1] =	stream.indirect.scatter.add.f32 [tilespmem:s9], [sflag:$0x1], $0x1, s15, s8, $0xb8;
	[tilespmem:$0x5278] =	vst v63  }
0x72: {  	p1 =	sne.s32 s16, $0x8000;
	s16 =	sadd.s32 $0x80, s15  }
0x73: {  	[spmem:s1] =	stream.indirect.scatter.add.f32 [tilespmem:s9], [sflag:$0x1], $0x1, s16, s8, $0xb8;
	[tilespmem:$0x5278] =	vst v63  }
0x74: {  	s16 =	sadd.s32 $0x100, s15  }
0x75: {  	[spmem:s1] =	stream.indirect.scatter.add.f32 [tilespmem:s9], [sflag:$0x1], $0x1, s16, s8, $0xb8;
	[tilespmem:$0x5278] =	vst v63  }
0x76: {  	s16 =	sadd.s32 $0x180, s15  }
0x77: {  	[spmem:s1] =	stream.indirect.scatter.add.f32 [tilespmem:s9], [sflag:$0x1], $0x1, s16, s8, $0xb8;
	[tilespmem:$0x5278] =	vst v63  }
0x78: {  	s16 =	sadd.s32 $0x200, s15  }
0x79: {  	[spmem:s1] =	stream.indirect.scatter.add.f32 [tilespmem:s9], [sflag:$0x1], $0x1, s16, s8, $0xb8;
	[tilespmem:$0x5278] =	vst v63  }
0x7a: {  	s16 =	sadd.s32 $0x280, s15  }
0x7b: {  	[spmem:s1] =	stream.indirect.scatter.add.f32 [tilespmem:s9], [sflag:$0x1], $0x1, s16, s8, $0xb8;
	[tilespmem:$0x5278] =	vst v63  }
0x7c: {  	s16 =	sadd.s32 $0x300, s15  }
0x7d: {  	[spmem:s1] =	stream.indirect.scatter.add.f32 [tilespmem:s9], [sflag:$0x1], $0x1, s16, s8, $0xb8;
	[tilespmem:$0x5278] =	vst v63  }
0x7e: {  	s16 =	sadd.s32 $0x380, s15  }
0x7f: {  	[spmem:s1] =	stream.indirect.scatter.add.f32 [tilespmem:s9], [sflag:$0x1], $0x1, s16, s8, $0xb8;
	[tilespmem:$0x5278] =	vst v63  }
0x80: {  	_ =	swait.ge [sflag:s10], $0x7D  }
0x81: {  	[sflag:s10] =	ssyncset.done $0x0  }
0x82: {  	[sflag:s10] =	ssyncadd.s32 $0xFFFFFF83  }
0x83: {  	_ =	swait.ge [sflag:s10], $0x7D  }
0x84: {  	[sflag:s10] =	ssyncset.done $0x0  }
0x85: {  	[sflag:s10] =	ssyncadd.s32 $0xFFFFFF83  }
0x86: {  	_ =	swait.ge [sflag:s10], $0x7D  }
0x87: {  	[sflag:s10] =	ssyncset.done $0x0  }
0x88: {  	[sflag:s10] =	ssyncadd.s32 $0xFFFFFF83  }
0x89: {  	_ =	swait.ge [sflag:s10], $0x7D  }
0x8a: {  	[sflag:s10] =	ssyncset.done $0x0  }
0x8b: {  	[sflag:s10] =	ssyncadd.s32 $0xFFFFFF83  }
0x8c: {  	_ =	swait.ge [sflag:s10], $0x7D  }
0x8d: {  	[sflag:s10] =	ssyncset.done $0x0  }
0x8e: {  	[sflag:s10] =	ssyncadd.s32 $0xFFFFFF83  }
0x8f: {  	_ =	swait.ge [sflag:s10], $0x7D  }
0x90: {  	[sflag:s10] =	ssyncset.done $0x0  }
0x91: {  	[sflag:s10] =	ssyncadd.s32 $0xFFFFFF83  }
0x92: {  	_ =	swait.ge [sflag:s10], $0x7D  }
0x93: {  	[sflag:s10] =	ssyncset.done $0x0  }
0x94: {  	[sflag:s10] =	ssyncadd.s32 $0xFFFFFF83  }
0x95: {  	_ =	swait.ge [sflag:s10], $0x7D  }
0x96: {  	[sflag:s10] =	ssyncset.done $0x0  }
0x97: {  	s16 =	sadd.s32 $0x400, s15;
	[sflag:s10] =	ssyncadd.s32 $0xFFFFFF83  }
0x98: {  	[spmem:s1] =	stream.indirect.scatter.add.f32 [tilespmem:s9], [sflag:$0x1], $0x1, s16, s8, $0xb8;
	[tilespmem:$0x5278] =	vst v63  }
0x99: {  	s16 =	sadd.s32 $0x480, s15  }
0x9a: {  	[spmem:s1] =	stream.indirect.scatter.add.f32 [tilespmem:s9], [sflag:$0x1], $0x1, s16, s8, $0xb8;
	[tilespmem:$0x5278] =	vst v63  }
0x9b: {  	s16 =	sadd.s32 $0x500, s15  }
0x9c: {  	[spmem:s1] =	stream.indirect.scatter.add.f32 [tilespmem:s9], [sflag:$0x1], $0x1, s16, s8, $0xb8;
	[tilespmem:$0x5278] =	vst v63  }
0x9d: {  	s16 =	sadd.s32 $0x580, s15  }
0x9e: {  	[spmem:s1] =	stream.indirect.scatter.add.f32 [tilespmem:s9], [sflag:$0x1], $0x1, s16, s8, $0xb8;
	[tilespmem:$0x5278] =	vst v63  }
0x9f: {  	s16 =	sadd.s32 $0x600, s15  }
0xa0: {  	[spmem:s1] =	stream.indirect.scatter.add.f32 [tilespmem:s9], [sflag:$0x1], $0x1, s16, s8, $0xb8;
	[tilespmem:$0x5278] =	vst v63  }
0xa1: {  	s16 =	sadd.s32 $0x680, s15  }
0xa2: {  	[spmem:s1] =	stream.indirect.scatter.add.f32 [tilespmem:s9], [sflag:$0x1], $0x1, s16, s8, $0xb8;
	[tilespmem:$0x5278] =	vst v63  }
0xa3: {  	s16 =	sadd.s32 $0x700, s15  }
0xa4: {  	[spmem:s1] =	stream.indirect.scatter.add.f32 [tilespmem:s9], [sflag:$0x1], $0x1, s16, s8, $0xb8;
	[tilespmem:$0x5278] =	vst v63  }
0xa5: {  	s15 =	sadd.s32 $0x780, s15  }
0xa6: {  	[spmem:s1] =	stream.indirect.scatter.add.f32 [tilespmem:s9], [sflag:$0x1], $0x1, s15, s8, $0xb8;
	[tilespmem:$0x5278] =	vst v63  }
0xa7: {  	_ =	swait.ge [sflag:s10], $0x7D  }
0xa8: {  	[sflag:s10] =	ssyncset.done $0x0  }
0xa9: {  	[sflag:s10] =	ssyncadd.s32 $0xFFFFFF83  }
0xaa: {  	_ =	swait.ge [sflag:s10], $0x7D  }
0xab: {  	[sflag:s10] =	ssyncset.done $0x0  }
0xac: {  	[sflag:s10] =	ssyncadd.s32 $0xFFFFFF83  }
0xad: {  	_ =	swait.ge [sflag:s10], $0x7D  }
0xae: {  	[sflag:s10] =	ssyncset.done $0x0  }
0xaf: {  	[sflag:s10] =	ssyncadd.s32 $0xFFFFFF83  }
0xb0: {  	_ =	swait.ge [sflag:s10], $0x7D  }
0xb1: {  	[sflag:s10] =	ssyncset.done $0x0  }
0xb2: {  	[sflag:s10] =	ssyncadd.s32 $0xFFFFFF83  }
0xb3: {  	_ =	swait.ge [sflag:s10], $0x7D  }
0xb4: {  	[sflag:s10] =	ssyncset.done $0x0  }
0xb5: {  	[sflag:s10] =	ssyncadd.s32 $0xFFFFFF83  }
0xb6: {  	_ =	swait.ge [sflag:s10], $0x7D  }
0xb7: {  	[sflag:s10] =	ssyncset.done $0x0  }
0xb8: {  	[sflag:s10] =	ssyncadd.s32 $0xFFFFFF83  }
.Ltmp2:
0xb9: {  	_ =	swait.ge [sflag:s10], $0x7D;
	(pc) =	sbr.rel @p1 .LBB2_6-.Ltmp2, $4  }
0xba: {  	[sflag:s10] =	ssyncset.done $0x0  }
0xbb: {  	[sflag:s10] =	ssyncadd.s32 $0xFFFFFF83  }
0xbc: {  	_ =	swait.ge [sflag:s10], $0x7D  }
0xbd: {  	s16 =	smov.u32 s14;
	[sflag:s10] =	ssyncset.done $0x0  }
0xbe: {  	s13 =	sshra.s32 s13, $0x2;
	[sflag:s10] =	ssyncadd.s32 $0xFFFFFF83  }
0xbf: {  	[spmem:s1] =	stream.indirect.scatter.add.f32 [tilespmem:s9], [sflag:$0x1], $0x1, s13, s8, $0xb8;
	[tilespmem:$0x5278] =	vst v63  }
0xc0: {  	s14 =	sadd.s32 $0x80, s13  }
0xc1: {  	[spmem:s1] =	stream.indirect.scatter.add.f32 [tilespmem:s9], [sflag:$0x1], $0x1, s14, s8, $0xb8;
	[tilespmem:$0x5278] =	vst v63  }
0xc2: {  	s18 =	sadd.s32 $0x100, s13  }
0xc3: {  	[spmem:s1] =	stream.indirect.scatter.add.f32 [tilespmem:s9], [sflag:$0x1], $0x1, s18, s8, $0xb8;
	[tilespmem:$0x5278] =	vst v63  }
0xc4: {  	s19 =	sadd.s32 $0x180, s13  }
0xc5: {  	[spmem:s1] =	stream.indirect.scatter.add.f32 [tilespmem:s9], [sflag:$0x1], $0x1, s19, s8, $0xb8;
	[tilespmem:$0x5278] =	vst v63  }
0xc6: {  	s20 =	sadd.s32 $0x200, s13  }
0xc7: {  	[spmem:s1] =	stream.indirect.scatter.add.f32 [tilespmem:s9], [sflag:$0x1], $0x1, s20, s8, $0xb8;
	[tilespmem:$0x5278] =	vst v63  }
0xc8: {  	s21 =	sadd.s32 $0x280, s13  }
0xc9: {  	[spmem:s1] =	stream.indirect.scatter.add.f32 [tilespmem:s9], [sflag:$0x1], $0x1, s21, s8, $0xb8;
	[tilespmem:$0x5278] =	vst v63  }
0xca: {  	s22 =	sadd.s32 $0x300, s13  }
0xcb: {  	[spmem:s1] =	stream.indirect.scatter.add.f32 [tilespmem:s9], [sflag:$0x1], $0x1, s22, s8, $0xb8;
	[tilespmem:$0x5278] =	vst v63  }
0xcc: {  	s23 =	sadd.s32 $0x380, s13  }
0xcd: {  	[spmem:s1] =	stream.indirect.scatter.add.f32 [tilespmem:s9], [sflag:$0x1], $0x1, s23, s8, $0xb8;
	[tilespmem:$0x5278] =	vst v63  }
0xce: {  	_ =	swait.ge [sflag:s10], $0x7D  }
0xcf: {  	[sflag:s10] =	ssyncset.done $0x0  }
0xd0: {  	[sflag:s10] =	ssyncadd.s32 $0xFFFFFF83  }
0xd1: {  	_ =	swait.ge [sflag:s10], $0x7D  }
0xd2: {  	[sflag:s10] =	ssyncset.done $0x0  }
0xd3: {  	[sflag:s10] =	ssyncadd.s32 $0xFFFFFF83  }
0xd4: {  	_ =	swait.ge [sflag:s10], $0x7D  }
0xd5: {  	[sflag:s10] =	ssyncset.done $0x0  }
0xd6: {  	[sflag:s10] =	ssyncadd.s32 $0xFFFFFF83  }
0xd7: {  	_ =	swait.ge [sflag:s10], $0x7D  }
0xd8: {  	[sflag:s10] =	ssyncset.done $0x0  }
0xd9: {  	[sflag:s10] =	ssyncadd.s32 $0xFFFFFF83  }
0xda: {  	_ =	swait.ge [sflag:s10], $0x7D  }
0xdb: {  	[sflag:s10] =	ssyncset.done $0x0  }
0xdc: {  	[sflag:s10] =	ssyncadd.s32 $0xFFFFFF83  }
0xdd: {  	_ =	swait.ge [sflag:s10], $0x7D  }
0xde: {  	[sflag:s10] =	ssyncset.done $0x0  }
0xdf: {  	[sflag:s10] =	ssyncadd.s32 $0xFFFFFF83  }
0xe0: {  	_ =	swait.ge [sflag:s10], $0x7D  }
0xe1: {  	[sflag:s10] =	ssyncset.done $0x0  }
0xe2: {  	[sflag:s10] =	ssyncadd.s32 $0xFFFFFF83  }
0xe3: {  	_ =	swait.ge [sflag:s10], $0x7D  }
0xe4: {  	[sflag:s10] =	ssyncset.done $0x0  }
0xe5: {  	s24 =	sadd.s32 $0x400, s13;
	[sflag:s10] =	ssyncadd.s32 $0xFFFFFF83  }
0xe6: {  	[spmem:s1] =	stream.indirect.scatter.add.f32 [tilespmem:s9], [sflag:$0x1], $0x1, s24, s8, $0xb8;
	[tilespmem:$0x5278] =	vst v63  }
0xe7: {  	s25 =	sadd.s32 $0x480, s13  }
0xe8: {  	[spmem:s1] =	stream.indirect.scatter.add.f32 [tilespmem:s9], [sflag:$0x1], $0x1, s25, s8, $0xb8;
	[tilespmem:$0x5278] =	vst v63  }
0xe9: {  	s26 =	sadd.s32 $0x500, s13  }
0xea: {  	[spmem:s1] =	stream.indirect.scatter.add.f32 [tilespmem:s9], [sflag:$0x1], $0x1, s26, s8, $0xb8;
	[tilespmem:$0x5278] =	vst v63  }
0xeb: {  	s28 =	sadd.s32 $0x580, s13  }
0xec: {  	[spmem:s1] =	stream.indirect.scatter.add.f32 [tilespmem:s9], [sflag:$0x1], $0x1, s28, s8, $0xb8;
	[tilespmem:$0x5278] =	vst v63  }
0xed: {  	s29 =	sadd.s32 $0x600, s13  }
0xee: {  	[spmem:s1] =	stream.indirect.scatter.add.f32 [tilespmem:s9], [sflag:$0x1], $0x1, s29, s8, $0xb8;
	[tilespmem:$0x5278] =	vst v63  }
0xef: {  	s30 =	sadd.s32 $0x680, s13  }
0xf0: {  	[spmem:s1] =	stream.indirect.scatter.add.f32 [tilespmem:s9], [sflag:$0x1], $0x1, s30, s8, $0xb8;
	[tilespmem:$0x5278] =	vst v63  }
0xf1: {  	s31 =	sadd.s32 $0x700, s13  }
0xf2: {  	[spmem:s1] =	stream.indirect.scatter.add.f32 [tilespmem:s9], [sflag:$0x1], $0x1, s31, s8, $0xb8;
	[tilespmem:$0x5278] =	vst v63  }
0xf3: {  	s13 =	sadd.s32 $0x780, s13  }
0xf4: {  	[spmem:s1] =	stream.indirect.scatter.add.f32 [tilespmem:s9], [sflag:$0x1], $0x1, s13, s8, $0xb8;
	[tilespmem:$0x5278] =	vst v63  }
0xf5: {  	_ =	swait.ge [sflag:s10], $0x7D  }
0xf6: {  	[sflag:s10] =	ssyncset.done $0x0  }
0xf7: {  	[sflag:s10] =	ssyncadd.s32 $0xFFFFFF83  }
0xf8: {  	_ =	swait.ge [sflag:s10], $0x7D  }
0xf9: {  	[sflag:s10] =	ssyncset.done $0x0  }
0xfa: {  	[sflag:s10] =	ssyncadd.s32 $0xFFFFFF83  }
0xfb: {  	_ =	swait.ge [sflag:s10], $0x7D  }
0xfc: {  	[sflag:s10] =	ssyncset.done $0x0  }
0xfd: {  	[sflag:s10] =	ssyncadd.s32 $0xFFFFFF83  }
0xfe: {  	_ =	swait.ge [sflag:s10], $0x7D  }
0xff: {  	[sflag:s10] =	ssyncset.done $0x0  }
0x100: {  	[sflag:s10] =	ssyncadd.s32 $0xFFFFFF83  }
0x101: {  	_ =	swait.ge [sflag:s10], $0x7D  }
0x102: {  	[sflag:s10] =	ssyncset.done $0x0  }
0x103: {  	[sflag:s10] =	ssyncadd.s32 $0xFFFFFF83  }
0x104: {  	_ =	swait.ge [sflag:s10], $0x7D  }
0x105: {  	[sflag:s10] =	ssyncset.done $0x0  }
0x106: {  	[sflag:s10] =	ssyncadd.s32 $0xFFFFFF83  }
0x107: {  	_ =	swait.ge [sflag:s10], $0x7D  }
0x108: {  	[sflag:s10] =	ssyncset.done $0x0  }
0x109: {  	[sflag:s10] =	ssyncadd.s32 $0xFFFFFF83  }
0x10a: {  	_ =	swait.ge [sflag:s10], $0x7D  }
0x10b: {  	s15 =	simm.s32 @!p0 $0x10;
	s12 =	sadd.s32 $0x1, s12;
	[sflag:s10] =	ssyncset.done $0x0  }
0x10c: {  	s16 =	simm.s32 @!p0 $0x1C02;
	p1 =	sne.s32 s12, s5;
	[sflag:s10] =	ssyncadd.s32 $0xFFFFFF83  }
0x10d: {  	s14 =	simm.s32 @!p0 $0x20;
	s13 =	simm.s32 @!p0 $0x1;
	[bflag:$0x0] =	sbarrier.arrive $0xFFFF  }
0x10e: {  	[hbm:s4@s14], [sflag:s16] =	dma.strided @!p0 [spmem:s11@s15], $0x4F0, s13, $0x10   }
.Ltmp3:
0x10f: {  	_ = 	snop;
	(pc) =	sbr.rel @p1 .LBB2_1-.Ltmp3, $4  }
0x110: {  	s13 =	simm.s32 @!p0 $0x2  }
0x111: {  	_ =	swait.ge @!p0 [sflag:s13], $0x4F0  }
0x112: {  	[sflag:s13] =	ssyncset.done @!p0 $0x0  }
0x113: {  	[sflag:s13] =	ssyncadd.s32 @!p0 $0xFFFFFB10  }
0x114: {  	_ =	sfence.sel $0x180000  }
0x115: {  	[bflag:$0x0] =	sbarrier.arrive $0xFFFF  }
0x116: {  	_ =	strace $0x90000047  }
0x117: {  	s0 =	sadd.s32 @!p0 $0x100000, s0;
	[bflag:$0x2] =	sbarrier.arrive $0xFFFF  }
0x118: {  	[sflag:s0] =	ssyncadd.tile.s32 @!p0 $0x1;
	_ =	shalt  }
.Lfunc_end2:
_tile_overlayer_lowered:
.L_overlay_start_2:
0x119: {  	(tag) =	ssettag $0x2  }
0x11a: {  	s0 =	rddreg [dreg:$0x0];
	s2 =	stileid.u32  }
0x11b: {  	s1 =	rddreg [dreg:$0x1];
	p0 =	sne.s32 s2, $0x0  }
0x11c: {  	s3 =	rddreg [dreg:$0x2];
	[bflag:$0x3] =	sbarrier.arrive $0xFFFF;
	s2 =	simm.s32 @!p0 $0x1C02  }
0x11d: {  	[timem:s3], [sflag:s2] =	dma.local @!p0 [hbm:s0], s1  }
0x11e: {  	s0 =	simm.s32 @!p0 $0x2  }
0x11f: {  	_ =	swait.ge @!p0 [sflag:s0], s1  }
0x120: {  	s1 =	ssub.s32 @!p0 $0x0, s1;
	[sflag:s0] =	ssyncset.done @!p0 $0x0  }
0x121: {  	[sflag:s0] =	ssyncadd.s32 @!p0 s1  }
0x122: {  	[bflag:$0x3] =	sbarrier.arrive $0xFFFF  }
0x123: {  	_ =	shalt  }

</sc_bundles>
